<compile_context>
chip_gen: v7x
topology: tpu7x:2x2x1
jax: 0.10.2.dev20260603
libtpu: 0.0.44.dev20260713+nightly
codegen_flags: <defaults>
</compile_context>

<pallas_src>
import functools

import jax
import jax.numpy as jnp
from jax import lax
from jax.experimental import pallas as pl
from jax.experimental.pallas import tpu as pltpu
from jax.experimental.pallas import tpu_sc as plsc

_N = 10000
_E = 320000
_D = 128
_NP = 10240
_NC, _NS = 2, 16
_NW = _NC * _NS
_EW = _E // _NW
_CH = 128
_NF = _EW // _CH
_TAIL = _EW - _NF * _CH
_NBUF = 2
_RPS = _NP // _NS
_DPS = _NP // _NS

_mesh = plsc.VectorSubcoreMesh(core_axis_name="c", subcore_axis_name="s")


@functools.partial(
    pl.kernel,
    out_type=(jax.ShapeDtypeStruct((_NC, _NP), jnp.float32),
              jax.ShapeDtypeStruct((_NC, _NP), jnp.float32)),
    mesh=_mesh,
    scratch_types=(
        pltpu.VMEM((_EW,), jnp.int32),
        pltpu.VMEM((_EW,), jnp.int32),
        tuple(pltpu.VMEM((_CH,), jnp.int32) for _ in range(2)),
        tuple(pltpu.VMEM((_CH,), jnp.int32) for _ in range(2)),
        pltpu.VMEM((_TAIL,), jnp.int32),
        pltpu.VMEM((_TAIL,), jnp.int32),
        tuple(pltpu.SemaphoreType.DMA for _ in range(2)),
        tuple(pltpu.SemaphoreType.DMA for _ in range(2)),
        pltpu.VMEM((_CH,), jnp.float32),
        pltpu.VMEM((_DPS,), jnp.float32),
        pltpu.VMEM_SHARED((_NP,), jnp.float32),
        pltpu.VMEM_SHARED((_NP,), jnp.float32),
    ),
)
def _degrees(edge_hbm, outs_hbm, outd_hbm,
             sidx, didx, sidx_b, didx_b, sidx_t, didx_t, ssems, dsems,
             ones_v, zer_v, accs, accd):
    cid = lax.axis_index("c")
    sid = lax.axis_index("s")
    w = sid * _NC + cid
    one = jnp.full((16,), 1.0, jnp.float32)
    zero = jnp.zeros((16,), jnp.float32)
    for j in range(_CH // 16):
        ones_v[pl.ds(16 * j, 16)] = one
    for j in range(_DPS // 16):
        zer_v[pl.ds(16 * j, 16)] = zero
    base = sid * _DPS
    pltpu.sync_copy(zer_v, accs.at[pl.ds(base, _DPS)])
    pltpu.sync_copy(zer_v, accd.at[pl.ds(base, _DPS)])
    pltpu.sync_copy(edge_hbm.at[pl.ds(w * _EW, _EW)], sidx)
    pltpu.sync_copy(edge_hbm.at[pl.ds(_E + w * _EW, _EW)], didx)
    plsc.subcore_barrier()

    def fill_and_scat(j, p):
        for v in range(_CH // 16):
            sl = pl.ds(j * _CH + 16 * v, 16)
            sidx_b[p][pl.ds(16 * v, 16)] = sidx[sl]
            didx_b[p][pl.ds(16 * v, 16)] = didx[sl]
        pltpu.async_copy(ones_v, accs.at[sidx_b[p]], ssems[p], add=True)
        pltpu.async_copy(ones_v, accd.at[didx_b[p]], dsems[p], add=True)

    def ddrain(p):
        pltpu.make_async_copy(ones_v, accs.at[sidx_b[p]], ssems[p]).wait()
        pltpu.make_async_copy(ones_v, accd.at[didx_b[p]], dsems[p]).wait()

    for p in range(2):
        fill_and_scat(p, p)

    def body(m, carry):
        for p in range(2):
            ddrain(p)
            fill_and_scat(2 * m + 2 + p, p)
        return carry

    lax.fori_loop(0, _NF // 2 - 1, body, 0)
    for p in range(2):
        ddrain(p)

    sidx_t[...] = sidx[pl.ds(_NF * _CH, _TAIL)]
    didx_t[...] = didx[pl.ds(_NF * _CH, _TAIL)]
    pltpu.sync_copy(ones_v.at[pl.ds(0, _TAIL)], accs.at[sidx_t], add=True)
    pltpu.sync_copy(ones_v.at[pl.ds(0, _TAIL)], accd.at[didx_t], add=True)

    plsc.subcore_barrier()
    pltpu.sync_copy(accs.at[pl.ds(base, _DPS)],
                    outs_hbm.at[cid, pl.ds(base, _DPS)])
    pltpu.sync_copy(accd.at[pl.ds(base, _DPS)],
                    outd_hbm.at[cid, pl.ds(base, _DPS)])


@functools.partial(
    pl.kernel,
    out_type=jax.ShapeDtypeStruct((_NC, _NP, _D), jnp.float32),
    mesh=_mesh,
    scratch_types=(
        pltpu.VMEM((_EW,), jnp.int32),
        tuple(pltpu.VMEM((_CH,), jnp.int32) for _ in range(_NBUF)),
        pltpu.VMEM((_TAIL,), jnp.int32),
        tuple(pltpu.VMEM((_CH, _D), jnp.float32) for _ in range(_NBUF)),
        tuple(pltpu.SemaphoreType.DMA for _ in range(_NBUF)),
        tuple(pltpu.SemaphoreType.DMA for _ in range(_NBUF)),
        pltpu.SemaphoreType.DMA,
        pltpu.SemaphoreType.DMA,
        pltpu.VMEM_SHARED((_NP, _D), jnp.float32),
    ),
)
def _aggregate(h_hbm, edge_hbm, zeros_hbm, out_hbm,
               sidx, didx_b, didx_t, rows, gsems, isems, lsem, zsem, acc):
    cid = lax.axis_index("c")
    sid = lax.axis_index("s")
    w = sid * _NC + cid
    ebase = w * _EW
    rowbase = sid * _RPS

    zdesc = pltpu.async_copy(zeros_hbm,
                             acc.at[pl.ds(rowbase, _RPS)], zsem)
    ldesc = pltpu.async_copy(edge_hbm.at[pl.ds(ebase, _EW)], sidx, lsem)
    ldesc.wait()

    def start(k, b):
        pltpu.async_copy(edge_hbm.at[pl.ds(_E + ebase + k * _CH, _CH)],
                         didx_b[b], isems[b])
        pltpu.async_copy(h_hbm.at[sidx.at[pl.ds(k * _CH, _CH)]],
                         rows[b], gsems[b])

    def finish(k, b):
        pltpu.make_async_copy(edge_hbm.at[pl.ds(_E + ebase + k * _CH, _CH)],
                              didx_b[b], isems[b]).wait()
        pltpu.make_async_copy(h_hbm.at[sidx.at[pl.ds(k * _CH, _CH)]],
                              rows[b], gsems[b]).wait()
        pltpu.sync_copy(rows[b], acc.at[didx_b[b]], add=True)

    for b in range(_NBUF):
        start(b, b)

    zdesc.wait()
    plsc.subcore_barrier()

    def body(j, carry):
        for b in range(_NBUF):
            k = _NBUF * j + b
            finish(k, b)
            start(k + _NBUF, b)
        return carry

    lax.fori_loop(0, _NF // _NBUF - 1, body, 0)
    for b in range(_NBUF):
        finish(_NF - _NBUF + b, b)

    pltpu.sync_copy(edge_hbm.at[pl.ds(_E + ebase + _NF * _CH, _TAIL)], didx_t)
    pltpu.sync_copy(h_hbm.at[sidx.at[pl.ds(_NF * _CH, _TAIL)]],
                    rows[0].at[pl.ds(0, _TAIL)])
    pltpu.sync_copy(rows[0].at[pl.ds(0, _TAIL)], acc.at[didx_t], add=True)

    plsc.subcore_barrier()
    pltpu.sync_copy(acc.at[pl.ds(rowbase, _RPS)],
                    out_hbm.at[cid, pl.ds(rowbase, _RPS)])


_R = 2000
_G = _N // _R


def _t0_body(x_ref, g_ref, o_ref):
    g = g_ref[...]
    ns = lax.rsqrt(jnp.maximum(g[:, 0:1] + g[:, 1:2], 1.0))
    o_ref[...] = x_ref[...] * ns


_t0 = pl.pallas_call(
    _t0_body,
    grid=(_G,),
    in_specs=[
        pl.BlockSpec((_R, _D), lambda i: (i, 0)),
        pl.BlockSpec((_R, 4), lambda i: (i, 0)),
    ],
    out_specs=pl.BlockSpec((_R, _D), lambda i: (i, 0)),
    out_shape=jax.ShapeDtypeStruct((_N, _D), jnp.float32),
)


def _tmid_body(agg_ref, g_ref, b_ref, a_ref, w_ref, o_ref):
    h = jnp.dot(agg_ref[0] + agg_ref[1], w_ref[...],
                preferred_element_type=jnp.float32)
    g = g_ref[...]
    nd = lax.rsqrt(jnp.maximum(g[:, 2:3] + g[:, 3:4], 1.0))
    h = h * nd + b_ref[...]
    h = jnp.where(h >= 0, h, a_ref[...] * h)
    ns = lax.rsqrt(jnp.maximum(g[:, 0:1] + g[:, 1:2], 1.0))
    o_ref[...] = h * ns


_tmid = pl.pallas_call(
    _tmid_body,
    grid=(_G,),
    in_specs=[
        pl.BlockSpec((_NC, _R, _D), lambda i: (0, i, 0)),
        pl.BlockSpec((_R, 4), lambda i: (i, 0)),
        pl.BlockSpec((1, _D), lambda i: (0, 0)),
        pl.BlockSpec((1, _D), lambda i: (0, 0)),
        pl.BlockSpec((_D, _D), lambda i: (0, 0)),
    ],
    out_specs=pl.BlockSpec((_R, _D), lambda i: (i, 0)),
    out_shape=jax.ShapeDtypeStruct((_N, _D), jnp.float32),
)


def _t3_body(agg_ref, g_ref, b_ref, w_ref, o_ref):
    h = jnp.dot(agg_ref[0] + agg_ref[1], w_ref[...],
                preferred_element_type=jnp.float32)
    g = g_ref[...]
    nd = lax.rsqrt(jnp.maximum(g[:, 2:3] + g[:, 3:4], 1.0))
    o_ref[...] = h * nd + b_ref[...]


_t3 = pl.pallas_call(
    _t3_body,
    grid=(_G,),
    in_specs=[
        pl.BlockSpec((_NC, _R, _D), lambda i: (0, i, 0)),
        pl.BlockSpec((_R, 4), lambda i: (i, 0)),
        pl.BlockSpec((1, _D), lambda i: (0, 0)),
        pl.BlockSpec((_D, _D), lambda i: (0, 0)),
    ],
    out_specs=pl.BlockSpec((_R, _D), lambda i: (i, 0)),
    out_shape=jax.ShapeDtypeStruct((_N, _D), jnp.float32),
)


def kernel(feat, edge_index, W1, b1, a1, W2, b2, a2, W3, b3):
    eflat = edge_index.reshape(2 * _E)
    degS, degD = _degrees(eflat)
    g4 = jnp.stack([degS[0], degS[1], degD[0], degD[1]], axis=1)
    zeros = jnp.zeros((_RPS, _D), jnp.float32)
    b1r, a1r = b1.reshape(1, _D), a1.reshape(1, _D)
    b2r, a2r = b2.reshape(1, _D), a2.reshape(1, _D)
    b3r = b3.reshape(1, _D)

    q = _t0(feat, g4)
    agg = _aggregate(q, eflat, zeros)
    q = _tmid(agg, g4, b1r, a1r, W1)
    agg = _aggregate(q, eflat, zeros)
    q = _tmid(agg, g4, b2r, a2r, W2)
    agg = _aggregate(q, eflat, zeros)
    return _t3(agg, g4, b3r, W3)

# --- scband reference (transcript-rebuilt; emitter-appended) ---
"""Pipeline reference for scband-gcnencoder-37288906064412 (READ-ONLY COPY).

The authoritative reference and input builder live on the scoring server;
editing this copy changes nothing except your own understanding.
"""

import jax, jax.numpy as jnp
import numpy as np

N = 10000
E = 320000
D = 128


def _glorot(key, fan_in, fan_out):
    scale = np.sqrt(2.0 / (fan_in + fan_out))
    return jax.random.normal(key, (fan_in, fan_out), dtype=jnp.float32) * scale


def setup_inputs(seed: int = 0) -> dict:
    key = jax.random.key(seed)
    ks = jax.random.split(key, 12)
    x = jax.random.normal(ks[0], (N, D), dtype=jnp.float32)
    edge_index = jax.random.randint(ks[1], (2, E), 0, N, dtype=jnp.int32)
    W1 = _glorot(ks[2], D, D)
    b1 = jnp.zeros((D,), dtype=jnp.float32)
    a1 = jnp.full((D,), 0.25, dtype=jnp.float32)
    W2 = _glorot(ks[3], D, D)
    b2 = jnp.zeros((D,), dtype=jnp.float32)
    a2 = jnp.full((D,), 0.25, dtype=jnp.float32)
    W3 = _glorot(ks[4], D, D)
    b3 = jnp.zeros((D,), dtype=jnp.float32)
    return {"feat": x, "edge_index": edge_index, "W1": W1, "b1": b1, "a1": a1,
            "W2": W2, "b2": b2, "a2": a2, "W3": W3, "b3": b3}


def _prelu(x, a):
    return jnp.where(x >= 0, x, a[None, :] * x)


def _graph_conv(x, src, dst, W, b):
    # DGL GraphConv with norm='both': D_out^{-1/2} A^T D_in^{-1/2} X W + b
    ones = jnp.ones((src.shape[0],), dtype=x.dtype)
    deg_out = jnp.zeros((N,), dtype=x.dtype).at[src].add(ones)
    deg_in = jnp.zeros((N,), dtype=x.dtype).at[dst].add(ones)
    norm_s = 1.0 / jnp.sqrt(jnp.maximum(deg_out, 1.0))
    norm_d = 1.0 / jnp.sqrt(jnp.maximum(deg_in, 1.0))
    h = x * norm_s[:, None]
    h = h @ W
    msg = jnp.take(h, src, axis=0)                    # gather over edges
    agg = jnp.zeros((N, h.shape[1]), dtype=h.dtype).at[dst].add(msg)  # scatter-add
    return agg * norm_d[:, None] + b[None, :]


def reference(feat, edge_index, W1, b1, a1, W2, b2, a2, W3, b3):
    src = edge_index[0]
    dst = edge_index[1]
    # input layer + PReLU (dropout is identity in eval mode)
    h = _prelu(_graph_conv(feat, src, dst, W1, b1), a1)
    # single hidden layer (n_layers=3 -> n_layers-2 = 1) + PReLU
    h = _prelu(_graph_conv(h, src, dst, W2, b2), a2)
    # output layer, no activation
    h = _graph_conv(h, src, dst, W3, b3)
    return h

if __name__ == "__main__":
    import jax
    _d = setup_inputs()
    print(jax.jit(kernel)(*tuple(_d.values())))

</pallas_src>

<mosaic_0001>
#map = affine_map<(d0, d1) -> (0)>
#map1 = affine_map<(d0, d1) -> (0, 0)>
module attributes {stable_mosaic.version = 14 : i64} {
  func.func @_degrees(%arg0: i32, %arg1: i32, %arg2: memref<640000xi32, #tpu.memory_space<hbm>>, %arg3: memref<2x10240xf32, #tpu.memory_space<hbm>>, %arg4: memref<2x10240xf32, #tpu.memory_space<hbm>>, %arg5: memref<10000xi32, #tpu.memory_space<vmem>>, %arg6: memref<10000xi32, #tpu.memory_space<vmem>>, %arg7: memref<128xi32, #tpu.memory_space<vmem>>, %arg8: memref<128xi32, #tpu.memory_space<vmem>>, %arg9: memref<128xi32, #tpu.memory_space<vmem>>, %arg10: memref<128xi32, #tpu.memory_space<vmem>>, %arg11: memref<16xi32, #tpu.memory_space<vmem>>, %arg12: memref<16xi32, #tpu.memory_space<vmem>>, %arg13: memref<!tpu.dma_semaphore, #tpu.memory_space<semaphore_mem>>, %arg14: memref<!tpu.dma_semaphore, #tpu.memory_space<semaphore_mem>>, %arg15: memref<!tpu.dma_semaphore, #tpu.memory_space<semaphore_mem>>, %arg16: memref<!tpu.dma_semaphore, #tpu.memory_space<semaphore_mem>>, %arg17: memref<128xf32, #tpu.memory_space<vmem>>, %arg18: memref<640xf32, #tpu.memory_space<vmem>>, %arg19: memref<10240xf32, #tpu.memory_space<vmem_shared>>, %arg20: memref<10240xf32, #tpu.memory_space<vmem_shared>>) attributes {dimension_semantics = [#tpu.dimension_semantics<core_parallel>, #tpu.dimension_semantics<subcore_parallel>], iteration_bounds = array<i64: 2, 16>, scalar_prefetch = 0 : i64, scratch_operands = 16 : i64, tpu.core_type = #tpu.core_type<sc_vector_subcore>, window_params = [{transform_indices = #map}, {transform_indices = #map1}, {transform_indices = #map1}]} {
    %mul3A = arith.constant 2 : i32
    %mul3A_0 = arith.muli %arg1, %mul3A : i32
    %add3A = arith.addi %mul3A_0, %arg0 : i32
    %broadcast_in_dim3A = arith.constant 1.000000e+00 : f32
    %broadcast_in_dim3A_1 = vector.broadcast %broadcast_in_dim3A : f32 to vector<16xf32>
    %broadcast_in_dim3A_2 = arith.constant 0.000000e+00 : f32
    %broadcast_in_dim3A_3 = vector.broadcast %broadcast_in_dim3A_2 : f32 to vector<16xf32>
    %swap3A = arith.constant 0 : index
    %swap3A_4 = tpu.vector_load %arg17[%swap3A] {strides = array<i32>} : memref<128xf32, #tpu.memory_space<vmem>>, vector<16xf32>,
    %swap3A_5 = vector.shape_cast %swap3A_4 : vector<16xf32> to vector<16xf32>
    %swap3A_6 = vector.shape_cast %broadcast_in_dim3A_1 : vector<16xf32> to vector<16xf32>
    tpu.vector_store %arg17[%swap3A], %swap3A_6 {strides = array<i32>} : memref<128xf32, #tpu.memory_space<vmem>>, vector<16xf32>,
    %swap3A_7 = arith.constant 16 : index
    %swap3A_8 = tpu.vector_load %arg17[%swap3A_7] {strides = array<i32>} : memref<128xf32, #tpu.memory_space<vmem>>, vector<16xf32>,
    %swap3A_9 = vector.shape_cast %swap3A_8 : vector<16xf32> to vector<16xf32>
    %swap3A_10 = vector.shape_cast %broadcast_in_dim3A_1 : vector<16xf32> to vector<16xf32>
    tpu.vector_store %arg17[%swap3A_7], %swap3A_10 {strides = array<i32>} : memref<128xf32, #tpu.memory_space<vmem>>, vector<16xf32>,
    %swap3A_11 = arith.constant 32 : index
    %swap3A_12 = tpu.vector_load %arg17[%swap3A_11] {strides = array<i32>} : memref<128xf32, #tpu.memory_space<vmem>>, vector<16xf32>,
    %swap3A_13 = vector.shape_cast %swap3A_12 : vector<16xf32> to vector<16xf32>
    %swap3A_14 = vector.shape_cast %broadcast_in_dim3A_1 : vector<16xf32> to vector<16xf32>
    tpu.vector_store %arg17[%swap3A_11], %swap3A_14 {strides = array<i32>} : memref<128xf32, #tpu.memory_space<vmem>>, vector<16xf32>,
    %swap3A_15 = arith.constant 48 : index
    %swap3A_16 = tpu.vector_load %arg17[%swap3A_15] {strides = array<i32>} : memref<128xf32, #tpu.memory_space<vmem>>, vector<16xf32>,
    %swap3A_17 = vector.shape_cast %swap3A_16 : vector<16xf32> to vector<16xf32>
    %swap3A_18 = vector.shape_cast %broadcast_in_dim3A_1 : vector<16xf32> to vector<16xf32>
    tpu.vector_store %arg17[%swap3A_15], %swap3A_18 {strides = array<i32>} : memref<128xf32, #tpu.memory_space<vmem>>, vector<16xf32>,
    %swap3A_19 = arith.constant 64 : index
    %swap3A_20 = tpu.vector_load %arg17[%swap3A_19] {strides = array<i32>} : memref<128xf32, #tpu.memory_space<vmem>>, vector<16xf32>,
    %swap3A_21 = vector.shape_cast %swap3A_20 : vector<16xf32> to vector<16xf32>
    %swap3A_22 = vector.shape_cast %broadcast_in_dim3A_1 : vector<16xf32> to vector<16xf32>
    tpu.vector_store %arg17[%swap3A_19], %swap3A_22 {strides = array<i32>} : memref<128xf32, #tpu.memory_space<vmem>>, vector<16xf32>,
    %swap3A_23 = arith.constant 80 : index
    %swap3A_24 = tpu.vector_load %arg17[%swap3A_23] {strides = array<i32>} : memref<128xf32, #tpu.memory_space<vmem>>, vector<16xf32>,
    %swap3A_25 = vector.shape_cast %swap3A_24 : vector<16xf32> to vector<16xf32>
    %swap3A_26 = vector.shape_cast %broadcast_in_dim3A_1 : vector<16xf32> to vector<16xf32>
    tpu.vector_store %arg17[%swap3A_23], %swap3A_26 {strides = array<i32>} : memref<128xf32, #tpu.memory_space<vmem>>, vector<16xf32>,
    %swap3A_27 = arith.constant 96 : index
    %swap3A_28 = tpu.vector_load %arg17[%swap3A_27] {strides = array<i32>} : memref<128xf32, #tpu.memory_space<vmem>>, vector<16xf32>,
    %swap3A_29 = vector.shape_cast %swap3A_28 : vector<16xf32> to vector<16xf32>
    %swap3A_30 = vector.shape_cast %broadcast_in_dim3A_1 : vector<16xf32> to vector<16xf32>
    tpu.vector_store %arg17[%swap3A_27], %swap3A_30 {strides = array<i32>} : memref<128xf32, #tpu.memory_space<vmem>>, vector<16xf32>,
    %swap3A_31 = arith.constant 112 : index
    %swap3A_32 = tpu.vector_load %arg17[%swap3A_31] {strides = array<i32>} : memref<128xf32, #tpu.memory_space<vmem>>, vector<16xf32>,
    %swap3A_33 = vector.shape_cast %swap3A_32 : vector<16xf32> to vector<16xf32>
    %swap3A_34 = vector.shape_cast %broadcast_in_dim3A_1 : vector<16xf32> to vector<16xf32>
    tpu.vector_store %arg17[%swap3A_31], %swap3A_34 {strides = array<i32>} : memref<128xf32, #tpu.memory_space<vmem>>, vector<16xf32>,
    %swap3A_35 = arith.constant 0 : index
    %swap3A_36 = tpu.vector_load %arg18[%swap3A_35] {strides = array<i32>} : memref<640xf32, #tpu.memory_space<vmem>>, vector<16xf32>,
    %swap3A_37 = vector.shape_cast %swap3A_36 : vector<16xf32> to vector<16xf32>
    %swap3A_38 = vector.shape_cast %broadcast_in_dim3A_3 : vector<16xf32> to vector<16xf32>
    tpu.vector_store %arg18[%swap3A_35], %swap3A_38 {strides = array<i32>} : memref<640xf32, #tpu.memory_space<vmem>>, vector<16xf32>,
    %swap3A_39 = arith.constant 16 : index
    %swap3A_40 = tpu.vector_load %arg18[%swap3A_39] {strides = array<i32>} : memref<640xf32, #tpu.memory_space<vmem>>, vector<16xf32>,
    %swap3A_41 = vector.shape_cast %swap3A_40 : vector<16xf32> to vector<16xf32>
    %swap3A_42 = vector.shape_cast %broadcast_in_dim3A_3 : vector<16xf32> to vector<16xf32>
    tpu.vector_store %arg18[%swap3A_39], %swap3A_42 {strides = array<i32>} : memref<640xf32, #tpu.memory_space<vmem>>, vector<16xf32>,
    %swap3A_43 = arith.constant 32 : index
    %swap3A_44 = tpu.vector_load %arg18[%swap3A_43] {strides = array<i32>} : memref<640xf32, #tpu.memory_space<vmem>>, vector<16xf32>,
    %swap3A_45 = vector.shape_cast %swap3A_44 : vector<16xf32> to vector<16xf32>
    %swap3A_46 = vector.shape_cast %broadcast_in_dim3A_3 : vector<16xf32> to vector<16xf32>
    tpu.vector_store %arg18[%swap3A_43], %swap3A_46 {strides = array<i32>} : memref<640xf32, #tpu.memory_space<vmem>>, vector<16xf32>,
    %swap3A_47 = arith.constant 48 : index
    %swap3A_48 = tpu.vector_load %arg18[%swap3A_47] {strides = array<i32>} : memref<640xf32, #tpu.memory_space<vmem>>, vector<16xf32>,
    %swap3A_49 = vector.shape_cast %swap3A_48 : vector<16xf32> to vector<16xf32>
    %swap3A_50 = vector.shape_cast %broadcast_in_dim3A_3 : vector<16xf32> to vector<16xf32>
    tpu.vector_store %arg18[%swap3A_47], %swap3A_50 {strides = array<i32>} : memref<640xf32, #tpu.memory_space<vmem>>, vector<16xf32>,
    %swap3A_51 = arith.constant 64 : index
    %swap3A_52 = tpu.vector_load %arg18[%swap3A_51] {strides = array<i32>} : memref<640xf32, #tpu.memory_space<vmem>>, vector<16xf32>,
    %swap3A_53 = vector.shape_cast %swap3A_52 : vector<16xf32> to vector<16xf32>
    %swap3A_54 = vector.shape_cast %broadcast_in_dim3A_3 : vector<16xf32> to vector<16xf32>
    tpu.vector_store %arg18[%swap3A_51], %swap3A_54 {strides = array<i32>} : memref<640xf32, #tpu.memory_space<vmem>>, vector<16xf32>,
    %swap3A_55 = arith.constant 80 : index
    %swap3A_56 = tpu.vector_load %arg18[%swap3A_55] {strides = array<i32>} : memref<640xf32, #tpu.memory_space<vmem>>, vector<16xf32>,
    %swap3A_57 = vector.shape_cast %swap3A_56 : vector<16xf32> to vector<16xf32>
    %swap3A_58 = vector.shape_cast %broadcast_in_dim3A_3 : vector<16xf32> to vector<16xf32>
    tpu.vector_store %arg18[%swap3A_55], %swap3A_58 {strides = array<i32>} : memref<640xf32, #tpu.memory_space<vmem>>, vector<16xf32>,
    %swap3A_59 = arith.constant 96 : index
    %swap3A_60 = tpu.vector_load %arg18[%swap3A_59] {strides = array<i32>} : memref<640xf32, #tpu.memory_space<vmem>>, vector<16xf32>,
    %swap3A_61 = vector.shape_cast %swap3A_60 : vector<16xf32> to vector<16xf32>
    %swap3A_62 = vector.shape_cast %broadcast_in_dim3A_3 : vector<16xf32> to vector<16xf32>
    tpu.vector_store %arg18[%swap3A_59], %swap3A_62 {strides = array<i32>} : memref<640xf32, #tpu.memory_space<vmem>>, vector<16xf32>,
    %swap3A_63 = arith.constant 112 : index
    %swap3A_64 = tpu.vector_load %arg18[%swap3A_63] {strides = array<i32>} : memref<640xf32, #tpu.memory_space<vmem>>, vector<16xf32>,
    %swap3A_65 = vector.shape_cast %swap3A_64 : vector<16xf32> to vector<16xf32>
    %swap3A_66 = vector.shape_cast %broadcast_in_dim3A_3 : vector<16xf32> to vector<16xf32>
    tpu.vector_store %arg18[%swap3A_63], %swap3A_66 {strides = array<i32>} : memref<640xf32, #tpu.memory_space<vmem>>, vector<16xf32>,
    %swap3A_67 = arith.constant 128 : index
    %swap3A_68 = tpu.vector_load %arg18[%swap3A_67] {strides = array<i32>} : memref<640xf32, #tpu.memory_space<vmem>>, vector<16xf32>,
    %swap3A_69 = vector.shape_cast %swap3A_68 : vector<16xf32> to vector<16xf32>
    %swap3A_70 = vector.shape_cast %broadcast_in_dim3A_3 : vector<16xf32> to vector<16xf32>
    tpu.vector_store %arg18[%swap3A_67], %swap3A_70 {strides = array<i32>} : memref<640xf32, #tpu.memory_space<vmem>>, vector<16xf32>,
    %swap3A_71 = arith.constant 144 : index
    %swap3A_72 = tpu.vector_load %arg18[%swap3A_71] {strides = array<i32>} : memref<640xf32, #tpu.memory_space<vmem>>, vector<16xf32>,
    %swap3A_73 = vector.shape_cast %swap3A_72 : vector<16xf32> to vector<16xf32>
    %swap3A_74 = vector.shape_cast %broadcast_in_dim3A_3 : vector<16xf32> to vector<16xf32>
    tpu.vector_store %arg18[%swap3A_71], %swap3A_74 {strides = array<i32>} : memref<640xf32, #tpu.memory_space<vmem>>, vector<16xf32>,
    %swap3A_75 = arith.constant 160 : index
    %swap3A_76 = tpu.vector_load %arg18[%swap3A_75] {strides = array<i32>} : memref<640xf32, #tpu.memory_space<vmem>>, vector<16xf32>,
    %swap3A_77 = vector.shape_cast %swap3A_76 : vector<16xf32> to vector<16xf32>
    %swap3A_78 = vector.shape_cast %broadcast_in_dim3A_3 : vector<16xf32> to vector<16xf32>
    tpu.vector_store %arg18[%swap3A_75], %swap3A_78 {strides = array<i32>} : memref<640xf32, #tpu.memory_space<vmem>>, vector<16xf32>,
    %swap3A_79 = arith.constant 176 : index
    %swap3A_80 = tpu.vector_load %arg18[%swap3A_79] {strides = array<i32>} : memref<640xf32, #tpu.memory_space<vmem>>, vector<16xf32>,
    %swap3A_81 = vector.shape_cast %swap3A_80 : vector<16xf32> to vector<16xf32>
    %swap3A_82 = vector.shape_cast %broadcast_in_dim3A_3 : vector<16xf32> to vector<16xf32>
    tpu.vector_store %arg18[%swap3A_79], %swap3A_82 {strides = array<i32>} : memref<640xf32, #tpu.memory_space<vmem>>, vector<16xf32>,
    %swap3A_83 = arith.constant 192 : index
    %swap3A_84 = tpu.vector_load %arg18[%swap3A_83] {strides = array<i32>} : memref<640xf32, #tpu.memory_space<vmem>>, vector<16xf32>,
    %swap3A_85 = vector.shape_cast %swap3A_84 : vector<16xf32> to vector<16xf32>
    %swap3A_86 = vector.shape_cast %broadcast_in_dim3A_3 : vector<16xf32> to vector<16xf32>
    tpu.vector_store %arg18[%swap3A_83], %swap3A_86 {strides = array<i32>} : memref<640xf32, #tpu.memory_space<vmem>>, vector<16xf32>,
    %swap3A_87 = arith.constant 208 : index
    %swap3A_88 = tpu.vector_load %arg18[%swap3A_87] {strides = array<i32>} : memref<640xf32, #tpu.memory_space<vmem>>, vector<16xf32>,
    %swap3A_89 = vector.shape_cast %swap3A_88 : vector<16xf32> to vector<16xf32>
    %swap3A_90 = vector.shape_cast %broadcast_in_dim3A_3 : vector<16xf32> to vector<16xf32>
    tpu.vector_store %arg18[%swap3A_87], %swap3A_90 {strides = array<i32>} : memref<640xf32, #tpu.memory_space<vmem>>, vector<16xf32>,
    %swap3A_91 = arith.constant 224 : index
    %swap3A_92 = tpu.vector_load %arg18[%swap3A_91] {strides = array<i32>} : memref<640xf32, #tpu.memory_space<vmem>>, vector<16xf32>,
    %swap3A_93 = vector.shape_cast %swap3A_92 : vector<16xf32> to vector<16xf32>
    %swap3A_94 = vector.shape_cast %broadcast_in_dim3A_3 : vector<16xf32> to vector<16xf32>
    tpu.vector_store %arg18[%swap3A_91], %swap3A_94 {strides = array<i32>} : memref<640xf32, #tpu.memory_space<vmem>>, vector<16xf32>,
    %swap3A_95 = arith.constant 240 : index
    %swap3A_96 = tpu.vector_load %arg18[%swap3A_95] {strides = array<i32>} : memref<640xf32, #tpu.memory_space<vmem>>, vector<16xf32>,
    %swap3A_97 = vector.shape_cast %swap3A_96 : vector<16xf32> to vector<16xf32>
    %swap3A_98 = vector.shape_cast %broadcast_in_dim3A_3 : vector<16xf32> to vector<16xf32>
    tpu.vector_store %arg18[%swap3A_95], %swap3A_98 {strides = array<i32>} : memref<640xf32, #tpu.memory_space<vmem>>, vector<16xf32>,
    %swap3A_99 = arith.constant 256 : index
    %swap3A_100 = tpu.vector_load %arg18[%swap3A_99] {strides = array<i32>} : memref<640xf32, #tpu.memory_space<vmem>>, vector<16xf32>,
    %swap3A_101 = vector.shape_cast %swap3A_100 : vector<16xf32> to vector<16xf32>
    %swap3A_102 = vector.shape_cast %broadcast_in_dim3A_3 : vector<16xf32> to vector<16xf32>
    tpu.vector_store %arg18[%swap3A_99], %swap3A_102 {strides = array<i32>} : memref<640xf32, #tpu.memory_space<vmem>>, vector<16xf32>,
    %swap3A_103 = arith.constant 272 : index
    %swap3A_104 = tpu.vector_load %arg18[%swap3A_103] {strides = array<i32>} : memref<640xf32, #tpu.memory_space<vmem>>, vector<16xf32>,
    %swap3A_105 = vector.shape_cast %swap3A_104 : vector<16xf32> to vector<16xf32>
    %swap3A_106 = vector.shape_cast %broadcast_in_dim3A_3 : vector<16xf32> to vector<16xf32>
    tpu.vector_store %arg18[%swap3A_103], %swap3A_106 {strides = array<i32>} : memref<640xf32, #tpu.memory_space<vmem>>, vector<16xf32>,
    %swap3A_107 = arith.constant 288 : index
    %swap3A_108 = tpu.vector_load %arg18[%swap3A_107] {strides = array<i32>} : memref<640xf32, #tpu.memory_space<vmem>>, vector<16xf32>,
    %swap3A_109 = vector.shape_cast %swap3A_108 : vector<16xf32> to vector<16xf32>
    %swap3A_110 = vector.shape_cast %broadcast_in_dim3A_3 : vector<16xf32> to vector<16xf32>
    tpu.vector_store %arg18[%swap3A_107], %swap3A_110 {strides = array<i32>} : memref<640xf32, #tpu.memory_space<vmem>>, vector<16xf32>,
    %swap3A_111 = arith.constant 304 : index
    %swap3A_112 = tpu.vector_load %arg18[%swap3A_111] {strides = array<i32>} : memref<640xf32, #tpu.memory_space<vmem>>, vector<16xf32>,
    %swap3A_113 = vector.shape_cast %swap3A_112 : vector<16xf32> to vector<16xf32>
    %swap3A_114 = vector.shape_cast %broadcast_in_dim3A_3 : vector<16xf32> to vector<16xf32>
    tpu.vector_store %arg18[%swap3A_111], %swap3A_114 {strides = array<i32>} : memref<640xf32, #tpu.memory_space<vmem>>, vector<16xf32>,
    %swap3A_115 = arith.constant 320 : index
    %swap3A_116 = tpu.vector_load %arg18[%swap3A_115] {strides = array<i32>} : memref<640xf32, #tpu.memory_space<vmem>>, vector<16xf32>,
    %swap3A_117 = vector.shape_cast %swap3A_116 : vector<16xf32> to vector<16xf32>
    %swap3A_118 = vector.shape_cast %broadcast_in_dim3A_3 : vector<16xf32> to vector<16xf32>
    tpu.vector_store %arg18[%swap3A_115], %swap3A_118 {strides = array<i32>} : memref<640xf32, #tpu.memory_space<vmem>>, vector<16xf32>,
    %swap3A_119 = arith.constant 336 : index
    %swap3A_120 = tpu.vector_load %arg18[%swap3A_119] {strides = array<i32>} : memref<640xf32, #tpu.memory_space<vmem>>, vector<16xf32>,
    %swap3A_121 = vector.shape_cast %swap3A_120 : vector<16xf32> to vector<16xf32>
    %swap3A_122 = vector.shape_cast %broadcast_in_dim3A_3 : vector<16xf32> to vector<16xf32>
    tpu.vector_store %arg18[%swap3A_119], %swap3A_122 {strides = array<i32>} : memref<640xf32, #tpu.memory_space<vmem>>, vector<16xf32>,
    %swap3A_123 = arith.constant 352 : index
    %swap3A_124 = tpu.vector_load %arg18[%swap3A_123] {strides = array<i32>} : memref<640xf32, #tpu.memory_space<vmem>>, vector<16xf32>,
    %swap3A_125 = vector.shape_cast %swap3A_124 : vector<16xf32> to vector<16xf32>
    %swap3A_126 = vector.shape_cast %broadcast_in_dim3A_3 : vector<16xf32> to vector<16xf32>
    tpu.vector_store %arg18[%swap3A_123], %swap3A_126 {strides = array<i32>} : memref<640xf32, #tpu.memory_space<vmem>>, vector<16xf32>,
    %swap3A_127 = arith.constant 368 : index
    %swap3A_128 = tpu.vector_load %arg18[%swap3A_127] {strides = array<i32>} : memref<640xf32, #tpu.memory_space<vmem>>, vector<16xf32>,
    %swap3A_129 = vector.shape_cast %swap3A_128 : vector<16xf32> to vector<16xf32>
    %swap3A_130 = vector.shape_cast %broadcast_in_dim3A_3 : vector<16xf32> to vector<16xf32>
    tpu.vector_store %arg18[%swap3A_127], %swap3A_130 {strides = array<i32>} : memref<640xf32, #tpu.memory_space<vmem>>, vector<16xf32>,
    %swap3A_131 = arith.constant 384 : index
    %swap3A_132 = tpu.vector_load %arg18[%swap3A_131] {strides = array<i32>} : memref<640xf32, #tpu.memory_space<vmem>>, vector<16xf32>,
    %swap3A_133 = vector.shape_cast %swap3A_132 : vector<16xf32> to vector<16xf32>
    %swap3A_134 = vector.shape_cast %broadcast_in_dim3A_3 : vector<16xf32> to vector<16xf32>
    tpu.vector_store %arg18[%swap3A_131], %swap3A_134 {strides = array<i32>} : memref<640xf32, #tpu.memory_space<vmem>>, vector<16xf32>,
    %swap3A_135 = arith.constant 400 : index
    %swap3A_136 = tpu.vector_load %arg18[%swap3A_135] {strides = array<i32>} : memref<640xf32, #tpu.memory_space<vmem>>, vector<16xf32>,
    %swap3A_137 = vector.shape_cast %swap3A_136 : vector<16xf32> to vector<16xf32>
    %swap3A_138 = vector.shape_cast %broadcast_in_dim3A_3 : vector<16xf32> to vector<16xf32>
    tpu.vector_store %arg18[%swap3A_135], %swap3A_138 {strides = array<i32>} : memref<640xf32, #tpu.memory_space<vmem>>, vector<16xf32>,
    %swap3A_139 = arith.constant 416 : index
    %swap3A_140 = tpu.vector_load %arg18[%swap3A_139] {strides = array<i32>} : memref<640xf32, #tpu.memory_space<vmem>>, vector<16xf32>,
    %swap3A_141 = vector.shape_cast %swap3A_140 : vector<16xf32> to vector<16xf32>
    %swap3A_142 = vector.shape_cast %broadcast_in_dim3A_3 : vector<16xf32> to vector<16xf32>
    tpu.vector_store %arg18[%swap3A_139], %swap3A_142 {strides = array<i32>} : memref<640xf32, #tpu.memory_space<vmem>>, vector<16xf32>,
    %swap3A_143 = arith.constant 432 : index
    %swap3A_144 = tpu.vector_load %arg18[%swap3A_143] {strides = array<i32>} : memref<640xf32, #tpu.memory_space<vmem>>, vector<16xf32>,
    %swap3A_145 = vector.shape_cast %swap3A_144 : vector<16xf32> to vector<16xf32>
    %swap3A_146 = vector.shape_cast %broadcast_in_dim3A_3 : vector<16xf32> to vector<16xf32>
    tpu.vector_store %arg18[%swap3A_143], %swap3A_146 {strides = array<i32>} : memref<640xf32, #tpu.memory_space<vmem>>, vector<16xf32>,
    %swap3A_147 = arith.constant 448 : index
    %swap3A_148 = tpu.vector_load %arg18[%swap3A_147] {strides = array<i32>} : memref<640xf32, #tpu.memory_space<vmem>>, vector<16xf32>,
    %swap3A_149 = vector.shape_cast %swap3A_148 : vector<16xf32> to vector<16xf32>
    %swap3A_150 = vector.shape_cast %broadcast_in_dim3A_3 : vector<16xf32> to vector<16xf32>
    tpu.vector_store %arg18[%swap3A_147], %swap3A_150 {strides = array<i32>} : memref<640xf32, #tpu.memory_space<vmem>>, vector<16xf32>,
    %swap3A_151 = arith.constant 464 : index
    %swap3A_152 = tpu.vector_load %arg18[%swap3A_151] {strides = array<i32>} : memref<640xf32, #tpu.memory_space<vmem>>, vector<16xf32>,
    %swap3A_153 = vector.shape_cast %swap3A_152 : vector<16xf32> to vector<16xf32>
    %swap3A_154 = vector.shape_cast %broadcast_in_dim3A_3 : vector<16xf32> to vector<16xf32>
    tpu.vector_store %arg18[%swap3A_151], %swap3A_154 {strides = array<i32>} : memref<640xf32, #tpu.memory_space<vmem>>, vector<16xf32>,
    %swap3A_155 = arith.constant 480 : index
    %swap3A_156 = tpu.vector_load %arg18[%swap3A_155] {strides = array<i32>} : memref<640xf32, #tpu.memory_space<vmem>>, vector<16xf32>,
    %swap3A_157 = vector.shape_cast %swap3A_156 : vector<16xf32> to vector<16xf32>
    %swap3A_158 = vector.shape_cast %broadcast_in_dim3A_3 : vector<16xf32> to vector<16xf32>
    tpu.vector_store %arg18[%swap3A_155], %swap3A_158 {strides = array<i32>} : memref<640xf32, #tpu.memory_space<vmem>>, vector<16xf32>,
    %swap3A_159 = arith.constant 496 : index
    %swap3A_160 = tpu.vector_load %arg18[%swap3A_159] {strides = array<i32>} : memref<640xf32, #tpu.memory_space<vmem>>, vector<16xf32>,
    %swap3A_161 = vector.shape_cast %swap3A_160 : vector<16xf32> to vector<16xf32>
    %swap3A_162 = vector.shape_cast %broadcast_in_dim3A_3 : vector<16xf32> to vector<16xf32>
    tpu.vector_store %arg18[%swap3A_159], %swap3A_162 {strides = array<i32>} : memref<640xf32, #tpu.memory_space<vmem>>, vector<16xf32>,
    %swap3A_163 = arith.constant 512 : index
    %swap3A_164 = tpu.vector_load %arg18[%swap3A_163] {strides = array<i32>} : memref<640xf32, #tpu.memory_space<vmem>>, vector<16xf32>,
    %swap3A_165 = vector.shape_cast %swap3A_164 : vector<16xf32> to vector<16xf32>
    %swap3A_166 = vector.shape_cast %broadcast_in_dim3A_3 : vector<16xf32> to vector<16xf32>
    tpu.vector_store %arg18[%swap3A_163], %swap3A_166 {strides = array<i32>} : memref<640xf32, #tpu.memory_space<vmem>>, vector<16xf32>,
    %swap3A_167 = arith.constant 528 : index
    %swap3A_168 = tpu.vector_load %arg18[%swap3A_167] {strides = array<i32>} : memref<640xf32, #tpu.memory_space<vmem>>, vector<16xf32>,
    %swap3A_169 = vector.shape_cast %swap3A_168 : vector<16xf32> to vector<16xf32>
    %swap3A_170 = vector.shape_cast %broadcast_in_dim3A_3 : vector<16xf32> to vector<16xf32>
    tpu.vector_store %arg18[%swap3A_167], %swap3A_170 {strides = array<i32>} : memref<640xf32, #tpu.memory_space<vmem>>, vector<16xf32>,
    %swap3A_171 = arith.constant 544 : index
    %swap3A_172 = tpu.vector_load %arg18[%swap3A_171] {strides = array<i32>} : memref<640xf32, #tpu.memory_space<vmem>>, vector<16xf32>,
    %swap3A_173 = vector.shape_cast %swap3A_172 : vector<16xf32> to vector<16xf32>
    %swap3A_174 = vector.shape_cast %broadcast_in_dim3A_3 : vector<16xf32> to vector<16xf32>
    tpu.vector_store %arg18[%swap3A_171], %swap3A_174 {strides = array<i32>} : memref<640xf32, #tpu.memory_space<vmem>>, vector<16xf32>,
    %swap3A_175 = arith.constant 560 : index
    %swap3A_176 = tpu.vector_load %arg18[%swap3A_175] {strides = array<i32>} : memref<640xf32, #tpu.memory_space<vmem>>, vector<16xf32>,
    %swap3A_177 = vector.shape_cast %swap3A_176 : vector<16xf32> to vector<16xf32>
    %swap3A_178 = vector.shape_cast %broadcast_in_dim3A_3 : vector<16xf32> to vector<16xf32>
    tpu.vector_store %arg18[%swap3A_175], %swap3A_178 {strides = array<i32>} : memref<640xf32, #tpu.memory_space<vmem>>, vector<16xf32>,
    %swap3A_179 = arith.constant 576 : index
    %swap3A_180 = tpu.vector_load %arg18[%swap3A_179] {strides = array<i32>} : memref<640xf32, #tpu.memory_space<vmem>>, vector<16xf32>,
    %swap3A_181 = vector.shape_cast %swap3A_180 : vector<16xf32> to vector<16xf32>
    %swap3A_182 = vector.shape_cast %broadcast_in_dim3A_3 : vector<16xf32> to vector<16xf32>
    tpu.vector_store %arg18[%swap3A_179], %swap3A_182 {strides = array<i32>} : memref<640xf32, #tpu.memory_space<vmem>>, vector<16xf32>,
    %swap3A_183 = arith.constant 592 : index
    %swap3A_184 = tpu.vector_load %arg18[%swap3A_183] {strides = array<i32>} : memref<640xf32, #tpu.memory_space<vmem>>, vector<16xf32>,
    %swap3A_185 = vector.shape_cast %swap3A_184 : vector<16xf32> to vector<16xf32>
    %swap3A_186 = vector.shape_cast %broadcast_in_dim3A_3 : vector<16xf32> to vector<16xf32>
    tpu.vector_store %arg18[%swap3A_183], %swap3A_186 {strides = array<i32>} : memref<640xf32, #tpu.memory_space<vmem>>, vector<16xf32>,
    %swap3A_187 = arith.constant 608 : index
    %swap3A_188 = tpu.vector_load %arg18[%swap3A_187] {strides = array<i32>} : memref<640xf32, #tpu.memory_space<vmem>>, vector<16xf32>,
    %swap3A_189 = vector.shape_cast %swap3A_188 : vector<16xf32> to vector<16xf32>
    %swap3A_190 = vector.shape_cast %broadcast_in_dim3A_3 : vector<16xf32> to vector<16xf32>
    tpu.vector_store %arg18[%swap3A_187], %swap3A_190 {strides = array<i32>} : memref<640xf32, #tpu.memory_space<vmem>>, vector<16xf32>,
    %swap3A_191 = arith.constant 624 : index
    %swap3A_192 = tpu.vector_load %arg18[%swap3A_191] {strides = array<i32>} : memref<640xf32, #tpu.memory_space<vmem>>, vector<16xf32>,
    %swap3A_193 = vector.shape_cast %swap3A_192 : vector<16xf32> to vector<16xf32>
    %swap3A_194 = vector.shape_cast %broadcast_in_dim3A_3 : vector<16xf32> to vector<16xf32>
    tpu.vector_store %arg18[%swap3A_191], %swap3A_194 {strides = array<i32>} : memref<640xf32, #tpu.memory_space<vmem>>, vector<16xf32>,
    %mul3A_195 = arith.constant 640 : i32
    %mul3A_196 = arith.muli %arg1, %mul3A_195 : i32
    "tpu.region"() ({
      %run_scoped3A = tpu.sem_alloc : memref<!tpu.dma_semaphore, #tpu.memory_space<semaphore_mem>>
      %dma_start3A_460 = tpu.memref_slice %arg19[%mul3A_196] : memref<10240xf32, #tpu.memory_space<vmem_shared>> -> memref<640xf32, #tpu.memory_space<vmem_shared>>
      %dma_start3A_461 = tpu.memref_slice %arg19[%mul3A_196] : memref<10240xf32, #tpu.memory_space<vmem_shared>> -> memref<640xf32, #tpu.memory_space<vmem_shared>>
      tpu.enqueue_dma source(%arg18 : memref<640xf32, #tpu.memory_space<vmem>>) target(%dma_start3A_461 : memref<640xf32, #tpu.memory_space<vmem_shared>>) target_semaphore(%run_scoped3A : memref<!tpu.dma_semaphore, #tpu.memory_space<semaphore_mem>>)
      %dma_wait3A_462 = tpu.memref_slice %arg19[%mul3A_196] : memref<10240xf32, #tpu.memory_space<vmem_shared>> -> memref<640xf32, #tpu.memory_space<vmem_shared>>
      %dma_wait3A_463 = tpu.memref_slice %arg19[%mul3A_196] : memref<10240xf32, #tpu.memory_space<vmem_shared>> -> memref<640xf32, #tpu.memory_space<vmem_shared>>
      tpu.wait_dma2 semaphore(%run_scoped3A : memref<!tpu.dma_semaphore, #tpu.memory_space<semaphore_mem>>) src(%arg18 : memref<640xf32, #tpu.memory_space<vmem>>) dst(%dma_wait3A_463 : memref<640xf32, #tpu.memory_space<vmem_shared>>)
      tpu.yield
    }) : () -> ()
    "tpu.region"() ({
      %run_scoped3A = tpu.sem_alloc : memref<!tpu.dma_semaphore, #tpu.memory_space<semaphore_mem>>
      %dma_start3A_460 = tpu.memref_slice %arg20[%mul3A_196] : memref<10240xf32, #tpu.memory_space<vmem_shared>> -> memref<640xf32, #tpu.memory_space<vmem_shared>>
      %dma_start3A_461 = tpu.memref_slice %arg20[%mul3A_196] : memref<10240xf32, #tpu.memory_space<vmem_shared>> -> memref<640xf32, #tpu.memory_space<vmem_shared>>
      tpu.enqueue_dma source(%arg18 : memref<640xf32, #tpu.memory_space<vmem>>) target(%dma_start3A_461 : memref<640xf32, #tpu.memory_space<vmem_shared>>) target_semaphore(%run_scoped3A : memref<!tpu.dma_semaphore, #tpu.memory_space<semaphore_mem>>)
      %dma_wait3A_462 = tpu.memref_slice %arg20[%mul3A_196] : memref<10240xf32, #tpu.memory_space<vmem_shared>> -> memref<640xf32, #tpu.memory_space<vmem_shared>>
      %dma_wait3A_463 = tpu.memref_slice %arg20[%mul3A_196] : memref<10240xf32, #tpu.memory_space<vmem_shared>> -> memref<640xf32, #tpu.memory_space<vmem_shared>>
      tpu.wait_dma2 semaphore(%run_scoped3A : memref<!tpu.dma_semaphore, #tpu.memory_space<semaphore_mem>>) src(%arg18 : memref<640xf32, #tpu.memory_space<vmem>>) dst(%dma_wait3A_463 : memref<640xf32, #tpu.memory_space<vmem_shared>>)
      tpu.yield
    }) : () -> ()
    %mul3A_197 = arith.constant 10000 : i32
    %mul3A_198 = arith.muli %add3A, %mul3A_197 : i32
    "tpu.region"() ({
      %run_scoped3A = tpu.sem_alloc : memref<!tpu.dma_semaphore, #tpu.memory_space<semaphore_mem>>
      %dma_start3A_460 = tpu.memref_slice %arg2[%mul3A_198] : memref<640000xi32, #tpu.memory_space<hbm>> -> memref<10000xi32, #tpu.memory_space<hbm>>
      %dma_start3A_461 = tpu.memref_slice %arg2[%mul3A_198] : memref<640000xi32, #tpu.memory_space<hbm>> -> memref<10000xi32, #tpu.memory_space<hbm>>
      tpu.enqueue_dma source(%dma_start3A_461 : memref<10000xi32, #tpu.memory_space<hbm>>) target(%arg5 : memref<10000xi32, #tpu.memory_space<vmem>>) target_semaphore(%run_scoped3A : memref<!tpu.dma_semaphore, #tpu.memory_space<semaphore_mem>>)
      %dma_wait3A_462 = tpu.memref_slice %arg2[%mul3A_198] : memref<640000xi32, #tpu.memory_space<hbm>> -> memref<10000xi32, #tpu.memory_space<hbm>>
      %dma_wait3A_463 = tpu.memref_slice %arg2[%mul3A_198] : memref<640000xi32, #tpu.memory_space<hbm>> -> memref<10000xi32, #tpu.memory_space<hbm>>
      tpu.wait_dma2 semaphore(%run_scoped3A : memref<!tpu.dma_semaphore, #tpu.memory_space<semaphore_mem>>) src(%dma_wait3A_463 : memref<10000xi32, #tpu.memory_space<hbm>>) dst(%arg5 : memref<10000xi32, #tpu.memory_space<vmem>>)
      tpu.yield
    }) : () -> ()
    %mul3A_199 = arith.constant 10000 : i32
    %mul3A_200 = arith.muli %add3A, %mul3A_199 : i32
    %add3A_201 = arith.constant 320000 : i32
    %add3A_202 = arith.addi %add3A_201, %mul3A_200 : i32
    "tpu.region"() ({
      %run_scoped3A = tpu.sem_alloc : memref<!tpu.dma_semaphore, #tpu.memory_space<semaphore_mem>>
      %dma_start3A_460 = tpu.memref_slice %arg2[%add3A_202] : memref<640000xi32, #tpu.memory_space<hbm>> -> memref<10000xi32, #tpu.memory_space<hbm>>
      %dma_start3A_461 = tpu.memref_slice %arg2[%add3A_202] : memref<640000xi32, #tpu.memory_space<hbm>> -> memref<10000xi32, #tpu.memory_space<hbm>>
      tpu.enqueue_dma source(%dma_start3A_461 : memref<10000xi32, #tpu.memory_space<hbm>>) target(%arg6 : memref<10000xi32, #tpu.memory_space<vmem>>) target_semaphore(%run_scoped3A : memref<!tpu.dma_semaphore, #tpu.memory_space<semaphore_mem>>)
      %dma_wait3A_462 = tpu.memref_slice %arg2[%add3A_202] : memref<640000xi32, #tpu.memory_space<hbm>> -> memref<10000xi32, #tpu.memory_space<hbm>>
      %dma_wait3A_463 = tpu.memref_slice %arg2[%add3A_202] : memref<640000xi32, #tpu.memory_space<hbm>> -> memref<10000xi32, #tpu.memory_space<hbm>>
      tpu.wait_dma2 semaphore(%run_scoped3A : memref<!tpu.dma_semaphore, #tpu.memory_space<semaphore_mem>>) src(%dma_wait3A_463 : memref<10000xi32, #tpu.memory_space<hbm>>) dst(%arg6 : memref<10000xi32, #tpu.memory_space<vmem>>)
      tpu.yield
    }) : () -> ()
    %barrier3A = arith.constant 0 : index
    tpu.barrier barrier_id(%barrier3A)
    %get3A = arith.constant 0 : index
    %get3A_203 = tpu.vector_load %arg5[%get3A] {strides = array<i32>} : memref<10000xi32, #tpu.memory_space<vmem>>, vector<16xi32>,
    %get3A_204 = vector.shape_cast %get3A_203 : vector<16xi32> to vector<16xi32>
    %swap3A_205 = arith.constant 0 : index
    %swap3A_206 = tpu.vector_load %arg7[%swap3A_205] {strides = array<i32>} : memref<128xi32, #tpu.memory_space<vmem>>, vector<16xi32>,
    %swap3A_207 = vector.shape_cast %swap3A_206 : vector<16xi32> to vector<16xi32>
    %swap3A_208 = vector.shape_cast %get3A_204 : vector<16xi32> to vector<16xi32>
    tpu.vector_store %arg7[%swap3A_205], %swap3A_208 {strides = array<i32>} : memref<128xi32, #tpu.memory_space<vmem>>, vector<16xi32>,
    %get3A_209 = arith.constant 0 : index
    %get3A_210 = tpu.vector_load %arg6[%get3A_209] {strides = array<i32>} : memref<10000xi32, #tpu.memory_space<vmem>>, vector<16xi32>,
    %get3A_211 = vector.shape_cast %get3A_210 : vector<16xi32> to vector<16xi32>
    %swap3A_212 = arith.constant 0 : index
    %swap3A_213 = tpu.vector_load %arg9[%swap3A_212] {strides = array<i32>} : memref<128xi32, #tpu.memory_space<vmem>>, vector<16xi32>,
    %swap3A_214 = vector.shape_cast %swap3A_213 : vector<16xi32> to vector<16xi32>
    %swap3A_215 = vector.shape_cast %get3A_211 : vector<16xi32> to vector<16xi32>
    tpu.vector_store %arg9[%swap3A_212], %swap3A_215 {strides = array<i32>} : memref<128xi32, #tpu.memory_space<vmem>>, vector<16xi32>,
    %get3A_216 = arith.constant 16 : index
    %get3A_217 = tpu.vector_load %arg5[%get3A_216] {strides = array<i32>} : memref<10000xi32, #tpu.memory_space<vmem>>, vector<16xi32>,
    %get3A_218 = vector.shape_cast %get3A_217 : vector<16xi32> to vector<16xi32>
    %swap3A_219 = arith.constant 16 : index
    %swap3A_220 = tpu.vector_load %arg7[%swap3A_219] {strides = array<i32>} : memref<128xi32, #tpu.memory_space<vmem>>, vector<16xi32>,
    %swap3A_221 = vector.shape_cast %swap3A_220 : vector<16xi32> to vector<16xi32>
    %swap3A_222 = vector.shape_cast %get3A_218 : vector<16xi32> to vector<16xi32>
    tpu.vector_store %arg7[%swap3A_219], %swap3A_222 {strides = array<i32>} : memref<128xi32, #tpu.memory_space<vmem>>, vector<16xi32>,
    %get3A_223 = arith.constant 16 : index
    %get3A_224 = tpu.vector_load %arg6[%get3A_223] {strides = array<i32>} : memref<10000xi32, #tpu.memory_space<vmem>>, vector<16xi32>,
    %get3A_225 = vector.shape_cast %get3A_224 : vector<16xi32> to vector<16xi32>
    %swap3A_226 = arith.constant 16 : index
    %swap3A_227 = tpu.vector_load %arg9[%swap3A_226] {strides = array<i32>} : memref<128xi32, #tpu.memory_space<vmem>>, vector<16xi32>,
    %swap3A_228 = vector.shape_cast %swap3A_227 : vector<16xi32> to vector<16xi32>
    %swap3A_229 = vector.shape_cast %get3A_225 : vector<16xi32> to vector<16xi32>
    tpu.vector_store %arg9[%swap3A_226], %swap3A_229 {strides = array<i32>} : memref<128xi32, #tpu.memory_space<vmem>>, vector<16xi32>,
    %get3A_230 = arith.constant 32 : index
    %get3A_231 = tpu.vector_load %arg5[%get3A_230] {strides = array<i32>} : memref<10000xi32, #tpu.memory_space<vmem>>, vector<16xi32>,
    %get3A_232 = vector.shape_cast %get3A_231 : vector<16xi32> to vector<16xi32>
    %swap3A_233 = arith.constant 32 : index
    %swap3A_234 = tpu.vector_load %arg7[%swap3A_233] {strides = array<i32>} : memref<128xi32, #tpu.memory_space<vmem>>, vector<16xi32>,
    %swap3A_235 = vector.shape_cast %swap3A_234 : vector<16xi32> to vector<16xi32>
    %swap3A_236 = vector.shape_cast %get3A_232 : vector<16xi32> to vector<16xi32>
    tpu.vector_store %arg7[%swap3A_233], %swap3A_236 {strides = array<i32>} : memref<128xi32, #tpu.memory_space<vmem>>, vector<16xi32>,
    %get3A_237 = arith.constant 32 : index
    %get3A_238 = tpu.vector_load %arg6[%get3A_237] {strides = array<i32>} : memref<10000xi32, #tpu.memory_space<vmem>>, vector<16xi32>,
    %get3A_239 = vector.shape_cast %get3A_238 : vector<16xi32> to vector<16xi32>
    %swap3A_240 = arith.constant 32 : index
    %swap3A_241 = tpu.vector_load %arg9[%swap3A_240] {strides = array<i32>} : memref<128xi32, #tpu.memory_space<vmem>>, vector<16xi32>,
    %swap3A_242 = vector.shape_cast %swap3A_241 : vector<16xi32> to vector<16xi32>
    %swap3A_243 = vector.shape_cast %get3A_239 : vector<16xi32> to vector<16xi32>
    tpu.vector_store %arg9[%swap3A_240], %swap3A_243 {strides = array<i32>} : memref<128xi32, #tpu.memory_space<vmem>>, vector<16xi32>,
    %get3A_244 = arith.constant 48 : index
    %get3A_245 = tpu.vector_load %arg5[%get3A_244] {strides = array<i32>} : memref<10000xi32, #tpu.memory_space<vmem>>, vector<16xi32>,
    %get3A_246 = vector.shape_cast %get3A_245 : vector<16xi32> to vector<16xi32>
    %swap3A_247 = arith.constant 48 : index
    %swap3A_248 = tpu.vector_load %arg7[%swap3A_247] {strides = array<i32>} : memref<128xi32, #tpu.memory_space<vmem>>, vector<16xi32>,
    %swap3A_249 = vector.shape_cast %swap3A_248 : vector<16xi32> to vector<16xi32>
    %swap3A_250 = vector.shape_cast %get3A_246 : vector<16xi32> to vector<16xi32>
    tpu.vector_store %arg7[%swap3A_247], %swap3A_250 {strides = array<i32>} : memref<128xi32, #tpu.memory_space<vmem>>, vector<16xi32>,
    %get3A_251 = arith.constant 48 : index
    %get3A_252 = tpu.vector_load %arg6[%get3A_251] {strides = array<i32>} : memref<10000xi32, #tpu.memory_space<vmem>>, vector<16xi32>,
    %get3A_253 = vector.shape_cast %get3A_252 : vector<16xi32> to vector<16xi32>
    %swap3A_254 = arith.constant 48 : index
    %swap3A_255 = tpu.vector_load %arg9[%swap3A_254] {strides = array<i32>} : memref<128xi32, #tpu.memory_space<vmem>>, vector<16xi32>,
    %swap3A_256 = vector.shape_cast %swap3A_255 : vector<16xi32> to vector<16xi32>
    %swap3A_257 = vector.shape_cast %get3A_253 : vector<16xi32> to vector<16xi32>
    tpu.vector_store %arg9[%swap3A_254], %swap3A_257 {strides = array<i32>} : memref<128xi32, #tpu.memory_space<vmem>>, vector<16xi32>,
    %get3A_258 = arith.constant 64 : index
    %get3A_259 = tpu.vector_load %arg5[%get3A_258] {strides = array<i32>} : memref<10000xi32, #tpu.memory_space<vmem>>, vector<16xi32>,
    %get3A_260 = vector.shape_cast %get3A_259 : vector<16xi32> to vector<16xi32>
    %swap3A_261 = arith.constant 64 : index
    %swap3A_262 = tpu.vector_load %arg7[%swap3A_261] {strides = array<i32>} : memref<128xi32, #tpu.memory_space<vmem>>, vector<16xi32>,
    %swap3A_263 = vector.shape_cast %swap3A_262 : vector<16xi32> to vector<16xi32>
    %swap3A_264 = vector.shape_cast %get3A_260 : vector<16xi32> to vector<16xi32>
    tpu.vector_store %arg7[%swap3A_261], %swap3A_264 {strides = array<i32>} : memref<128xi32, #tpu.memory_space<vmem>>, vector<16xi32>,
    %get3A_265 = arith.constant 64 : index
    %get3A_266 = tpu.vector_load %arg6[%get3A_265] {strides = array<i32>} : memref<10000xi32, #tpu.memory_space<vmem>>, vector<16xi32>,
    %get3A_267 = vector.shape_cast %get3A_266 : vector<16xi32> to vector<16xi32>
    %swap3A_268 = arith.constant 64 : index
    %swap3A_269 = tpu.vector_load %arg9[%swap3A_268] {strides = array<i32>} : memref<128xi32, #tpu.memory_space<vmem>>, vector<16xi32>,
    %swap3A_270 = vector.shape_cast %swap3A_269 : vector<16xi32> to vector<16xi32>
    %swap3A_271 = vector.shape_cast %get3A_267 : vector<16xi32> to vector<16xi32>
    tpu.vector_store %arg9[%swap3A_268], %swap3A_271 {strides = array<i32>} : memref<128xi32, #tpu.memory_space<vmem>>, vector<16xi32>,
    %get3A_272 = arith.constant 80 : index
    %get3A_273 = tpu.vector_load %arg5[%get3A_272] {strides = array<i32>} : memref<10000xi32, #tpu.memory_space<vmem>>, vector<16xi32>,
    %get3A_274 = vector.shape_cast %get3A_273 : vector<16xi32> to vector<16xi32>
    %swap3A_275 = arith.constant 80 : index
    %swap3A_276 = tpu.vector_load %arg7[%swap3A_275] {strides = array<i32>} : memref<128xi32, #tpu.memory_space<vmem>>, vector<16xi32>,
    %swap3A_277 = vector.shape_cast %swap3A_276 : vector<16xi32> to vector<16xi32>
    %swap3A_278 = vector.shape_cast %get3A_274 : vector<16xi32> to vector<16xi32>
    tpu.vector_store %arg7[%swap3A_275], %swap3A_278 {strides = array<i32>} : memref<128xi32, #tpu.memory_space<vmem>>, vector<16xi32>,
    %get3A_279 = arith.constant 80 : index
    %get3A_280 = tpu.vector_load %arg6[%get3A_279] {strides = array<i32>} : memref<10000xi32, #tpu.memory_space<vmem>>, vector<16xi32>,
    %get3A_281 = vector.shape_cast %get3A_280 : vector<16xi32> to vector<16xi32>
    %swap3A_282 = arith.constant 80 : index
    %swap3A_283 = tpu.vector_load %arg9[%swap3A_282] {strides = array<i32>} : memref<128xi32, #tpu.memory_space<vmem>>, vector<16xi32>,
    %swap3A_284 = vector.shape_cast %swap3A_283 : vector<16xi32> to vector<16xi32>
    %swap3A_285 = vector.shape_cast %get3A_281 : vector<16xi32> to vector<16xi32>
    tpu.vector_store %arg9[%swap3A_282], %swap3A_285 {strides = array<i32>} : memref<128xi32, #tpu.memory_space<vmem>>, vector<16xi32>,
    %get3A_286 = arith.constant 96 : index
    %get3A_287 = tpu.vector_load %arg5[%get3A_286] {strides = array<i32>} : memref<10000xi32, #tpu.memory_space<vmem>>, vector<16xi32>,
    %get3A_288 = vector.shape_cast %get3A_287 : vector<16xi32> to vector<16xi32>
    %swap3A_289 = arith.constant 96 : index
    %swap3A_290 = tpu.vector_load %arg7[%swap3A_289] {strides = array<i32>} : memref<128xi32, #tpu.memory_space<vmem>>, vector<16xi32>,
    %swap3A_291 = vector.shape_cast %swap3A_290 : vector<16xi32> to vector<16xi32>
    %swap3A_292 = vector.shape_cast %get3A_288 : vector<16xi32> to vector<16xi32>
    tpu.vector_store %arg7[%swap3A_289], %swap3A_292 {strides = array<i32>} : memref<128xi32, #tpu.memory_space<vmem>>, vector<16xi32>,
    %get3A_293 = arith.constant 96 : index
    %get3A_294 = tpu.vector_load %arg6[%get3A_293] {strides = array<i32>} : memref<10000xi32, #tpu.memory_space<vmem>>, vector<16xi32>,
    %get3A_295 = vector.shape_cast %get3A_294 : vector<16xi32> to vector<16xi32>
    %swap3A_296 = arith.constant 96 : index
    %swap3A_297 = tpu.vector_load %arg9[%swap3A_296] {strides = array<i32>} : memref<128xi32, #tpu.memory_space<vmem>>, vector<16xi32>,
    %swap3A_298 = vector.shape_cast %swap3A_297 : vector<16xi32> to vector<16xi32>
    %swap3A_299 = vector.shape_cast %get3A_295 : vector<16xi32> to vector<16xi32>
    tpu.vector_store %arg9[%swap3A_296], %swap3A_299 {strides = array<i32>} : memref<128xi32, #tpu.memory_space<vmem>>, vector<16xi32>,
    %get3A_300 = arith.constant 112 : index
    %get3A_301 = tpu.vector_load %arg5[%get3A_300] {strides = array<i32>} : memref<10000xi32, #tpu.memory_space<vmem>>, vector<16xi32>,
    %get3A_302 = vector.shape_cast %get3A_301 : vector<16xi32> to vector<16xi32>
    %swap3A_303 = arith.constant 112 : index
    %swap3A_304 = tpu.vector_load %arg7[%swap3A_303] {strides = array<i32>} : memref<128xi32, #tpu.memory_space<vmem>>, vector<16xi32>,
    %swap3A_305 = vector.shape_cast %swap3A_304 : vector<16xi32> to vector<16xi32>
    %swap3A_306 = vector.shape_cast %get3A_302 : vector<16xi32> to vector<16xi32>
    tpu.vector_store %arg7[%swap3A_303], %swap3A_306 {strides = array<i32>} : memref<128xi32, #tpu.memory_space<vmem>>, vector<16xi32>,
    %get3A_307 = arith.constant 112 : index
    %get3A_308 = tpu.vector_load %arg6[%get3A_307] {strides = array<i32>} : memref<10000xi32, #tpu.memory_space<vmem>>, vector<16xi32>,
    %get3A_309 = vector.shape_cast %get3A_308 : vector<16xi32> to vector<16xi32>
    %swap3A_310 = arith.constant 112 : index
    %swap3A_311 = tpu.vector_load %arg9[%swap3A_310] {strides = array<i32>} : memref<128xi32, #tpu.memory_space<vmem>>, vector<16xi32>,
    %swap3A_312 = vector.shape_cast %swap3A_311 : vector<16xi32> to vector<16xi32>
    %swap3A_313 = vector.shape_cast %get3A_309 : vector<16xi32> to vector<16xi32>
    tpu.vector_store %arg9[%swap3A_310], %swap3A_313 {strides = array<i32>} : memref<128xi32, #tpu.memory_space<vmem>>, vector<16xi32>,
    %dma_start3A = arith.constant 0 : i32
    %dma_start3A_314 = tpu.memref_slice %arg19[%dma_start3A] : memref<10240xf32, #tpu.memory_space<vmem_shared>> -> memref<10240xf32, #tpu.memory_space<vmem_shared>>
    tpu.enqueue_indirect_dma source(%arg17 : memref<128xf32, #tpu.memory_space<vmem>>) target(%dma_start3A_314 : memref<10240xf32, #tpu.memory_space<vmem_shared>>) offsets(%arg7 : memref<128xi32, #tpu.memory_space<vmem>>) semaphore(%arg13 : memref<!tpu.dma_semaphore, #tpu.memory_space<semaphore_mem>>) {add = true}
    %dma_start3A_315 = arith.constant 0 : i32
    %dma_start3A_316 = tpu.memref_slice %arg20[%dma_start3A_315] : memref<10240xf32, #tpu.memory_space<vmem_shared>> -> memref<10240xf32, #tpu.memory_space<vmem_shared>>
    tpu.enqueue_indirect_dma source(%arg17 : memref<128xf32, #tpu.memory_space<vmem>>) target(%dma_start3A_316 : memref<10240xf32, #tpu.memory_space<vmem_shared>>) offsets(%arg9 : memref<128xi32, #tpu.memory_space<vmem>>) semaphore(%arg15 : memref<!tpu.dma_semaphore, #tpu.memory_space<semaphore_mem>>) {add = true}
    %get3A_317 = arith.constant 128 : index
    %get3A_318 = tpu.vector_load %arg5[%get3A_317] {strides = array<i32>} : memref<10000xi32, #tpu.memory_space<vmem>>, vector<16xi32>,
    %get3A_319 = vector.shape_cast %get3A_318 : vector<16xi32> to vector<16xi32>
    %swap3A_320 = arith.constant 0 : index
    %swap3A_321 = tpu.vector_load %arg8[%swap3A_320] {strides = array<i32>} : memref<128xi32, #tpu.memory_space<vmem>>, vector<16xi32>,
    %swap3A_322 = vector.shape_cast %swap3A_321 : vector<16xi32> to vector<16xi32>
    %swap3A_323 = vector.shape_cast %get3A_319 : vector<16xi32> to vector<16xi32>
    tpu.vector_store %arg8[%swap3A_320], %swap3A_323 {strides = array<i32>} : memref<128xi32, #tpu.memory_space<vmem>>, vector<16xi32>,
    %get3A_324 = arith.constant 128 : index
    %get3A_325 = tpu.vector_load %arg6[%get3A_324] {strides = array<i32>} : memref<10000xi32, #tpu.memory_space<vmem>>, vector<16xi32>,
    %get3A_326 = vector.shape_cast %get3A_325 : vector<16xi32> to vector<16xi32>
    %swap3A_327 = arith.constant 0 : index
    %swap3A_328 = tpu.vector_load %arg10[%swap3A_327] {strides = array<i32>} : memref<128xi32, #tpu.memory_space<vmem>>, vector<16xi32>,
    %swap3A_329 = vector.shape_cast %swap3A_328 : vector<16xi32> to vector<16xi32>
    %swap3A_330 = vector.shape_cast %get3A_326 : vector<16xi32> to vector<16xi32>
    tpu.vector_store %arg10[%swap3A_327], %swap3A_330 {strides = array<i32>} : memref<128xi32, #tpu.memory_space<vmem>>, vector<16xi32>,
    %get3A_331 = arith.constant 144 : index
    %get3A_332 = tpu.vector_load %arg5[%get3A_331] {strides = array<i32>} : memref<10000xi32, #tpu.memory_space<vmem>>, vector<16xi32>,
    %get3A_333 = vector.shape_cast %get3A_332 : vector<16xi32> to vector<16xi32>
    %swap3A_334 = arith.constant 16 : index
    %swap3A_335 = tpu.vector_load %arg8[%swap3A_334] {strides = array<i32>} : memref<128xi32, #tpu.memory_space<vmem>>, vector<16xi32>,
    %swap3A_336 = vector.shape_cast %swap3A_335 : vector<16xi32> to vector<16xi32>
    %swap3A_337 = vector.shape_cast %get3A_333 : vector<16xi32> to vector<16xi32>
    tpu.vector_store %arg8[%swap3A_334], %swap3A_337 {strides = array<i32>} : memref<128xi32, #tpu.memory_space<vmem>>, vector<16xi32>,
    %get3A_338 = arith.constant 144 : index
    %get3A_339 = tpu.vector_load %arg6[%get3A_338] {strides = array<i32>} : memref<10000xi32, #tpu.memory_space<vmem>>, vector<16xi32>,
    %get3A_340 = vector.shape_cast %get3A_339 : vector<16xi32> to vector<16xi32>
    %swap3A_341 = arith.constant 16 : index
    %swap3A_342 = tpu.vector_load %arg10[%swap3A_341] {strides = array<i32>} : memref<128xi32, #tpu.memory_space<vmem>>, vector<16xi32>,
    %swap3A_343 = vector.shape_cast %swap3A_342 : vector<16xi32> to vector<16xi32>
    %swap3A_344 = vector.shape_cast %get3A_340 : vector<16xi32> to vector<16xi32>
    tpu.vector_store %arg10[%swap3A_341], %swap3A_344 {strides = array<i32>} : memref<128xi32, #tpu.memory_space<vmem>>, vector<16xi32>,
    %get3A_345 = arith.constant 160 : index
    %get3A_346 = tpu.vector_load %arg5[%get3A_345] {strides = array<i32>} : memref<10000xi32, #tpu.memory_space<vmem>>, vector<16xi32>,
    %get3A_347 = vector.shape_cast %get3A_346 : vector<16xi32> to vector<16xi32>
    %swap3A_348 = arith.constant 32 : index
    %swap3A_349 = tpu.vector_load %arg8[%swap3A_348] {strides = array<i32>} : memref<128xi32, #tpu.memory_space<vmem>>, vector<16xi32>,
    %swap3A_350 = vector.shape_cast %swap3A_349 : vector<16xi32> to vector<16xi32>
    %swap3A_351 = vector.shape_cast %get3A_347 : vector<16xi32> to vector<16xi32>
    tpu.vector_store %arg8[%swap3A_348], %swap3A_351 {strides = array<i32>} : memref<128xi32, #tpu.memory_space<vmem>>, vector<16xi32>,
    %get3A_352 = arith.constant 160 : index
    %get3A_353 = tpu.vector_load %arg6[%get3A_352] {strides = array<i32>} : memref<10000xi32, #tpu.memory_space<vmem>>, vector<16xi32>,
    %get3A_354 = vector.shape_cast %get3A_353 : vector<16xi32> to vector<16xi32>
    %swap3A_355 = arith.constant 32 : index
    %swap3A_356 = tpu.vector_load %arg10[%swap3A_355] {strides = array<i32>} : memref<128xi32, #tpu.memory_space<vmem>>, vector<16xi32>,
    %swap3A_357 = vector.shape_cast %swap3A_356 : vector<16xi32> to vector<16xi32>
    %swap3A_358 = vector.shape_cast %get3A_354 : vector<16xi32> to vector<16xi32>
    tpu.vector_store %arg10[%swap3A_355], %swap3A_358 {strides = array<i32>} : memref<128xi32, #tpu.memory_space<vmem>>, vector<16xi32>,
    %get3A_359 = arith.constant 176 : index
    %get3A_360 = tpu.vector_load %arg5[%get3A_359] {strides = array<i32>} : memref<10000xi32, #tpu.memory_space<vmem>>, vector<16xi32>,
    %get3A_361 = vector.shape_cast %get3A_360 : vector<16xi32> to vector<16xi32>
    %swap3A_362 = arith.constant 48 : index
    %swap3A_363 = tpu.vector_load %arg8[%swap3A_362] {strides = array<i32>} : memref<128xi32, #tpu.memory_space<vmem>>, vector<16xi32>,
    %swap3A_364 = vector.shape_cast %swap3A_363 : vector<16xi32> to vector<16xi32>
    %swap3A_365 = vector.shape_cast %get3A_361 : vector<16xi32> to vector<16xi32>
    tpu.vector_store %arg8[%swap3A_362], %swap3A_365 {strides = array<i32>} : memref<128xi32, #tpu.memory_space<vmem>>, vector<16xi32>,
    %get3A_366 = arith.constant 176 : index
    %get3A_367 = tpu.vector_load %arg6[%get3A_366] {strides = array<i32>} : memref<10000xi32, #tpu.memory_space<vmem>>, vector<16xi32>,
    %get3A_368 = vector.shape_cast %get3A_367 : vector<16xi32> to vector<16xi32>
    %swap3A_369 = arith.constant 48 : index
    %swap3A_370 = tpu.vector_load %arg10[%swap3A_369] {strides = array<i32>} : memref<128xi32, #tpu.memory_space<vmem>>, vector<16xi32>,
    %swap3A_371 = vector.shape_cast %swap3A_370 : vector<16xi32> to vector<16xi32>
    %swap3A_372 = vector.shape_cast %get3A_368 : vector<16xi32> to vector<16xi32>
    tpu.vector_store %arg10[%swap3A_369], %swap3A_372 {strides = array<i32>} : memref<128xi32, #tpu.memory_space<vmem>>, vector<16xi32>,
    %get3A_373 = arith.constant 192 : index
    %get3A_374 = tpu.vector_load %arg5[%get3A_373] {strides = array<i32>} : memref<10000xi32, #tpu.memory_space<vmem>>, vector<16xi32>,
    %get3A_375 = vector.shape_cast %get3A_374 : vector<16xi32> to vector<16xi32>
    %swap3A_376 = arith.constant 64 : index
    %swap3A_377 = tpu.vector_load %arg8[%swap3A_376] {strides = array<i32>} : memref<128xi32, #tpu.memory_space<vmem>>, vector<16xi32>,
    %swap3A_378 = vector.shape_cast %swap3A_377 : vector<16xi32> to vector<16xi32>
    %swap3A_379 = vector.shape_cast %get3A_375 : vector<16xi32> to vector<16xi32>
    tpu.vector_store %arg8[%swap3A_376], %swap3A_379 {strides = array<i32>} : memref<128xi32, #tpu.memory_space<vmem>>, vector<16xi32>,
    %get3A_380 = arith.constant 192 : index
    %get3A_381 = tpu.vector_load %arg6[%get3A_380] {strides = array<i32>} : memref<10000xi32, #tpu.memory_space<vmem>>, vector<16xi32>,
    %get3A_382 = vector.shape_cast %get3A_381 : vector<16xi32> to vector<16xi32>
    %swap3A_383 = arith.constant 64 : index
    %swap3A_384 = tpu.vector_load %arg10[%swap3A_383] {strides = array<i32>} : memref<128xi32, #tpu.memory_space<vmem>>, vector<16xi32>,
    %swap3A_385 = vector.shape_cast %swap3A_384 : vector<16xi32> to vector<16xi32>
    %swap3A_386 = vector.shape_cast %get3A_382 : vector<16xi32> to vector<16xi32>
    tpu.vector_store %arg10[%swap3A_383], %swap3A_386 {strides = array<i32>} : memref<128xi32, #tpu.memory_space<vmem>>, vector<16xi32>,
    %get3A_387 = arith.constant 208 : index
    %get3A_388 = tpu.vector_load %arg5[%get3A_387] {strides = array<i32>} : memref<10000xi32, #tpu.memory_space<vmem>>, vector<16xi32>,
    %get3A_389 = vector.shape_cast %get3A_388 : vector<16xi32> to vector<16xi32>
    %swap3A_390 = arith.constant 80 : index
    %swap3A_391 = tpu.vector_load %arg8[%swap3A_390] {strides = array<i32>} : memref<128xi32, #tpu.memory_space<vmem>>, vector<16xi32>,
    %swap3A_392 = vector.shape_cast %swap3A_391 : vector<16xi32> to vector<16xi32>
    %swap3A_393 = vector.shape_cast %get3A_389 : vector<16xi32> to vector<16xi32>
    tpu.vector_store %arg8[%swap3A_390], %swap3A_393 {strides = array<i32>} : memref<128xi32, #tpu.memory_space<vmem>>, vector<16xi32>,
    %get3A_394 = arith.constant 208 : index
    %get3A_395 = tpu.vector_load %arg6[%get3A_394] {strides = array<i32>} : memref<10000xi32, #tpu.memory_space<vmem>>, vector<16xi32>,
    %get3A_396 = vector.shape_cast %get3A_395 : vector<16xi32> to vector<16xi32>
    %swap3A_397 = arith.constant 80 : index
    %swap3A_398 = tpu.vector_load %arg10[%swap3A_397] {strides = array<i32>} : memref<128xi32, #tpu.memory_space<vmem>>, vector<16xi32>,
    %swap3A_399 = vector.shape_cast %swap3A_398 : vector<16xi32> to vector<16xi32>
    %swap3A_400 = vector.shape_cast %get3A_396 : vector<16xi32> to vector<16xi32>
    tpu.vector_store %arg10[%swap3A_397], %swap3A_400 {strides = array<i32>} : memref<128xi32, #tpu.memory_space<vmem>>, vector<16xi32>,
    %get3A_401 = arith.constant 224 : index
    %get3A_402 = tpu.vector_load %arg5[%get3A_401] {strides = array<i32>} : memref<10000xi32, #tpu.memory_space<vmem>>, vector<16xi32>,
    %get3A_403 = vector.shape_cast %get3A_402 : vector<16xi32> to vector<16xi32>
    %swap3A_404 = arith.constant 96 : index
    %swap3A_405 = tpu.vector_load %arg8[%swap3A_404] {strides = array<i32>} : memref<128xi32, #tpu.memory_space<vmem>>, vector<16xi32>,
    %swap3A_406 = vector.shape_cast %swap3A_405 : vector<16xi32> to vector<16xi32>
    %swap3A_407 = vector.shape_cast %get3A_403 : vector<16xi32> to vector<16xi32>
    tpu.vector_store %arg8[%swap3A_404], %swap3A_407 {strides = array<i32>} : memref<128xi32, #tpu.memory_space<vmem>>, vector<16xi32>,
    %get3A_408 = arith.constant 224 : index
    %get3A_409 = tpu.vector_load %arg6[%get3A_408] {strides = array<i32>} : memref<10000xi32, #tpu.memory_space<vmem>>, vector<16xi32>,
    %get3A_410 = vector.shape_cast %get3A_409 : vector<16xi32> to vector<16xi32>
    %swap3A_411 = arith.constant 96 : index
    %swap3A_412 = tpu.vector_load %arg10[%swap3A_411] {strides = array<i32>} : memref<128xi32, #tpu.memory_space<vmem>>, vector<16xi32>,
    %swap3A_413 = vector.shape_cast %swap3A_412 : vector<16xi32> to vector<16xi32>
    %swap3A_414 = vector.shape_cast %get3A_410 : vector<16xi32> to vector<16xi32>
    tpu.vector_store %arg10[%swap3A_411], %swap3A_414 {strides = array<i32>} : memref<128xi32, #tpu.memory_space<vmem>>, vector<16xi32>,
    %get3A_415 = arith.constant 240 : index
    %get3A_416 = tpu.vector_load %arg5[%get3A_415] {strides = array<i32>} : memref<10000xi32, #tpu.memory_space<vmem>>, vector<16xi32>,
    %get3A_417 = vector.shape_cast %get3A_416 : vector<16xi32> to vector<16xi32>
    %swap3A_418 = arith.constant 112 : index
    %swap3A_419 = tpu.vector_load %arg8[%swap3A_418] {strides = array<i32>} : memref<128xi32, #tpu.memory_space<vmem>>, vector<16xi32>,
    %swap3A_420 = vector.shape_cast %swap3A_419 : vector<16xi32> to vector<16xi32>
    %swap3A_421 = vector.shape_cast %get3A_417 : vector<16xi32> to vector<16xi32>
    tpu.vector_store %arg8[%swap3A_418], %swap3A_421 {strides = array<i32>} : memref<128xi32, #tpu.memory_space<vmem>>, vector<16xi32>,
    %get3A_422 = arith.constant 240 : index
    %get3A_423 = tpu.vector_load %arg6[%get3A_422] {strides = array<i32>} : memref<10000xi32, #tpu.memory_space<vmem>>, vector<16xi32>,
    %get3A_424 = vector.shape_cast %get3A_423 : vector<16xi32> to vector<16xi32>
    %swap3A_425 = arith.constant 112 : index
    %swap3A_426 = tpu.vector_load %arg10[%swap3A_425] {strides = array<i32>} : memref<128xi32, #tpu.memory_space<vmem>>, vector<16xi32>,
    %swap3A_427 = vector.shape_cast %swap3A_426 : vector<16xi32> to vector<16xi32>
    %swap3A_428 = vector.shape_cast %get3A_424 : vector<16xi32> to vector<16xi32>
    tpu.vector_store %arg10[%swap3A_425], %swap3A_428 {strides = array<i32>} : memref<128xi32, #tpu.memory_space<vmem>>, vector<16xi32>,
    %dma_start3A_429 = arith.constant 0 : i32
    %dma_start3A_430 = tpu.memref_slice %arg19[%dma_start3A_429] : memref<10240xf32, #tpu.memory_space<vmem_shared>> -> memref<10240xf32, #tpu.memory_space<vmem_shared>>
    tpu.enqueue_indirect_dma source(%arg17 : memref<128xf32, #tpu.memory_space<vmem>>) target(%dma_start3A_430 : memref<10240xf32, #tpu.memory_space<vmem_shared>>) offsets(%arg8 : memref<128xi32, #tpu.memory_space<vmem>>) semaphore(%arg14 : memref<!tpu.dma_semaphore, #tpu.memory_space<semaphore_mem>>) {add = true}
    %dma_start3A_431 = arith.constant 0 : i32
    %dma_start3A_432 = tpu.memref_slice %arg20[%dma_start3A_431] : memref<10240xf32, #tpu.memory_space<vmem_shared>> -> memref<10240xf32, #tpu.memory_space<vmem_shared>>
    tpu.enqueue_indirect_dma source(%arg17 : memref<128xf32, #tpu.memory_space<vmem>>) target(%dma_start3A_432 : memref<10240xf32, #tpu.memory_space<vmem_shared>>) offsets(%arg10 : memref<128xi32, #tpu.memory_space<vmem>>) semaphore(%arg16 : memref<!tpu.dma_semaphore, #tpu.memory_space<semaphore_mem>>) {add = true}
    %scan3A = arith.constant 0 : i32
    %scan3A_433 = arith.constant 0 : i32
    %scan3A_434 = arith.constant 38 : i32
    %scan3A_435 = arith.addi %scan3A_433, %scan3A_434 : i32
    %scan3A_436 = arith.constant 1 : i32
    scf.for %scan3A_460 = %scan3A_433 to %scan3A_435 step %scan3A_436  : i32 {
      %dma_wait3A_461 = arith.constant 0 : i32
      %dma_wait3A_462 = tpu.memref_slice %arg19[%dma_wait3A_461] : memref<10240xf32, #tpu.memory_space<vmem_shared>> -> memref<10240xf32, #tpu.memory_space<vmem_shared>>
      tpu.wait_indirect_dma semaphore(%arg13 : memref<!tpu.dma_semaphore, #tpu.memory_space<semaphore_mem>>) src(%arg17 : memref<128xf32, #tpu.memory_space<vmem>>) dst(%dma_wait3A_462 : memref<10240xf32, #tpu.memory_space<vmem_shared>>)
      %dma_wait3A_463 = arith.constant 0 : i32
      %dma_wait3A_464 = tpu.memref_slice %arg20[%dma_wait3A_463] : memref<10240xf32, #tpu.memory_space<vmem_shared>> -> memref<10240xf32, #tpu.memory_space<vmem_shared>>
      tpu.wait_indirect_dma semaphore(%arg15 : memref<!tpu.dma_semaphore, #tpu.memory_space<semaphore_mem>>) src(%arg17 : memref<128xf32, #tpu.memory_space<vmem>>) dst(%dma_wait3A_464 : memref<10240xf32, #tpu.memory_space<vmem_shared>>)
      %mul3A_465 = arith.constant 2 : i32
      %mul3A_466 = arith.muli %mul3A_465, %scan3A_460 : i32
      %add3A_467 = arith.constant 2 : i32
      %add3A_468 = arith.addi %mul3A_466, %add3A_467 : i32
      %add3A_469 = arith.constant 0 : i32
      %add3A_470 = arith.addi %add3A_468, %add3A_469 : i32
      %mul3A_471 = arith.constant 128 : i32
      %mul3A_472 = arith.muli %add3A_470, %mul3A_471 : i32
      %add3A_473 = arith.constant 0 : i32
      %add3A_474 = arith.addi %mul3A_472, %add3A_473 : i32
      %get3A_475 = arith.index_cast %add3A_474 : i32 to index
      %get3A_476 = tpu.vector_load %arg5[%get3A_475] {strides = array<i32>} : memref<10000xi32, #tpu.memory_space<vmem>>, vector<16xi32>,
      %get3A_477 = vector.shape_cast %get3A_476 : vector<16xi32> to vector<16xi32>
      %swap3A_478 = arith.constant 0 : index
      %swap3A_479 = tpu.vector_load %arg7[%swap3A_478] {strides = array<i32>} : memref<128xi32, #tpu.memory_space<vmem>>, vector<16xi32>,
      %swap3A_480 = vector.shape_cast %swap3A_479 : vector<16xi32> to vector<16xi32>
      %swap3A_481 = vector.shape_cast %get3A_477 : vector<16xi32> to vector<16xi32>
      tpu.vector_store %arg7[%swap3A_478], %swap3A_481 {strides = array<i32>} : memref<128xi32, #tpu.memory_space<vmem>>, vector<16xi32>,
      %get3A_482 = arith.index_cast %add3A_474 : i32 to index
      %get3A_483 = tpu.vector_load %arg6[%get3A_482] {strides = array<i32>} : memref<10000xi32, #tpu.memory_space<vmem>>, vector<16xi32>,
      %get3A_484 = vector.shape_cast %get3A_483 : vector<16xi32> to vector<16xi32>
      %swap3A_485 = arith.constant 0 : index
      %swap3A_486 = tpu.vector_load %arg9[%swap3A_485] {strides = array<i32>} : memref<128xi32, #tpu.memory_space<vmem>>, vector<16xi32>,
      %swap3A_487 = vector.shape_cast %swap3A_486 : vector<16xi32> to vector<16xi32>
      %swap3A_488 = vector.shape_cast %get3A_484 : vector<16xi32> to vector<16xi32>
      tpu.vector_store %arg9[%swap3A_485], %swap3A_488 {strides = array<i32>} : memref<128xi32, #tpu.memory_space<vmem>>, vector<16xi32>,
      %mul3A_489 = arith.constant 128 : i32
      %mul3A_490 = arith.muli %add3A_470, %mul3A_489 : i32
      %add3A_491 = arith.constant 16 : i32
      %add3A_492 = arith.addi %mul3A_490, %add3A_491 : i32
      %get3A_493 = arith.index_cast %add3A_492 : i32 to index
      %get3A_494 = tpu.vector_load %arg5[%get3A_493] {strides = array<i32>} : memref<10000xi32, #tpu.memory_space<vmem>>, vector<16xi32>,
      %get3A_495 = vector.shape_cast %get3A_494 : vector<16xi32> to vector<16xi32>
      %swap3A_496 = arith.constant 16 : index
      %swap3A_497 = tpu.vector_load %arg7[%swap3A_496] {strides = array<i32>} : memref<128xi32, #tpu.memory_space<vmem>>, vector<16xi32>,
      %swap3A_498 = vector.shape_cast %swap3A_497 : vector<16xi32> to vector<16xi32>
      %swap3A_499 = vector.shape_cast %get3A_495 : vector<16xi32> to vector<16xi32>
      tpu.vector_store %arg7[%swap3A_496], %swap3A_499 {strides = array<i32>} : memref<128xi32, #tpu.memory_space<vmem>>, vector<16xi32>,
      %get3A_500 = arith.index_cast %add3A_492 : i32 to index
      %get3A_501 = tpu.vector_load %arg6[%get3A_500] {strides = array<i32>} : memref<10000xi32, #tpu.memory_space<vmem>>, vector<16xi32>,
      %get3A_502 = vector.shape_cast %get3A_501 : vector<16xi32> to vector<16xi32>
      %swap3A_503 = arith.constant 16 : index
      %swap3A_504 = tpu.vector_load %arg9[%swap3A_503] {strides = array<i32>} : memref<128xi32, #tpu.memory_space<vmem>>, vector<16xi32>,
      %swap3A_505 = vector.shape_cast %swap3A_504 : vector<16xi32> to vector<16xi32>
      %swap3A_506 = vector.shape_cast %get3A_502 : vector<16xi32> to vector<16xi32>
      tpu.vector_store %arg9[%swap3A_503], %swap3A_506 {strides = array<i32>} : memref<128xi32, #tpu.memory_space<vmem>>, vector<16xi32>,
      %mul3A_507 = arith.constant 128 : i32
      %mul3A_508 = arith.muli %add3A_470, %mul3A_507 : i32
      %add3A_509 = arith.constant 32 : i32
      %add3A_510 = arith.addi %mul3A_508, %add3A_509 : i32
      %get3A_511 = arith.index_cast %add3A_510 : i32 to index
      %get3A_512 = tpu.vector_load %arg5[%get3A_511] {strides = array<i32>} : memref<10000xi32, #tpu.memory_space<vmem>>, vector<16xi32>,
      %get3A_513 = vector.shape_cast %get3A_512 : vector<16xi32> to vector<16xi32>
      %swap3A_514 = arith.constant 32 : index
      %swap3A_515 = tpu.vector_load %arg7[%swap3A_514] {strides = array<i32>} : memref<128xi32, #tpu.memory_space<vmem>>, vector<16xi32>,
      %swap3A_516 = vector.shape_cast %swap3A_515 : vector<16xi32> to vector<16xi32>
      %swap3A_517 = vector.shape_cast %get3A_513 : vector<16xi32> to vector<16xi32>
      tpu.vector_store %arg7[%swap3A_514], %swap3A_517 {strides = array<i32>} : memref<128xi32, #tpu.memory_space<vmem>>, vector<16xi32>,
      %get3A_518 = arith.index_cast %add3A_510 : i32 to index
      %get3A_519 = tpu.vector_load %arg6[%get3A_518] {strides = array<i32>} : memref<10000xi32, #tpu.memory_space<vmem>>, vector<16xi32>,
      %get3A_520 = vector.shape_cast %get3A_519 : vector<16xi32> to vector<16xi32>
      %swap3A_521 = arith.constant 32 : index
      %swap3A_522 = tpu.vector_load %arg9[%swap3A_521] {strides = array<i32>} : memref<128xi32, #tpu.memory_space<vmem>>, vector<16xi32>,
      %swap3A_523 = vector.shape_cast %swap3A_522 : vector<16xi32> to vector<16xi32>
      %swap3A_524 = vector.shape_cast %get3A_520 : vector<16xi32> to vector<16xi32>
      tpu.vector_store %arg9[%swap3A_521], %swap3A_524 {strides = array<i32>} : memref<128xi32, #tpu.memory_space<vmem>>, vector<16xi32>,
      %mul3A_525 = arith.constant 128 : i32
      %mul3A_526 = arith.muli %add3A_470, %mul3A_525 : i32
      %add3A_527 = arith.constant 48 : i32
      %add3A_528 = arith.addi %mul3A_526, %add3A_527 : i32
      %get3A_529 = arith.index_cast %add3A_528 : i32 to index
      %get3A_530 = tpu.vector_load %arg5[%get3A_529] {strides = array<i32>} : memref<10000xi32, #tpu.memory_space<vmem>>, vector<16xi32>,
      %get3A_531 = vector.shape_cast %get3A_530 : vector<16xi32> to vector<16xi32>
      %swap3A_532 = arith.constant 48 : index
      %swap3A_533 = tpu.vector_load %arg7[%swap3A_532] {strides = array<i32>} : memref<128xi32, #tpu.memory_space<vmem>>, vector<16xi32>,
      %swap3A_534 = vector.shape_cast %swap3A_533 : vector<16xi32> to vector<16xi32>
      %swap3A_535 = vector.shape_cast %get3A_531 : vector<16xi32> to vector<16xi32>
      tpu.vector_store %arg7[%swap3A_532], %swap3A_535 {strides = array<i32>} : memref<128xi32, #tpu.memory_space<vmem>>, vector<16xi32>,
      %get3A_536 = arith.index_cast %add3A_528 : i32 to index
      %get3A_537 = tpu.vector_load %arg6[%get3A_536] {strides = array<i32>} : memref<10000xi32, #tpu.memory_space<vmem>>, vector<16xi32>,
      %get3A_538 = vector.shape_cast %get3A_537 : vector<16xi32> to vector<16xi32>
      %swap3A_539 = arith.constant 48 : index
      %swap3A_540 = tpu.vector_load %arg9[%swap3A_539] {strides = array<i32>} : memref<128xi32, #tpu.memory_space<vmem>>, vector<16xi32>,
      %swap3A_541 = vector.shape_cast %swap3A_540 : vector<16xi32> to vector<16xi32>
      %swap3A_542 = vector.shape_cast %get3A_538 : vector<16xi32> to vector<16xi32>
      tpu.vector_store %arg9[%swap3A_539], %swap3A_542 {strides = array<i32>} : memref<128xi32, #tpu.memory_space<vmem>>, vector<16xi32>,
      %mul3A_543 = arith.constant 128 : i32
      %mul3A_544 = arith.muli %add3A_470, %mul3A_543 : i32
      %add3A_545 = arith.constant 64 : i32
      %add3A_546 = arith.addi %mul3A_544, %add3A_545 : i32
      %get3A_547 = arith.index_cast %add3A_546 : i32 to index
      %get3A_548 = tpu.vector_load %arg5[%get3A_547] {strides = array<i32>} : memref<10000xi32, #tpu.memory_space<vmem>>, vector<16xi32>,
      %get3A_549 = vector.shape_cast %get3A_548 : vector<16xi32> to vector<16xi32>
      %swap3A_550 = arith.constant 64 : index
      %swap3A_551 = tpu.vector_load %arg7[%swap3A_550] {strides = array<i32>} : memref<128xi32, #tpu.memory_space<vmem>>, vector<16xi32>,
      %swap3A_552 = vector.shape_cast %swap3A_551 : vector<16xi32> to vector<16xi32>
      %swap3A_553 = vector.shape_cast %get3A_549 : vector<16xi32> to vector<16xi32>
      tpu.vector_store %arg7[%swap3A_550], %swap3A_553 {strides = array<i32>} : memref<128xi32, #tpu.memory_space<vmem>>, vector<16xi32>,
      %get3A_554 = arith.index_cast %add3A_546 : i32 to index
      %get3A_555 = tpu.vector_load %arg6[%get3A_554] {strides = array<i32>} : memref<10000xi32, #tpu.memory_space<vmem>>, vector<16xi32>,
      %get3A_556 = vector.shape_cast %get3A_555 : vector<16xi32> to vector<16xi32>
      %swap3A_557 = arith.constant 64 : index
      %swap3A_558 = tpu.vector_load %arg9[%swap3A_557] {strides = array<i32>} : memref<128xi32, #tpu.memory_space<vmem>>, vector<16xi32>,
      %swap3A_559 = vector.shape_cast %swap3A_558 : vector<16xi32> to vector<16xi32>
      %swap3A_560 = vector.shape_cast %get3A_556 : vector<16xi32> to vector<16xi32>
      tpu.vector_store %arg9[%swap3A_557], %swap3A_560 {strides = array<i32>} : memref<128xi32, #tpu.memory_space<vmem>>, vector<16xi32>,
      %mul3A_561 = arith.constant 128 : i32
      %mul3A_562 = arith.muli %add3A_470, %mul3A_561 : i32
      %add3A_563 = arith.constant 80 : i32
      %add3A_564 = arith.addi %mul3A_562, %add3A_563 : i32
      %get3A_565 = arith.index_cast %add3A_564 : i32 to index
      %get3A_566 = tpu.vector_load %arg5[%get3A_565] {strides = array<i32>} : memref<10000xi32, #tpu.memory_space<vmem>>, vector<16xi32>,
      %get3A_567 = vector.shape_cast %get3A_566 : vector<16xi32> to vector<16xi32>
      %swap3A_568 = arith.constant 80 : index
      %swap3A_569 = tpu.vector_load %arg7[%swap3A_568] {strides = array<i32>} : memref<128xi32, #tpu.memory_space<vmem>>, vector<16xi32>,
      %swap3A_570 = vector.shape_cast %swap3A_569 : vector<16xi32> to vector<16xi32>
      %swap3A_571 = vector.shape_cast %get3A_567 : vector<16xi32> to vector<16xi32>
      tpu.vector_store %arg7[%swap3A_568], %swap3A_571 {strides = array<i32>} : memref<128xi32, #tpu.memory_space<vmem>>, vector<16xi32>,
      %get3A_572 = arith.index_cast %add3A_564 : i32 to index
      %get3A_573 = tpu.vector_load %arg6[%get3A_572] {strides = array<i32>} : memref<10000xi32, #tpu.memory_space<vmem>>, vector<16xi32>,
      %get3A_574 = vector.shape_cast %get3A_573 : vector<16xi32> to vector<16xi32>
      %swap3A_575 = arith.constant 80 : index
      %swap3A_576 = tpu.vector_load %arg9[%swap3A_575] {strides = array<i32>} : memref<128xi32, #tpu.memory_space<vmem>>, vector<16xi32>,
      %swap3A_577 = vector.shape_cast %swap3A_576 : vector<16xi32> to vector<16xi32>
      %swap3A_578 = vector.shape_cast %get3A_574 : vector<16xi32> to vector<16xi32>
      tpu.vector_store %arg9[%swap3A_575], %swap3A_578 {strides = array<i32>} : memref<128xi32, #tpu.memory_space<vmem>>, vector<16xi32>,
      %mul3A_579 = arith.constant 128 : i32
      %mul3A_580 = arith.muli %add3A_470, %mul3A_579 : i32
      %add3A_581 = arith.constant 96 : i32
      %add3A_582 = arith.addi %mul3A_580, %add3A_581 : i32
      %get3A_583 = arith.index_cast %add3A_582 : i32 to index
      %get3A_584 = tpu.vector_load %arg5[%get3A_583] {strides = array<i32>} : memref<10000xi32, #tpu.memory_space<vmem>>, vector<16xi32>,
      %get3A_585 = vector.shape_cast %get3A_584 : vector<16xi32> to vector<16xi32>
      %swap3A_586 = arith.constant 96 : index
      %swap3A_587 = tpu.vector_load %arg7[%swap3A_586] {strides = array<i32>} : memref<128xi32, #tpu.memory_space<vmem>>, vector<16xi32>,
      %swap3A_588 = vector.shape_cast %swap3A_587 : vector<16xi32> to vector<16xi32>
      %swap3A_589 = vector.shape_cast %get3A_585 : vector<16xi32> to vector<16xi32>
      tpu.vector_store %arg7[%swap3A_586], %swap3A_589 {strides = array<i32>} : memref<128xi32, #tpu.memory_space<vmem>>, vector<16xi32>,
      %get3A_590 = arith.index_cast %add3A_582 : i32 to index
      %get3A_591 = tpu.vector_load %arg6[%get3A_590] {strides = array<i32>} : memref<10000xi32, #tpu.memory_space<vmem>>, vector<16xi32>,
      %get3A_592 = vector.shape_cast %get3A_591 : vector<16xi32> to vector<16xi32>
      %swap3A_593 = arith.constant 96 : index
      %swap3A_594 = tpu.vector_load %arg9[%swap3A_593] {strides = array<i32>} : memref<128xi32, #tpu.memory_space<vmem>>, vector<16xi32>,
      %swap3A_595 = vector.shape_cast %swap3A_594 : vector<16xi32> to vector<16xi32>
      %swap3A_596 = vector.shape_cast %get3A_592 : vector<16xi32> to vector<16xi32>
      tpu.vector_store %arg9[%swap3A_593], %swap3A_596 {strides = array<i32>} : memref<128xi32, #tpu.memory_space<vmem>>, vector<16xi32>,
      %mul3A_597 = arith.constant 128 : i32
      %mul3A_598 = arith.muli %add3A_470, %mul3A_597 : i32
      %add3A_599 = arith.constant 112 : i32
      %add3A_600 = arith.addi %mul3A_598, %add3A_599 : i32
      %get3A_601 = arith.index_cast %add3A_600 : i32 to index
      %get3A_602 = tpu.vector_load %arg5[%get3A_601] {strides = array<i32>} : memref<10000xi32, #tpu.memory_space<vmem>>, vector<16xi32>,
      %get3A_603 = vector.shape_cast %get3A_602 : vector<16xi32> to vector<16xi32>
      %swap3A_604 = arith.constant 112 : index
      %swap3A_605 = tpu.vector_load %arg7[%swap3A_604] {strides = array<i32>} : memref<128xi32, #tpu.memory_space<vmem>>, vector<16xi32>,
      %swap3A_606 = vector.shape_cast %swap3A_605 : vector<16xi32> to vector<16xi32>
      %swap3A_607 = vector.shape_cast %get3A_603 : vector<16xi32> to vector<16xi32>
      tpu.vector_store %arg7[%swap3A_604], %swap3A_607 {strides = array<i32>} : memref<128xi32, #tpu.memory_space<vmem>>, vector<16xi32>,
      %get3A_608 = arith.index_cast %add3A_600 : i32 to index
      %get3A_609 = tpu.vector_load %arg6[%get3A_608] {strides = array<i32>} : memref<10000xi32, #tpu.memory_space<vmem>>, vector<16xi32>,
      %get3A_610 = vector.shape_cast %get3A_609 : vector<16xi32> to vector<16xi32>
      %swap3A_611 = arith.constant 112 : index
      %swap3A_612 = tpu.vector_load %arg9[%swap3A_611] {strides = array<i32>} : memref<128xi32, #tpu.memory_space<vmem>>, vector<16xi32>,
      %swap3A_613 = vector.shape_cast %swap3A_612 : vector<16xi32> to vector<16xi32>
      %swap3A_614 = vector.shape_cast %get3A_610 : vector<16xi32> to vector<16xi32>
      tpu.vector_store %arg9[%swap3A_611], %swap3A_614 {strides = array<i32>} : memref<128xi32, #tpu.memory_space<vmem>>, vector<16xi32>,
      %dma_start3A_615 = arith.constant 0 : i32
      %dma_start3A_616 = tpu.memref_slice %arg19[%dma_start3A_615] : memref<10240xf32, #tpu.memory_space<vmem_shared>> -> memref<10240xf32, #tpu.memory_space<vmem_shared>>
      tpu.enqueue_indirect_dma source(%arg17 : memref<128xf32, #tpu.memory_space<vmem>>) target(%dma_start3A_616 : memref<10240xf32, #tpu.memory_space<vmem_shared>>) offsets(%arg7 : memref<128xi32, #tpu.memory_space<vmem>>) semaphore(%arg13 : memref<!tpu.dma_semaphore, #tpu.memory_space<semaphore_mem>>) {add = true}
      %dma_start3A_617 = arith.constant 0 : i32
      %dma_start3A_618 = tpu.memref_slice %arg20[%dma_start3A_617] : memref<10240xf32, #tpu.memory_space<vmem_shared>> -> memref<10240xf32, #tpu.memory_space<vmem_shared>>
      tpu.enqueue_indirect_dma source(%arg17 : memref<128xf32, #tpu.memory_space<vmem>>) target(%dma_start3A_618 : memref<10240xf32, #tpu.memory_space<vmem_shared>>) offsets(%arg9 : memref<128xi32, #tpu.memory_space<vmem>>) semaphore(%arg15 : memref<!tpu.dma_semaphore, #tpu.memory_space<semaphore_mem>>) {add = true}
      %dma_wait3A_619 = arith.constant 0 : i32
      %dma_wait3A_620 = tpu.memref_slice %arg19[%dma_wait3A_619] : memref<10240xf32, #tpu.memory_space<vmem_shared>> -> memref<10240xf32, #tpu.memory_space<vmem_shared>>
      tpu.wait_indirect_dma semaphore(%arg14 : memref<!tpu.dma_semaphore, #tpu.memory_space<semaphore_mem>>) src(%arg17 : memref<128xf32, #tpu.memory_space<vmem>>) dst(%dma_wait3A_620 : memref<10240xf32, #tpu.memory_space<vmem_shared>>)
      %dma_wait3A_621 = arith.constant 0 : i32
      %dma_wait3A_622 = tpu.memref_slice %arg20[%dma_wait3A_621] : memref<10240xf32, #tpu.memory_space<vmem_shared>> -> memref<10240xf32, #tpu.memory_space<vmem_shared>>
      tpu.wait_indirect_dma semaphore(%arg16 : memref<!tpu.dma_semaphore, #tpu.memory_space<semaphore_mem>>) src(%arg17 : memref<128xf32, #tpu.memory_space<vmem>>) dst(%dma_wait3A_622 : memref<10240xf32, #tpu.memory_space<vmem_shared>>)
      %mul3A_623 = arith.constant 2 : i32
      %mul3A_624 = arith.muli %mul3A_623, %scan3A_460 : i32
      %add3A_625 = arith.constant 2 : i32
      %add3A_626 = arith.addi %mul3A_624, %add3A_625 : i32
      %add3A_627 = arith.constant 1 : i32
      %add3A_628 = arith.addi %add3A_626, %add3A_627 : i32
      %mul3A_629 = arith.constant 128 : i32
      %mul3A_630 = arith.muli %add3A_628, %mul3A_629 : i32
      %add3A_631 = arith.constant 0 : i32
      %add3A_632 = arith.addi %mul3A_630, %add3A_631 : i32
      %get3A_633 = arith.index_cast %add3A_632 : i32 to index
      %get3A_634 = tpu.vector_load %arg5[%get3A_633] {strides = array<i32>} : memref<10000xi32, #tpu.memory_space<vmem>>, vector<16xi32>,
      %get3A_635 = vector.shape_cast %get3A_634 : vector<16xi32> to vector<16xi32>
      %swap3A_636 = arith.constant 0 : index
      %swap3A_637 = tpu.vector_load %arg8[%swap3A_636] {strides = array<i32>} : memref<128xi32, #tpu.memory_space<vmem>>, vector<16xi32>,
      %swap3A_638 = vector.shape_cast %swap3A_637 : vector<16xi32> to vector<16xi32>
      %swap3A_639 = vector.shape_cast %get3A_635 : vector<16xi32> to vector<16xi32>
      tpu.vector_store %arg8[%swap3A_636], %swap3A_639 {strides = array<i32>} : memref<128xi32, #tpu.memory_space<vmem>>, vector<16xi32>,
      %get3A_640 = arith.index_cast %add3A_632 : i32 to index
      %get3A_641 = tpu.vector_load %arg6[%get3A_640] {strides = array<i32>} : memref<10000xi32, #tpu.memory_space<vmem>>, vector<16xi32>,
      %get3A_642 = vector.shape_cast %get3A_641 : vector<16xi32> to vector<16xi32>
      %swap3A_643 = arith.constant 0 : index
      %swap3A_644 = tpu.vector_load %arg10[%swap3A_643] {strides = array<i32>} : memref<128xi32, #tpu.memory_space<vmem>>, vector<16xi32>,
      %swap3A_645 = vector.shape_cast %swap3A_644 : vector<16xi32> to vector<16xi32>
      %swap3A_646 = vector.shape_cast %get3A_642 : vector<16xi32> to vector<16xi32>
      tpu.vector_store %arg10[%swap3A_643], %swap3A_646 {strides = array<i32>} : memref<128xi32, #tpu.memory_space<vmem>>, vector<16xi32>,
      %mul3A_647 = arith.constant 128 : i32
      %mul3A_648 = arith.muli %add3A_628, %mul3A_647 : i32
      %add3A_649 = arith.constant 16 : i32
      %add3A_650 = arith.addi %mul3A_648, %add3A_649 : i32
      %get3A_651 = arith.index_cast %add3A_650 : i32 to index
      %get3A_652 = tpu.vector_load %arg5[%get3A_651] {strides = array<i32>} : memref<10000xi32, #tpu.memory_space<vmem>>, vector<16xi32>,
      %get3A_653 = vector.shape_cast %get3A_652 : vector<16xi32> to vector<16xi32>
      %swap3A_654 = arith.constant 16 : index
      %swap3A_655 = tpu.vector_load %arg8[%swap3A_654] {strides = array<i32>} : memref<128xi32, #tpu.memory_space<vmem>>, vector<16xi32>,
      %swap3A_656 = vector.shape_cast %swap3A_655 : vector<16xi32> to vector<16xi32>
      %swap3A_657 = vector.shape_cast %get3A_653 : vector<16xi32> to vector<16xi32>
      tpu.vector_store %arg8[%swap3A_654], %swap3A_657 {strides = array<i32>} : memref<128xi32, #tpu.memory_space<vmem>>, vector<16xi32>,
      %get3A_658 = arith.index_cast %add3A_650 : i32 to index
      %get3A_659 = tpu.vector_load %arg6[%get3A_658] {strides = array<i32>} : memref<10000xi32, #tpu.memory_space<vmem>>, vector<16xi32>,
      %get3A_660 = vector.shape_cast %get3A_659 : vector<16xi32> to vector<16xi32>
      %swap3A_661 = arith.constant 16 : index
      %swap3A_662 = tpu.vector_load %arg10[%swap3A_661] {strides = array<i32>} : memref<128xi32, #tpu.memory_space<vmem>>, vector<16xi32>,
      %swap3A_663 = vector.shape_cast %swap3A_662 : vector<16xi32> to vector<16xi32>
      %swap3A_664 = vector.shape_cast %get3A_660 : vector<16xi32> to vector<16xi32>
      tpu.vector_store %arg10[%swap3A_661], %swap3A_664 {strides = array<i32>} : memref<128xi32, #tpu.memory_space<vmem>>, vector<16xi32>,
      %mul3A_665 = arith.constant 128 : i32
      %mul3A_666 = arith.muli %add3A_628, %mul3A_665 : i32
      %add3A_667 = arith.constant 32 : i32
      %add3A_668 = arith.addi %mul3A_666, %add3A_667 : i32
      %get3A_669 = arith.index_cast %add3A_668 : i32 to index
      %get3A_670 = tpu.vector_load %arg5[%get3A_669] {strides = array<i32>} : memref<10000xi32, #tpu.memory_space<vmem>>, vector<16xi32>,
      %get3A_671 = vector.shape_cast %get3A_670 : vector<16xi32> to vector<16xi32>
      %swap3A_672 = arith.constant 32 : index
      %swap3A_673 = tpu.vector_load %arg8[%swap3A_672] {strides = array<i32>} : memref<128xi32, #tpu.memory_space<vmem>>, vector<16xi32>,
      %swap3A_674 = vector.shape_cast %swap3A_673 : vector<16xi32> to vector<16xi32>
      %swap3A_675 = vector.shape_cast %get3A_671 : vector<16xi32> to vector<16xi32>
      tpu.vector_store %arg8[%swap3A_672], %swap3A_675 {strides = array<i32>} : memref<128xi32, #tpu.memory_space<vmem>>, vector<16xi32>,
      %get3A_676 = arith.index_cast %add3A_668 : i32 to index
      %get3A_677 = tpu.vector_load %arg6[%get3A_676] {strides = array<i32>} : memref<10000xi32, #tpu.memory_space<vmem>>, vector<16xi32>,
      %get3A_678 = vector.shape_cast %get3A_677 : vector<16xi32> to vector<16xi32>
      %swap3A_679 = arith.constant 32 : index
      %swap3A_680 = tpu.vector_load %arg10[%swap3A_679] {strides = array<i32>} : memref<128xi32, #tpu.memory_space<vmem>>, vector<16xi32>,
      %swap3A_681 = vector.shape_cast %swap3A_680 : vector<16xi32> to vector<16xi32>
      %swap3A_682 = vector.shape_cast %get3A_678 : vector<16xi32> to vector<16xi32>
      tpu.vector_store %arg10[%swap3A_679], %swap3A_682 {strides = array<i32>} : memref<128xi32, #tpu.memory_space<vmem>>, vector<16xi32>,
      %mul3A_683 = arith.constant 128 : i32
      %mul3A_684 = arith.muli %add3A_628, %mul3A_683 : i32
      %add3A_685 = arith.constant 48 : i32
      %add3A_686 = arith.addi %mul3A_684, %add3A_685 : i32
      %get3A_687 = arith.index_cast %add3A_686 : i32 to index
      %get3A_688 = tpu.vector_load %arg5[%get3A_687] {strides = array<i32>} : memref<10000xi32, #tpu.memory_space<vmem>>, vector<16xi32>,
      %get3A_689 = vector.shape_cast %get3A_688 : vector<16xi32> to vector<16xi32>
      %swap3A_690 = arith.constant 48 : index
      %swap3A_691 = tpu.vector_load %arg8[%swap3A_690] {strides = array<i32>} : memref<128xi32, #tpu.memory_space<vmem>>, vector<16xi32>,
      %swap3A_692 = vector.shape_cast %swap3A_691 : vector<16xi32> to vector<16xi32>
      %swap3A_693 = vector.shape_cast %get3A_689 : vector<16xi32> to vector<16xi32>
      tpu.vector_store %arg8[%swap3A_690], %swap3A_693 {strides = array<i32>} : memref<128xi32, #tpu.memory_space<vmem>>, vector<16xi32>,
      %get3A_694 = arith.index_cast %add3A_686 : i32 to index
      %get3A_695 = tpu.vector_load %arg6[%get3A_694] {strides = array<i32>} : memref<10000xi32, #tpu.memory_space<vmem>>, vector<16xi32>,
      %get3A_696 = vector.shape_cast %get3A_695 : vector<16xi32> to vector<16xi32>
      %swap3A_697 = arith.constant 48 : index
      %swap3A_698 = tpu.vector_load %arg10[%swap3A_697] {strides = array<i32>} : memref<128xi32, #tpu.memory_space<vmem>>, vector<16xi32>,
      %swap3A_699 = vector.shape_cast %swap3A_698 : vector<16xi32> to vector<16xi32>
      %swap3A_700 = vector.shape_cast %get3A_696 : vector<16xi32> to vector<16xi32>
      tpu.vector_store %arg10[%swap3A_697], %swap3A_700 {strides = array<i32>} : memref<128xi32, #tpu.memory_space<vmem>>, vector<16xi32>,
      %mul3A_701 = arith.constant 128 : i32
      %mul3A_702 = arith.muli %add3A_628, %mul3A_701 : i32
      %add3A_703 = arith.constant 64 : i32
      %add3A_704 = arith.addi %mul3A_702, %add3A_703 : i32
      %get3A_705 = arith.index_cast %add3A_704 : i32 to index
      %get3A_706 = tpu.vector_load %arg5[%get3A_705] {strides = array<i32>} : memref<10000xi32, #tpu.memory_space<vmem>>, vector<16xi32>,
      %get3A_707 = vector.shape_cast %get3A_706 : vector<16xi32> to vector<16xi32>
      %swap3A_708 = arith.constant 64 : index
      %swap3A_709 = tpu.vector_load %arg8[%swap3A_708] {strides = array<i32>} : memref<128xi32, #tpu.memory_space<vmem>>, vector<16xi32>,
      %swap3A_710 = vector.shape_cast %swap3A_709 : vector<16xi32> to vector<16xi32>
      %swap3A_711 = vector.shape_cast %get3A_707 : vector<16xi32> to vector<16xi32>
      tpu.vector_store %arg8[%swap3A_708], %swap3A_711 {strides = array<i32>} : memref<128xi32, #tpu.memory_space<vmem>>, vector<16xi32>,
      %get3A_712 = arith.index_cast %add3A_704 : i32 to index
      %get3A_713 = tpu.vector_load %arg6[%get3A_712] {strides = array<i32>} : memref<10000xi32, #tpu.memory_space<vmem>>, vector<16xi32>,
      %get3A_714 = vector.shape_cast %get3A_713 : vector<16xi32> to vector<16xi32>
      %swap3A_715 = arith.constant 64 : index
      %swap3A_716 = tpu.vector_load %arg10[%swap3A_715] {strides = array<i32>} : memref<128xi32, #tpu.memory_space<vmem>>, vector<16xi32>,
      %swap3A_717 = vector.shape_cast %swap3A_716 : vector<16xi32> to vector<16xi32>
      %swap3A_718 = vector.shape_cast %get3A_714 : vector<16xi32> to vector<16xi32>
      tpu.vector_store %arg10[%swap3A_715], %swap3A_718 {strides = array<i32>} : memref<128xi32, #tpu.memory_space<vmem>>, vector<16xi32>,
      %mul3A_719 = arith.constant 128 : i32
      %mul3A_720 = arith.muli %add3A_628, %mul3A_719 : i32
      %add3A_721 = arith.constant 80 : i32
      %add3A_722 = arith.addi %mul3A_720, %add3A_721 : i32
      %get3A_723 = arith.index_cast %add3A_722 : i32 to index
      %get3A_724 = tpu.vector_load %arg5[%get3A_723] {strides = array<i32>} : memref<10000xi32, #tpu.memory_space<vmem>>, vector<16xi32>,
      %get3A_725 = vector.shape_cast %get3A_724 : vector<16xi32> to vector<16xi32>
      %swap3A_726 = arith.constant 80 : index
      %swap3A_727 = tpu.vector_load %arg8[%swap3A_726] {strides = array<i32>} : memref<128xi32, #tpu.memory_space<vmem>>, vector<16xi32>,
      %swap3A_728 = vector.shape_cast %swap3A_727 : vector<16xi32> to vector<16xi32>
      %swap3A_729 = vector.shape_cast %get3A_725 : vector<16xi32> to vector<16xi32>
      tpu.vector_store %arg8[%swap3A_726], %swap3A_729 {strides = array<i32>} : memref<128xi32, #tpu.memory_space<vmem>>, vector<16xi32>,
      %get3A_730 = arith.index_cast %add3A_722 : i32 to index
      %get3A_731 = tpu.vector_load %arg6[%get3A_730] {strides = array<i32>} : memref<10000xi32, #tpu.memory_space<vmem>>, vector<16xi32>,
      %get3A_732 = vector.shape_cast %get3A_731 : vector<16xi32> to vector<16xi32>
      %swap3A_733 = arith.constant 80 : index
      %swap3A_734 = tpu.vector_load %arg10[%swap3A_733] {strides = array<i32>} : memref<128xi32, #tpu.memory_space<vmem>>, vector<16xi32>,
      %swap3A_735 = vector.shape_cast %swap3A_734 : vector<16xi32> to vector<16xi32>
      %swap3A_736 = vector.shape_cast %get3A_732 : vector<16xi32> to vector<16xi32>
      tpu.vector_store %arg10[%swap3A_733], %swap3A_736 {strides = array<i32>} : memref<128xi32, #tpu.memory_space<vmem>>, vector<16xi32>,
      %mul3A_737 = arith.constant 128 : i32
      %mul3A_738 = arith.muli %add3A_628, %mul3A_737 : i32
      %add3A_739 = arith.constant 96 : i32
      %add3A_740 = arith.addi %mul3A_738, %add3A_739 : i32
      %get3A_741 = arith.index_cast %add3A_740 : i32 to index
      %get3A_742 = tpu.vector_load %arg5[%get3A_741] {strides = array<i32>} : memref<10000xi32, #tpu.memory_space<vmem>>, vector<16xi32>,
      %get3A_743 = vector.shape_cast %get3A_742 : vector<16xi32> to vector<16xi32>
      %swap3A_744 = arith.constant 96 : index
      %swap3A_745 = tpu.vector_load %arg8[%swap3A_744] {strides = array<i32>} : memref<128xi32, #tpu.memory_space<vmem>>, vector<16xi32>,
      %swap3A_746 = vector.shape_cast %swap3A_745 : vector<16xi32> to vector<16xi32>
      %swap3A_747 = vector.shape_cast %get3A_743 : vector<16xi32> to vector<16xi32>
      tpu.vector_store %arg8[%swap3A_744], %swap3A_747 {strides = array<i32>} : memref<128xi32, #tpu.memory_space<vmem>>, vector<16xi32>,
      %get3A_748 = arith.index_cast %add3A_740 : i32 to index
      %get3A_749 = tpu.vector_load %arg6[%get3A_748] {strides = array<i32>} : memref<10000xi32, #tpu.memory_space<vmem>>, vector<16xi32>,
      %get3A_750 = vector.shape_cast %get3A_749 : vector<16xi32> to vector<16xi32>
      %swap3A_751 = arith.constant 96 : index
      %swap3A_752 = tpu.vector_load %arg10[%swap3A_751] {strides = array<i32>} : memref<128xi32, #tpu.memory_space<vmem>>, vector<16xi32>,
      %swap3A_753 = vector.shape_cast %swap3A_752 : vector<16xi32> to vector<16xi32>
      %swap3A_754 = vector.shape_cast %get3A_750 : vector<16xi32> to vector<16xi32>
      tpu.vector_store %arg10[%swap3A_751], %swap3A_754 {strides = array<i32>} : memref<128xi32, #tpu.memory_space<vmem>>, vector<16xi32>,
      %mul3A_755 = arith.constant 128 : i32
      %mul3A_756 = arith.muli %add3A_628, %mul3A_755 : i32
      %add3A_757 = arith.constant 112 : i32
      %add3A_758 = arith.addi %mul3A_756, %add3A_757 : i32
      %get3A_759 = arith.index_cast %add3A_758 : i32 to index
      %get3A_760 = tpu.vector_load %arg5[%get3A_759] {strides = array<i32>} : memref<10000xi32, #tpu.memory_space<vmem>>, vector<16xi32>,
      %get3A_761 = vector.shape_cast %get3A_760 : vector<16xi32> to vector<16xi32>
      %swap3A_762 = arith.constant 112 : index
      %swap3A_763 = tpu.vector_load %arg8[%swap3A_762] {strides = array<i32>} : memref<128xi32, #tpu.memory_space<vmem>>, vector<16xi32>,
      %swap3A_764 = vector.shape_cast %swap3A_763 : vector<16xi32> to vector<16xi32>
      %swap3A_765 = vector.shape_cast %get3A_761 : vector<16xi32> to vector<16xi32>
      tpu.vector_store %arg8[%swap3A_762], %swap3A_765 {strides = array<i32>} : memref<128xi32, #tpu.memory_space<vmem>>, vector<16xi32>,
      %get3A_766 = arith.index_cast %add3A_758 : i32 to index
      %get3A_767 = tpu.vector_load %arg6[%get3A_766] {strides = array<i32>} : memref<10000xi32, #tpu.memory_space<vmem>>, vector<16xi32>,
      %get3A_768 = vector.shape_cast %get3A_767 : vector<16xi32> to vector<16xi32>
      %swap3A_769 = arith.constant 112 : index
      %swap3A_770 = tpu.vector_load %arg10[%swap3A_769] {strides = array<i32>} : memref<128xi32, #tpu.memory_space<vmem>>, vector<16xi32>,
      %swap3A_771 = vector.shape_cast %swap3A_770 : vector<16xi32> to vector<16xi32>
      %swap3A_772 = vector.shape_cast %get3A_768 : vector<16xi32> to vector<16xi32>
      tpu.vector_store %arg10[%swap3A_769], %swap3A_772 {strides = array<i32>} : memref<128xi32, #tpu.memory_space<vmem>>, vector<16xi32>,
      %dma_start3A_773 = arith.constant 0 : i32
      %dma_start3A_774 = tpu.memref_slice %arg19[%dma_start3A_773] : memref<10240xf32, #tpu.memory_space<vmem_shared>> -> memref<10240xf32, #tpu.memory_space<vmem_shared>>
      tpu.enqueue_indirect_dma source(%arg17 : memref<128xf32, #tpu.memory_space<vmem>>) target(%dma_start3A_774 : memref<10240xf32, #tpu.memory_space<vmem_shared>>) offsets(%arg8 : memref<128xi32, #tpu.memory_space<vmem>>) semaphore(%arg14 : memref<!tpu.dma_semaphore, #tpu.memory_space<semaphore_mem>>) {add = true}
      %dma_start3A_775 = arith.constant 0 : i32
      %dma_start3A_776 = tpu.memref_slice %arg20[%dma_start3A_775] : memref<10240xf32, #tpu.memory_space<vmem_shared>> -> memref<10240xf32, #tpu.memory_space<vmem_shared>>
      tpu.enqueue_indirect_dma source(%arg17 : memref<128xf32, #tpu.memory_space<vmem>>) target(%dma_start3A_776 : memref<10240xf32, #tpu.memory_space<vmem_shared>>) offsets(%arg10 : memref<128xi32, #tpu.memory_space<vmem>>) semaphore(%arg16 : memref<!tpu.dma_semaphore, #tpu.memory_space<semaphore_mem>>) {add = true}
    }
    %scan3A_437 = arith.constant 38 : i32
    %dma_wait3A = arith.constant 0 : i32
    %dma_wait3A_438 = tpu.memref_slice %arg19[%dma_wait3A] : memref<10240xf32, #tpu.memory_space<vmem_shared>> -> memref<10240xf32, #tpu.memory_space<vmem_shared>>
    tpu.wait_indirect_dma semaphore(%arg13 : memref<!tpu.dma_semaphore, #tpu.memory_space<semaphore_mem>>) src(%arg17 : memref<128xf32, #tpu.memory_space<vmem>>) dst(%dma_wait3A_438 : memref<10240xf32, #tpu.memory_space<vmem_shared>>)
    %dma_wait3A_439 = arith.constant 0 : i32
    %dma_wait3A_440 = tpu.memref_slice %arg20[%dma_wait3A_439] : memref<10240xf32, #tpu.memory_space<vmem_shared>> -> memref<10240xf32, #tpu.memory_space<vmem_shared>>
    tpu.wait_indirect_dma semaphore(%arg15 : memref<!tpu.dma_semaphore, #tpu.memory_space<semaphore_mem>>) src(%arg17 : memref<128xf32, #tpu.memory_space<vmem>>) dst(%dma_wait3A_440 : memref<10240xf32, #tpu.memory_space<vmem_shared>>)
    %dma_wait3A_441 = arith.constant 0 : i32
    %dma_wait3A_442 = tpu.memref_slice %arg19[%dma_wait3A_441] : memref<10240xf32, #tpu.memory_space<vmem_shared>> -> memref<10240xf32, #tpu.memory_space<vmem_shared>>
    tpu.wait_indirect_dma semaphore(%arg14 : memref<!tpu.dma_semaphore, #tpu.memory_space<semaphore_mem>>) src(%arg17 : memref<128xf32, #tpu.memory_space<vmem>>) dst(%dma_wait3A_442 : memref<10240xf32, #tpu.memory_space<vmem_shared>>)
    %dma_wait3A_443 = arith.constant 0 : i32
    %dma_wait3A_444 = tpu.memref_slice %arg20[%dma_wait3A_443] : memref<10240xf32, #tpu.memory_space<vmem_shared>> -> memref<10240xf32, #tpu.memory_space<vmem_shared>>
    tpu.wait_indirect_dma semaphore(%arg16 : memref<!tpu.dma_semaphore, #tpu.memory_space<semaphore_mem>>) src(%arg17 : memref<128xf32, #tpu.memory_space<vmem>>) dst(%dma_wait3A_444 : memref<10240xf32, #tpu.memory_space<vmem_shared>>)
    %get3A_445 = arith.constant 9984 : index
    %get3A_446 = tpu.vector_load %arg5[%get3A_445] {strides = array<i32>} : memref<10000xi32, #tpu.memory_space<vmem>>, vector<16xi32>,
    %get3A_447 = vector.shape_cast %get3A_446 : vector<16xi32> to vector<16xi32>
    %swap3A_448 = arith.constant 0 : index
    %swap3A_449 = tpu.vector_load %arg11[%swap3A_448] {strides = array<i32>} : memref<16xi32, #tpu.memory_space<vmem>>, vector<16xi32>,
    %swap3A_450 = vector.shape_cast %swap3A_449 : vector<16xi32> to vector<16xi32>
    %swap3A_451 = vector.shape_cast %get3A_447 : vector<16xi32> to vector<16xi32>
    tpu.vector_store %arg11[%swap3A_448], %swap3A_451 {strides = array<i32>} : memref<16xi32, #tpu.memory_space<vmem>>, vector<16xi32>,
    %get3A_452 = arith.constant 9984 : index
    %get3A_453 = tpu.vector_load %arg6[%get3A_452] {strides = array<i32>} : memref<10000xi32, #tpu.memory_space<vmem>>, vector<16xi32>,
    %get3A_454 = vector.shape_cast %get3A_453 : vector<16xi32> to vector<16xi32>
    %swap3A_455 = arith.constant 0 : index
    %swap3A_456 = tpu.vector_load %arg12[%swap3A_455] {strides = array<i32>} : memref<16xi32, #tpu.memory_space<vmem>>, vector<16xi32>,
    %swap3A_457 = vector.shape_cast %swap3A_456 : vector<16xi32> to vector<16xi32>
    %swap3A_458 = vector.shape_cast %get3A_454 : vector<16xi32> to vector<16xi32>
    tpu.vector_store %arg12[%swap3A_455], %swap3A_458 {strides = array<i32>} : memref<16xi32, #tpu.memory_space<vmem>>, vector<16xi32>,
    "tpu.region"() ({
      %run_scoped3A = tpu.sem_alloc : memref<!tpu.dma_semaphore, #tpu.memory_space<semaphore_mem>>
      %dma_start3A_460 = arith.constant 0 : i32
      %dma_start3A_461 = tpu.memref_slice %arg17[%dma_start3A_460] : memref<128xf32, #tpu.memory_space<vmem>> -> memref<16xf32, #tpu.memory_space<vmem>>
      %dma_start3A_462 = arith.constant 0 : i32
      %dma_start3A_463 = tpu.memref_slice %arg19[%dma_start3A_462] : memref<10240xf32, #tpu.memory_space<vmem_shared>> -> memref<10240xf32, #tpu.memory_space<vmem_shared>>
      tpu.enqueue_indirect_dma source(%dma_start3A_461 : memref<16xf32, #tpu.memory_space<vmem>>) target(%dma_start3A_463 : memref<10240xf32, #tpu.memory_space<vmem_shared>>) offsets(%arg11 : memref<16xi32, #tpu.memory_space<vmem>>) semaphore(%run_scoped3A : memref<!tpu.dma_semaphore, #tpu.memory_space<semaphore_mem>>) {add = true}
      %dma_wait3A_464 = arith.constant 0 : i32
      %dma_wait3A_465 = tpu.memref_slice %arg17[%dma_wait3A_464] : memref<128xf32, #tpu.memory_space<vmem>> -> memref<16xf32, #tpu.memory_space<vmem>>
      %dma_wait3A_466 = arith.constant 0 : i32
      %dma_wait3A_467 = tpu.memref_slice %arg19[%dma_wait3A_466] : memref<10240xf32, #tpu.memory_space<vmem_shared>> -> memref<10240xf32, #tpu.memory_space<vmem_shared>>
      tpu.wait_indirect_dma semaphore(%run_scoped3A : memref<!tpu.dma_semaphore, #tpu.memory_space<semaphore_mem>>) src(%dma_wait3A_465 : memref<16xf32, #tpu.memory_space<vmem>>) dst(%dma_wait3A_467 : memref<10240xf32, #tpu.memory_space<vmem_shared>>)
      tpu.yield
    }) : () -> ()
    "tpu.region"() ({
      %run_scoped3A = tpu.sem_alloc : memref<!tpu.dma_semaphore, #tpu.memory_space<semaphore_mem>>
      %dma_start3A_460 = arith.constant 0 : i32
      %dma_start3A_461 = tpu.memref_slice %arg17[%dma_start3A_460] : memref<128xf32, #tpu.memory_space<vmem>> -> memref<16xf32, #tpu.memory_space<vmem>>
      %dma_start3A_462 = arith.constant 0 : i32
      %dma_start3A_463 = tpu.memref_slice %arg20[%dma_start3A_462] : memref<10240xf32, #tpu.memory_space<vmem_shared>> -> memref<10240xf32, #tpu.memory_space<vmem_shared>>
      tpu.enqueue_indirect_dma source(%dma_start3A_461 : memref<16xf32, #tpu.memory_space<vmem>>) target(%dma_start3A_463 : memref<10240xf32, #tpu.memory_space<vmem_shared>>) offsets(%arg12 : memref<16xi32, #tpu.memory_space<vmem>>) semaphore(%run_scoped3A : memref<!tpu.dma_semaphore, #tpu.memory_space<semaphore_mem>>) {add = true}
      %dma_wait3A_464 = arith.constant 0 : i32
      %dma_wait3A_465 = tpu.memref_slice %arg17[%dma_wait3A_464] : memref<128xf32, #tpu.memory_space<vmem>> -> memref<16xf32, #tpu.memory_space<vmem>>
      %dma_wait3A_466 = arith.constant 0 : i32
      %dma_wait3A_467 = tpu.memref_slice %arg20[%dma_wait3A_466] : memref<10240xf32, #tpu.memory_space<vmem_shared>> -> memref<10240xf32, #tpu.memory_space<vmem_shared>>
      tpu.wait_indirect_dma semaphore(%run_scoped3A : memref<!tpu.dma_semaphore, #tpu.memory_space<semaphore_mem>>) src(%dma_wait3A_465 : memref<16xf32, #tpu.memory_space<vmem>>) dst(%dma_wait3A_467 : memref<10240xf32, #tpu.memory_space<vmem_shared>>)
      tpu.yield
    }) : () -> ()
    %barrier3A_459 = arith.constant 0 : index
    tpu.barrier barrier_id(%barrier3A_459)
    "tpu.region"() ({
      %run_scoped3A = tpu.sem_alloc : memref<!tpu.dma_semaphore, #tpu.memory_space<semaphore_mem>>
      %dma_start3A_460 = tpu.memref_slice %arg3[%arg0, %mul3A_196] : memref<2x10240xf32, #tpu.memory_space<hbm>> -> memref<1x640xf32, #tpu.memory_space<hbm>>
      %dma_start3A_461 = tpu.memref_squeeze %dma_start3A_460 : memref<1x640xf32, #tpu.memory_space<hbm>> -> memref<640xf32, #tpu.memory_space<hbm>>
      %dma_start3A_462 = tpu.memref_slice %arg19[%mul3A_196] : memref<10240xf32, #tpu.memory_space<vmem_shared>> -> memref<640xf32, #tpu.memory_space<vmem_shared>>
      tpu.enqueue_dma source(%dma_start3A_462 : memref<640xf32, #tpu.memory_space<vmem_shared>>) target(%dma_start3A_461 : memref<640xf32, #tpu.memory_space<hbm>>) target_semaphore(%run_scoped3A : memref<!tpu.dma_semaphore, #tpu.memory_space<semaphore_mem>>)
      %dma_wait3A_463 = tpu.memref_slice %arg3[%arg0, %mul3A_196] : memref<2x10240xf32, #tpu.memory_space<hbm>> -> memref<1x640xf32, #tpu.memory_space<hbm>>
      %dma_wait3A_464 = tpu.memref_squeeze %dma_wait3A_463 : memref<1x640xf32, #tpu.memory_space<hbm>> -> memref<640xf32, #tpu.memory_space<hbm>>
      %dma_wait3A_465 = tpu.memref_slice %arg19[%mul3A_196] : memref<10240xf32, #tpu.memory_space<vmem_shared>> -> memref<640xf32, #tpu.memory_space<vmem_shared>>
      tpu.wait_dma2 semaphore(%run_scoped3A : memref<!tpu.dma_semaphore, #tpu.memory_space<semaphore_mem>>) src(%dma_wait3A_465 : memref<640xf32, #tpu.memory_space<vmem_shared>>) dst(%dma_wait3A_464 : memref<640xf32, #tpu.memory_space<hbm>>)
      tpu.yield
    }) : () -> ()
    "tpu.region"() ({
      %run_scoped3A = tpu.sem_alloc : memref<!tpu.dma_semaphore, #tpu.memory_space<semaphore_mem>>
      %dma_start3A_460 = tpu.memref_slice %arg4[%arg0, %mul3A_196] : memref<2x10240xf32, #tpu.memory_space<hbm>> -> memref<1x640xf32, #tpu.memory_space<hbm>>
      %dma_start3A_461 = tpu.memref_squeeze %dma_start3A_460 : memref<1x640xf32, #tpu.memory_space<hbm>> -> memref<640xf32, #tpu.memory_space<hbm>>
      %dma_start3A_462 = tpu.memref_slice %arg20[%mul3A_196] : memref<10240xf32, #tpu.memory_space<vmem_shared>> -> memref<640xf32, #tpu.memory_space<vmem_shared>>
      tpu.enqueue_dma source(%dma_start3A_462 : memref<640xf32, #tpu.memory_space<vmem_shared>>) target(%dma_start3A_461 : memref<640xf32, #tpu.memory_space<hbm>>) target_semaphore(%run_scoped3A : memref<!tpu.dma_semaphore, #tpu.memory_space<semaphore_mem>>)
      %dma_wait3A_463 = tpu.memref_slice %arg4[%arg0, %mul3A_196] : memref<2x10240xf32, #tpu.memory_space<hbm>> -> memref<1x640xf32, #tpu.memory_space<hbm>>
      %dma_wait3A_464 = tpu.memref_squeeze %dma_wait3A_463 : memref<1x640xf32, #tpu.memory_space<hbm>> -> memref<640xf32, #tpu.memory_space<hbm>>
      %dma_wait3A_465 = tpu.memref_slice %arg20[%mul3A_196] : memref<10240xf32, #tpu.memory_space<vmem_shared>> -> memref<640xf32, #tpu.memory_space<vmem_shared>>
      tpu.wait_dma2 semaphore(%run_scoped3A : memref<!tpu.dma_semaphore, #tpu.memory_space<semaphore_mem>>) src(%dma_wait3A_465 : memref<640xf32, #tpu.memory_space<vmem_shared>>) dst(%dma_wait3A_464 : memref<640xf32, #tpu.memory_space<hbm>>)
      tpu.yield
    }) : () -> ()
    return
  }
}

#map = affine_map<(d0, d1) -> (0, 0)>
#map1 = affine_map<(d0, d1) -> (0)>
#map2 = affine_map<(d0, d1) -> (0, 0, 0)>
module attributes {stable_mosaic.version = 14 : i64} {
  func.func @_aggregate(%arg0: i32, %arg1: i32, %arg2: memref<10000x128xf32, #tpu.memory_space<hbm>>, %arg3: memref<640000xi32, #tpu.memory_space<hbm>>, %arg4: memref<640x128xf32, #tpu.memory_space<hbm>>, %arg5: memref<2x10240x128xf32, #tpu.memory_space<hbm>>, %arg6: memref<10000xi32, #tpu.memory_space<vmem>>, %arg7: memref<128xi32, #tpu.memory_space<vmem>>, %arg8: memref<128xi32, #tpu.memory_space<vmem>>, %arg9: memref<16xi32, #tpu.memory_space<vmem>>, %arg10: memref<128x128xf32, #tpu.memory_space<vmem>>, %arg11: memref<128x128xf32, #tpu.memory_space<vmem>>, %arg12: memref<!tpu.dma_semaphore, #tpu.memory_space<semaphore_mem>>, %arg13: memref<!tpu.dma_semaphore, #tpu.memory_space<semaphore_mem>>, %arg14: memref<!tpu.dma_semaphore, #tpu.memory_space<semaphore_mem>>, %arg15: memref<!tpu.dma_semaphore, #tpu.memory_space<semaphore_mem>>, %arg16: memref<!tpu.dma_semaphore, #tpu.memory_space<semaphore_mem>>, %arg17: memref<!tpu.dma_semaphore, #tpu.memory_space<semaphore_mem>>, %arg18: memref<10240x128xf32, #tpu.memory_space<vmem_shared>>) attributes {dimension_semantics = [#tpu.dimension_semantics<core_parallel>, #tpu.dimension_semantics<subcore_parallel>], iteration_bounds = array<i64: 2, 16>, scalar_prefetch = 0 : i64, scratch_operands = 13 : i64, tpu.core_type = #tpu.core_type<sc_vector_subcore>, window_params = [{transform_indices = #map}, {transform_indices = #map1}, {transform_indices = #map}, {transform_indices = #map2}]} {
    %mul3A = arith.constant 2 : i32
    %mul3A_0 = arith.muli %arg1, %mul3A : i32
    %add3A = arith.addi %mul3A_0, %arg0 : i32
    %mul3A_1 = arith.constant 10000 : i32
    %mul3A_2 = arith.muli %add3A, %mul3A_1 : i32
    %mul3A_3 = arith.constant 640 : i32
    %mul3A_4 = arith.muli %arg1, %mul3A_3 : i32
    %dma_start3A = arith.constant 0 : i32
    %dma_start3A_5 = tpu.memref_slice %arg18[%mul3A_4, %dma_start3A] : memref<10240x128xf32, #tpu.memory_space<vmem_shared>> -> memref<640x128xf32, #tpu.memory_space<vmem_shared>>
    tpu.enqueue_dma source(%arg4 : memref<640x128xf32, #tpu.memory_space<hbm>>) target(%dma_start3A_5 : memref<640x128xf32, #tpu.memory_space<vmem_shared>>) target_semaphore(%arg17 : memref<!tpu.dma_semaphore, #tpu.memory_space<semaphore_mem>>)
    %dma_start3A_6 = tpu.memref_slice %arg3[%mul3A_2] : memref<640000xi32, #tpu.memory_space<hbm>> -> memref<10000xi32, #tpu.memory_space<hbm>>
    %dma_start3A_7 = tpu.memref_slice %arg3[%mul3A_2] : memref<640000xi32, #tpu.memory_space<hbm>> -> memref<10000xi32, #tpu.memory_space<hbm>>
    tpu.enqueue_dma source(%dma_start3A_7 : memref<10000xi32, #tpu.memory_space<hbm>>) target(%arg6 : memref<10000xi32, #tpu.memory_space<vmem>>) target_semaphore(%arg16 : memref<!tpu.dma_semaphore, #tpu.memory_space<semaphore_mem>>)
    %dma_wait3A = tpu.memref_slice %arg3[%mul3A_2] : memref<640000xi32, #tpu.memory_space<hbm>> -> memref<10000xi32, #tpu.memory_space<hbm>>
    %dma_wait3A_8 = tpu.memref_slice %arg3[%mul3A_2] : memref<640000xi32, #tpu.memory_space<hbm>> -> memref<10000xi32, #tpu.memory_space<hbm>>
    tpu.wait_dma2 semaphore(%arg16 : memref<!tpu.dma_semaphore, #tpu.memory_space<semaphore_mem>>) src(%dma_wait3A_8 : memref<10000xi32, #tpu.memory_space<hbm>>) dst(%arg6 : memref<10000xi32, #tpu.memory_space<vmem>>)
    %add3A_9 = arith.constant 320000 : i32
    %add3A_10 = arith.addi %add3A_9, %mul3A_2 : i32
    %add3A_11 = arith.constant 0 : i32
    %add3A_12 = arith.addi %add3A_10, %add3A_11 : i32
    %dma_start3A_13 = tpu.memref_slice %arg3[%add3A_12] : memref<640000xi32, #tpu.memory_space<hbm>> -> memref<128xi32, #tpu.memory_space<hbm>>
    %dma_start3A_14 = tpu.memref_slice %arg3[%add3A_12] : memref<640000xi32, #tpu.memory_space<hbm>> -> memref<128xi32, #tpu.memory_space<hbm>>
    tpu.enqueue_dma source(%dma_start3A_14 : memref<128xi32, #tpu.memory_space<hbm>>) target(%arg7 : memref<128xi32, #tpu.memory_space<vmem>>) target_semaphore(%arg14 : memref<!tpu.dma_semaphore, #tpu.memory_space<semaphore_mem>>)
    %dma_start3A_15 = arith.constant 0 : i32
    %dma_start3A_16 = tpu.memref_slice %arg6[%dma_start3A_15] : memref<10000xi32, #tpu.memory_space<vmem>> -> memref<128xi32, #tpu.memory_space<vmem>>
    %dma_start3A_17 = arith.constant 0 : i32
    %dma_start3A_18 = arith.constant 0 : i32
    %dma_start3A_19 = tpu.memref_slice %arg2[%dma_start3A_17, %dma_start3A_18] : memref<10000x128xf32, #tpu.memory_space<hbm>> -> memref<10000x128xf32, #tpu.memory_space<hbm>>
    tpu.enqueue_indirect_dma source(%dma_start3A_19 : memref<10000x128xf32, #tpu.memory_space<hbm>>) target(%arg10 : memref<128x128xf32, #tpu.memory_space<vmem>>) offsets(%dma_start3A_16 : memref<128xi32, #tpu.memory_space<vmem>>) semaphore(%arg12 : memref<!tpu.dma_semaphore, #tpu.memory_space<semaphore_mem>>)
    %add3A_20 = arith.constant 320000 : i32
    %add3A_21 = arith.addi %add3A_20, %mul3A_2 : i32
    %add3A_22 = arith.constant 128 : i32
    %add3A_23 = arith.addi %add3A_21, %add3A_22 : i32
    %dma_start3A_24 = tpu.memref_slice %arg3[%add3A_23] : memref<640000xi32, #tpu.memory_space<hbm>> -> memref<128xi32, #tpu.memory_space<hbm>>
    %dma_start3A_25 = tpu.memref_slice %arg3[%add3A_23] : memref<640000xi32, #tpu.memory_space<hbm>> -> memref<128xi32, #tpu.memory_space<hbm>>
    tpu.enqueue_dma source(%dma_start3A_25 : memref<128xi32, #tpu.memory_space<hbm>>) target(%arg8 : memref<128xi32, #tpu.memory_space<vmem>>) target_semaphore(%arg15 : memref<!tpu.dma_semaphore, #tpu.memory_space<semaphore_mem>>)
    %dma_start3A_26 = arith.constant 128 : i32
    %dma_start3A_27 = tpu.memref_slice %arg6[%dma_start3A_26] : memref<10000xi32, #tpu.memory_space<vmem>> -> memref<128xi32, #tpu.memory_space<vmem>>
    %dma_start3A_28 = arith.constant 0 : i32
    %dma_start3A_29 = arith.constant 0 : i32
    %dma_start3A_30 = tpu.memref_slice %arg2[%dma_start3A_28, %dma_start3A_29] : memref<10000x128xf32, #tpu.memory_space<hbm>> -> memref<10000x128xf32, #tpu.memory_space<hbm>>
    tpu.enqueue_indirect_dma source(%dma_start3A_30 : memref<10000x128xf32, #tpu.memory_space<hbm>>) target(%arg11 : memref<128x128xf32, #tpu.memory_space<vmem>>) offsets(%dma_start3A_27 : memref<128xi32, #tpu.memory_space<vmem>>) semaphore(%arg13 : memref<!tpu.dma_semaphore, #tpu.memory_space<semaphore_mem>>)
    %dma_wait3A_31 = arith.constant 0 : i32
    %dma_wait3A_32 = tpu.memref_slice %arg18[%mul3A_4, %dma_wait3A_31] : memref<10240x128xf32, #tpu.memory_space<vmem_shared>> -> memref<640x128xf32, #tpu.memory_space<vmem_shared>>
    tpu.wait_dma2 semaphore(%arg17 : memref<!tpu.dma_semaphore, #tpu.memory_space<semaphore_mem>>) src(%arg4 : memref<640x128xf32, #tpu.memory_space<hbm>>) dst(%dma_wait3A_32 : memref<640x128xf32, #tpu.memory_space<vmem_shared>>)
    %barrier3A = arith.constant 0 : index
    tpu.barrier barrier_id(%barrier3A)
    %scan3A = arith.constant 0 : i32
    %scan3A_33 = arith.constant 0 : i32
    %scan3A_34 = arith.constant 38 : i32
    %scan3A_35 = arith.addi %scan3A_33, %scan3A_34 : i32
    %scan3A_36 = arith.constant 1 : i32
    scf.for %scan3A_65 = %scan3A_33 to %scan3A_35 step %scan3A_36  : i32 {
      %mul3A_66 = arith.constant 2 : i32
      %mul3A_67 = arith.muli %mul3A_66, %scan3A_65 : i32
      %add3A_68 = arith.constant 0 : i32
      %add3A_69 = arith.addi %mul3A_67, %add3A_68 : i32
      %add3A_70 = arith.constant 320000 : i32
      %add3A_71 = arith.addi %add3A_70, %mul3A_2 : i32
      %mul3A_72 = arith.constant 128 : i32
      %mul3A_73 = arith.muli %add3A_69, %mul3A_72 : i32
      %add3A_74 = arith.addi %add3A_71, %mul3A_73 : i32
      %dma_wait3A_75 = tpu.memref_slice %arg3[%add3A_74] : memref<640000xi32, #tpu.memory_space<hbm>> -> memref<128xi32, #tpu.memory_space<hbm>>
      %dma_wait3A_76 = tpu.memref_slice %arg3[%add3A_74] : memref<640000xi32, #tpu.memory_space<hbm>> -> memref<128xi32, #tpu.memory_space<hbm>>
      tpu.wait_dma2 semaphore(%arg14 : memref<!tpu.dma_semaphore, #tpu.memory_space<semaphore_mem>>) src(%dma_wait3A_76 : memref<128xi32, #tpu.memory_space<hbm>>) dst(%arg7 : memref<128xi32, #tpu.memory_space<vmem>>)
      %mul3A_77 = arith.constant 128 : i32
      %mul3A_78 = arith.muli %add3A_69, %mul3A_77 : i32
      %dma_wait3A_79 = tpu.memref_slice %arg6[%mul3A_78] : memref<10000xi32, #tpu.memory_space<vmem>> -> memref<128xi32, #tpu.memory_space<vmem>>
      %dma_wait3A_80 = arith.constant 0 : i32
      %dma_wait3A_81 = arith.constant 0 : i32
      %dma_wait3A_82 = tpu.memref_slice %arg2[%dma_wait3A_80, %dma_wait3A_81] : memref<10000x128xf32, #tpu.memory_space<hbm>> -> memref<10000x128xf32, #tpu.memory_space<hbm>>
      tpu.wait_indirect_dma semaphore(%arg12 : memref<!tpu.dma_semaphore, #tpu.memory_space<semaphore_mem>>) src(%dma_wait3A_82 : memref<10000x128xf32, #tpu.memory_space<hbm>>) dst(%arg10 : memref<128x128xf32, #tpu.memory_space<vmem>>)
      "tpu.region"() ({
        %run_scoped3A = tpu.sem_alloc : memref<!tpu.dma_semaphore, #tpu.memory_space<semaphore_mem>>
        %dma_start3A_130 = arith.constant 0 : i32
        %dma_start3A_131 = arith.constant 0 : i32
        %dma_start3A_132 = tpu.memref_slice %arg18[%dma_start3A_130, %dma_start3A_131] : memref<10240x128xf32, #tpu.memory_space<vmem_shared>> -> memref<10240x128xf32, #tpu.memory_space<vmem_shared>>
        tpu.enqueue_indirect_dma source(%arg10 : memref<128x128xf32, #tpu.memory_space<vmem>>) target(%dma_start3A_132 : memref<10240x128xf32, #tpu.memory_space<vmem_shared>>) offsets(%arg7 : memref<128xi32, #tpu.memory_space<vmem>>) semaphore(%run_scoped3A : memref<!tpu.dma_semaphore, #tpu.memory_space<semaphore_mem>>) {add = true}
        %dma_wait3A_133 = arith.constant 0 : i32
        %dma_wait3A_134 = arith.constant 0 : i32
        %dma_wait3A_135 = tpu.memref_slice %arg18[%dma_wait3A_133, %dma_wait3A_134] : memref<10240x128xf32, #tpu.memory_space<vmem_shared>> -> memref<10240x128xf32, #tpu.memory_space<vmem_shared>>
        tpu.wait_indirect_dma semaphore(%run_scoped3A : memref<!tpu.dma_semaphore, #tpu.memory_space<semaphore_mem>>) src(%arg10 : memref<128x128xf32, #tpu.memory_space<vmem>>) dst(%dma_wait3A_135 : memref<10240x128xf32, #tpu.memory_space<vmem_shared>>)
        tpu.yield
      }) : () -> ()
      %add3A_83 = arith.constant 2 : i32
      %add3A_84 = arith.addi %add3A_69, %add3A_83 : i32
      %add3A_85 = arith.constant 320000 : i32
      %add3A_86 = arith.addi %add3A_85, %mul3A_2 : i32
      %mul3A_87 = arith.constant 128 : i32
      %mul3A_88 = arith.muli %add3A_84, %mul3A_87 : i32
      %add3A_89 = arith.addi %add3A_86, %mul3A_88 : i32
      %dma_start3A_90 = tpu.memref_slice %arg3[%add3A_89] : memref<640000xi32, #tpu.memory_space<hbm>> -> memref<128xi32, #tpu.memory_space<hbm>>
      %dma_start3A_91 = tpu.memref_slice %arg3[%add3A_89] : memref<640000xi32, #tpu.memory_space<hbm>> -> memref<128xi32, #tpu.memory_space<hbm>>
      tpu.enqueue_dma source(%dma_start3A_91 : memref<128xi32, #tpu.memory_space<hbm>>) target(%arg7 : memref<128xi32, #tpu.memory_space<vmem>>) target_semaphore(%arg14 : memref<!tpu.dma_semaphore, #tpu.memory_space<semaphore_mem>>)
      %mul3A_92 = arith.constant 128 : i32
      %mul3A_93 = arith.muli %add3A_84, %mul3A_92 : i32
      %dma_start3A_94 = tpu.memref_slice %arg6[%mul3A_93] : memref<10000xi32, #tpu.memory_space<vmem>> -> memref<128xi32, #tpu.memory_space<vmem>>
      %dma_start3A_95 = arith.constant 0 : i32
      %dma_start3A_96 = arith.constant 0 : i32
      %dma_start3A_97 = tpu.memref_slice %arg2[%dma_start3A_95, %dma_start3A_96] : memref<10000x128xf32, #tpu.memory_space<hbm>> -> memref<10000x128xf32, #tpu.memory_space<hbm>>
      tpu.enqueue_indirect_dma source(%dma_start3A_97 : memref<10000x128xf32, #tpu.memory_space<hbm>>) target(%arg10 : memref<128x128xf32, #tpu.memory_space<vmem>>) offsets(%dma_start3A_94 : memref<128xi32, #tpu.memory_space<vmem>>) semaphore(%arg12 : memref<!tpu.dma_semaphore, #tpu.memory_space<semaphore_mem>>)
      %mul3A_98 = arith.constant 2 : i32
      %mul3A_99 = arith.muli %mul3A_98, %scan3A_65 : i32
      %add3A_100 = arith.constant 1 : i32
      %add3A_101 = arith.addi %mul3A_99, %add3A_100 : i32
      %add3A_102 = arith.constant 320000 : i32
      %add3A_103 = arith.addi %add3A_102, %mul3A_2 : i32
      %mul3A_104 = arith.constant 128 : i32
      %mul3A_105 = arith.muli %add3A_101, %mul3A_104 : i32
      %add3A_106 = arith.addi %add3A_103, %mul3A_105 : i32
      %dma_wait3A_107 = tpu.memref_slice %arg3[%add3A_106] : memref<640000xi32, #tpu.memory_space<hbm>> -> memref<128xi32, #tpu.memory_space<hbm>>
      %dma_wait3A_108 = tpu.memref_slice %arg3[%add3A_106] : memref<640000xi32, #tpu.memory_space<hbm>> -> memref<128xi32, #tpu.memory_space<hbm>>
      tpu.wait_dma2 semaphore(%arg15 : memref<!tpu.dma_semaphore, #tpu.memory_space<semaphore_mem>>) src(%dma_wait3A_108 : memref<128xi32, #tpu.memory_space<hbm>>) dst(%arg8 : memref<128xi32, #tpu.memory_space<vmem>>)
      %mul3A_109 = arith.constant 128 : i32
      %mul3A_110 = arith.muli %add3A_101, %mul3A_109 : i32
      %dma_wait3A_111 = tpu.memref_slice %arg6[%mul3A_110] : memref<10000xi32, #tpu.memory_space<vmem>> -> memref<128xi32, #tpu.memory_space<vmem>>
      %dma_wait3A_112 = arith.constant 0 : i32
      %dma_wait3A_113 = arith.constant 0 : i32
      %dma_wait3A_114 = tpu.memref_slice %arg2[%dma_wait3A_112, %dma_wait3A_113] : memref<10000x128xf32, #tpu.memory_space<hbm>> -> memref<10000x128xf32, #tpu.memory_space<hbm>>
      tpu.wait_indirect_dma semaphore(%arg13 : memref<!tpu.dma_semaphore, #tpu.memory_space<semaphore_mem>>) src(%dma_wait3A_114 : memref<10000x128xf32, #tpu.memory_space<hbm>>) dst(%arg11 : memref<128x128xf32, #tpu.memory_space<vmem>>)
      "tpu.region"() ({
        %run_scoped3A = tpu.sem_alloc : memref<!tpu.dma_semaphore, #tpu.memory_space<semaphore_mem>>
        %dma_start3A_130 = arith.constant 0 : i32
        %dma_start3A_131 = arith.constant 0 : i32
        %dma_start3A_132 = tpu.memref_slice %arg18[%dma_start3A_130, %dma_start3A_131] : memref<10240x128xf32, #tpu.memory_space<vmem_shared>> -> memref<10240x128xf32, #tpu.memory_space<vmem_shared>>
        tpu.enqueue_indirect_dma source(%arg11 : memref<128x128xf32, #tpu.memory_space<vmem>>) target(%dma_start3A_132 : memref<10240x128xf32, #tpu.memory_space<vmem_shared>>) offsets(%arg8 : memref<128xi32, #tpu.memory_space<vmem>>) semaphore(%run_scoped3A : memref<!tpu.dma_semaphore, #tpu.memory_space<semaphore_mem>>) {add = true}
        %dma_wait3A_133 = arith.constant 0 : i32
        %dma_wait3A_134 = arith.constant 0 : i32
        %dma_wait3A_135 = tpu.memref_slice %arg18[%dma_wait3A_133, %dma_wait3A_134] : memref<10240x128xf32, #tpu.memory_space<vmem_shared>> -> memref<10240x128xf32, #tpu.memory_space<vmem_shared>>
        tpu.wait_indirect_dma semaphore(%run_scoped3A : memref<!tpu.dma_semaphore, #tpu.memory_space<semaphore_mem>>) src(%arg11 : memref<128x128xf32, #tpu.memory_space<vmem>>) dst(%dma_wait3A_135 : memref<10240x128xf32, #tpu.memory_space<vmem_shared>>)
        tpu.yield
      }) : () -> ()
      %add3A_115 = arith.constant 2 : i32
      %add3A_116 = arith.addi %add3A_101, %add3A_115 : i32
      %add3A_117 = arith.constant 320000 : i32
      %add3A_118 = arith.addi %add3A_117, %mul3A_2 : i32
      %mul3A_119 = arith.constant 128 : i32
      %mul3A_120 = arith.muli %add3A_116, %mul3A_119 : i32
      %add3A_121 = arith.addi %add3A_118, %mul3A_120 : i32
      %dma_start3A_122 = tpu.memref_slice %arg3[%add3A_121] : memref<640000xi32, #tpu.memory_space<hbm>> -> memref<128xi32, #tpu.memory_space<hbm>>
      %dma_start3A_123 = tpu.memref_slice %arg3[%add3A_121] : memref<640000xi32, #tpu.memory_space<hbm>> -> memref<128xi32, #tpu.memory_space<hbm>>
      tpu.enqueue_dma source(%dma_start3A_123 : memref<128xi32, #tpu.memory_space<hbm>>) target(%arg8 : memref<128xi32, #tpu.memory_space<vmem>>) target_semaphore(%arg15 : memref<!tpu.dma_semaphore, #tpu.memory_space<semaphore_mem>>)
      %mul3A_124 = arith.constant 128 : i32
      %mul3A_125 = arith.muli %add3A_116, %mul3A_124 : i32
      %dma_start3A_126 = tpu.memref_slice %arg6[%mul3A_125] : memref<10000xi32, #tpu.memory_space<vmem>> -> memref<128xi32, #tpu.memory_space<vmem>>
      %dma_start3A_127 = arith.constant 0 : i32
      %dma_start3A_128 = arith.constant 0 : i32
      %dma_start3A_129 = tpu.memref_slice %arg2[%dma_start3A_127, %dma_start3A_128] : memref<10000x128xf32, #tpu.memory_space<hbm>> -> memref<10000x128xf32, #tpu.memory_space<hbm>>
      tpu.enqueue_indirect_dma source(%dma_start3A_129 : memref<10000x128xf32, #tpu.memory_space<hbm>>) target(%arg11 : memref<128x128xf32, #tpu.memory_space<vmem>>) offsets(%dma_start3A_126 : memref<128xi32, #tpu.memory_space<vmem>>) semaphore(%arg13 : memref<!tpu.dma_semaphore, #tpu.memory_space<semaphore_mem>>)
    }
    %scan3A_37 = arith.constant 38 : i32
    %add3A_38 = arith.constant 320000 : i32
    %add3A_39 = arith.addi %add3A_38, %mul3A_2 : i32
    %add3A_40 = arith.constant 9728 : i32
    %add3A_41 = arith.addi %add3A_39, %add3A_40 : i32
    %dma_wait3A_42 = tpu.memref_slice %arg3[%add3A_41] : memref<640000xi32, #tpu.memory_space<hbm>> -> memref<128xi32, #tpu.memory_space<hbm>>
    %dma_wait3A_43 = tpu.memref_slice %arg3[%add3A_41] : memref<640000xi32, #tpu.memory_space<hbm>> -> memref<128xi32, #tpu.memory_space<hbm>>
    tpu.wait_dma2 semaphore(%arg14 : memref<!tpu.dma_semaphore, #tpu.memory_space<semaphore_mem>>) src(%dma_wait3A_43 : memref<128xi32, #tpu.memory_space<hbm>>) dst(%arg7 : memref<128xi32, #tpu.memory_space<vmem>>)
    %dma_wait3A_44 = arith.constant 9728 : i32
    %dma_wait3A_45 = tpu.memref_slice %arg6[%dma_wait3A_44] : memref<10000xi32, #tpu.memory_space<vmem>> -> memref<128xi32, #tpu.memory_space<vmem>>
    %dma_wait3A_46 = arith.constant 0 : i32
    %dma_wait3A_47 = arith.constant 0 : i32
    %dma_wait3A_48 = tpu.memref_slice %arg2[%dma_wait3A_46, %dma_wait3A_47] : memref<10000x128xf32, #tpu.memory_space<hbm>> -> memref<10000x128xf32, #tpu.memory_space<hbm>>
    tpu.wait_indirect_dma semaphore(%arg12 : memref<!tpu.dma_semaphore, #tpu.memory_space<semaphore_mem>>) src(%dma_wait3A_48 : memref<10000x128xf32, #tpu.memory_space<hbm>>) dst(%arg10 : memref<128x128xf32, #tpu.memory_space<vmem>>)
    "tpu.region"() ({
      %run_scoped3A = tpu.sem_alloc : memref<!tpu.dma_semaphore, #tpu.memory_space<semaphore_mem>>
      %dma_start3A_65 = arith.constant 0 : i32
      %dma_start3A_66 = arith.constant 0 : i32
      %dma_start3A_67 = tpu.memref_slice %arg18[%dma_start3A_65, %dma_start3A_66] : memref<10240x128xf32, #tpu.memory_space<vmem_shared>> -> memref<10240x128xf32, #tpu.memory_space<vmem_shared>>
      tpu.enqueue_indirect_dma source(%arg10 : memref<128x128xf32, #tpu.memory_space<vmem>>) target(%dma_start3A_67 : memref<10240x128xf32, #tpu.memory_space<vmem_shared>>) offsets(%arg7 : memref<128xi32, #tpu.memory_space<vmem>>) semaphore(%run_scoped3A : memref<!tpu.dma_semaphore, #tpu.memory_space<semaphore_mem>>) {add = true}
      %dma_wait3A_68 = arith.constant 0 : i32
      %dma_wait3A_69 = arith.constant 0 : i32
      %dma_wait3A_70 = tpu.memref_slice %arg18[%dma_wait3A_68, %dma_wait3A_69] : memref<10240x128xf32, #tpu.memory_space<vmem_shared>> -> memref<10240x128xf32, #tpu.memory_space<vmem_shared>>
      tpu.wait_indirect_dma semaphore(%run_scoped3A : memref<!tpu.dma_semaphore, #tpu.memory_space<semaphore_mem>>) src(%arg10 : memref<128x128xf32, #tpu.memory_space<vmem>>) dst(%dma_wait3A_70 : memref<10240x128xf32, #tpu.memory_space<vmem_shared>>)
      tpu.yield
    }) : () -> ()
    %add3A_49 = arith.constant 320000 : i32
    %add3A_50 = arith.addi %add3A_49, %mul3A_2 : i32
    %add3A_51 = arith.constant 9856 : i32
    %add3A_52 = arith.addi %add3A_50, %add3A_51 : i32
    %dma_wait3A_53 = tpu.memref_slice %arg3[%add3A_52] : memref<640000xi32, #tpu.memory_space<hbm>> -> memref<128xi32, #tpu.memory_space<hbm>>
    %dma_wait3A_54 = tpu.memref_slice %arg3[%add3A_52] : memref<640000xi32, #tpu.memory_space<hbm>> -> memref<128xi32, #tpu.memory_space<hbm>>
    tpu.wait_dma2 semaphore(%arg15 : memref<!tpu.dma_semaphore, #tpu.memory_space<semaphore_mem>>) src(%dma_wait3A_54 : memref<128xi32, #tpu.memory_space<hbm>>) dst(%arg8 : memref<128xi32, #tpu.memory_space<vmem>>)
    %dma_wait3A_55 = arith.constant 9856 : i32
    %dma_wait3A_56 = tpu.memref_slice %arg6[%dma_wait3A_55] : memref<10000xi32, #tpu.memory_space<vmem>> -> memref<128xi32, #tpu.memory_space<vmem>>
    %dma_wait3A_57 = arith.constant 0 : i32
    %dma_wait3A_58 = arith.constant 0 : i32
    %dma_wait3A_59 = tpu.memref_slice %arg2[%dma_wait3A_57, %dma_wait3A_58] : memref<10000x128xf32, #tpu.memory_space<hbm>> -> memref<10000x128xf32, #tpu.memory_space<hbm>>
    tpu.wait_indirect_dma semaphore(%arg13 : memref<!tpu.dma_semaphore, #tpu.memory_space<semaphore_mem>>) src(%dma_wait3A_59 : memref<10000x128xf32, #tpu.memory_space<hbm>>) dst(%arg11 : memref<128x128xf32, #tpu.memory_space<vmem>>)
    "tpu.region"() ({
      %run_scoped3A = tpu.sem_alloc : memref<!tpu.dma_semaphore, #tpu.memory_space<semaphore_mem>>
      %dma_start3A_65 = arith.constant 0 : i32
      %dma_start3A_66 = arith.constant 0 : i32
      %dma_start3A_67 = tpu.memref_slice %arg18[%dma_start3A_65, %dma_start3A_66] : memref<10240x128xf32, #tpu.memory_space<vmem_shared>> -> memref<10240x128xf32, #tpu.memory_space<vmem_shared>>
      tpu.enqueue_indirect_dma source(%arg11 : memref<128x128xf32, #tpu.memory_space<vmem>>) target(%dma_start3A_67 : memref<10240x128xf32, #tpu.memory_space<vmem_shared>>) offsets(%arg8 : memref<128xi32, #tpu.memory_space<vmem>>) semaphore(%run_scoped3A : memref<!tpu.dma_semaphore, #tpu.memory_space<semaphore_mem>>) {add = true}
      %dma_wait3A_68 = arith.constant 0 : i32
      %dma_wait3A_69 = arith.constant 0 : i32
      %dma_wait3A_70 = tpu.memref_slice %arg18[%dma_wait3A_68, %dma_wait3A_69] : memref<10240x128xf32, #tpu.memory_space<vmem_shared>> -> memref<10240x128xf32, #tpu.memory_space<vmem_shared>>
      tpu.wait_indirect_dma semaphore(%run_scoped3A : memref<!tpu.dma_semaphore, #tpu.memory_space<semaphore_mem>>) src(%arg11 : memref<128x128xf32, #tpu.memory_space<vmem>>) dst(%dma_wait3A_70 : memref<10240x128xf32, #tpu.memory_space<vmem_shared>>)
      tpu.yield
    }) : () -> ()
    %add3A_60 = arith.constant 320000 : i32
    %add3A_61 = arith.addi %add3A_60, %mul3A_2 : i32
    %add3A_62 = arith.constant 9984 : i32
    %add3A_63 = arith.addi %add3A_61, %add3A_62 : i32
    "tpu.region"() ({
      %run_scoped3A = tpu.sem_alloc : memref<!tpu.dma_semaphore, #tpu.memory_space<semaphore_mem>>
      %dma_start3A_65 = tpu.memref_slice %arg3[%add3A_63] : memref<640000xi32, #tpu.memory_space<hbm>> -> memref<16xi32, #tpu.memory_space<hbm>>
      %dma_start3A_66 = tpu.memref_slice %arg3[%add3A_63] : memref<640000xi32, #tpu.memory_space<hbm>> -> memref<16xi32, #tpu.memory_space<hbm>>
      tpu.enqueue_dma source(%dma_start3A_66 : memref<16xi32, #tpu.memory_space<hbm>>) target(%arg9 : memref<16xi32, #tpu.memory_space<vmem>>) target_semaphore(%run_scoped3A : memref<!tpu.dma_semaphore, #tpu.memory_space<semaphore_mem>>)
      %dma_wait3A_67 = tpu.memref_slice %arg3[%add3A_63] : memref<640000xi32, #tpu.memory_space<hbm>> -> memref<16xi32, #tpu.memory_space<hbm>>
      %dma_wait3A_68 = tpu.memref_slice %arg3[%add3A_63] : memref<640000xi32, #tpu.memory_space<hbm>> -> memref<16xi32, #tpu.memory_space<hbm>>
      tpu.wait_dma2 semaphore(%run_scoped3A : memref<!tpu.dma_semaphore, #tpu.memory_space<semaphore_mem>>) src(%dma_wait3A_68 : memref<16xi32, #tpu.memory_space<hbm>>) dst(%arg9 : memref<16xi32, #tpu.memory_space<vmem>>)
      tpu.yield
    }) : () -> ()
    "tpu.region"() ({
      %run_scoped3A = tpu.sem_alloc : memref<!tpu.dma_semaphore, #tpu.memory_space<semaphore_mem>>
      %dma_start3A_65 = arith.constant 0 : i32
      %dma_start3A_66 = arith.constant 0 : i32
      %dma_start3A_67 = tpu.memref_slice %arg10[%dma_start3A_65, %dma_start3A_66] : memref<128x128xf32, #tpu.memory_space<vmem>> -> memref<16x128xf32, #tpu.memory_space<vmem>>
      %dma_start3A_68 = arith.constant 9984 : i32
      %dma_start3A_69 = tpu.memref_slice %arg6[%dma_start3A_68] : memref<10000xi32, #tpu.memory_space<vmem>> -> memref<16xi32, #tpu.memory_space<vmem>>
      %dma_start3A_70 = arith.constant 0 : i32
      %dma_start3A_71 = arith.constant 0 : i32
      %dma_start3A_72 = tpu.memref_slice %arg2[%dma_start3A_70, %dma_start3A_71] : memref<10000x128xf32, #tpu.memory_space<hbm>> -> memref<10000x128xf32, #tpu.memory_space<hbm>>
      tpu.enqueue_indirect_dma source(%dma_start3A_72 : memref<10000x128xf32, #tpu.memory_space<hbm>>) target(%dma_start3A_67 : memref<16x128xf32, #tpu.memory_space<vmem>>) offsets(%dma_start3A_69 : memref<16xi32, #tpu.memory_space<vmem>>) semaphore(%run_scoped3A : memref<!tpu.dma_semaphore, #tpu.memory_space<semaphore_mem>>)
      %dma_wait3A_73 = arith.constant 0 : i32
      %dma_wait3A_74 = arith.constant 0 : i32
      %dma_wait3A_75 = tpu.memref_slice %arg10[%dma_wait3A_73, %dma_wait3A_74] : memref<128x128xf32, #tpu.memory_space<vmem>> -> memref<16x128xf32, #tpu.memory_space<vmem>>
      %dma_wait3A_76 = arith.constant 9984 : i32
      %dma_wait3A_77 = tpu.memref_slice %arg6[%dma_wait3A_76] : memref<10000xi32, #tpu.memory_space<vmem>> -> memref<16xi32, #tpu.memory_space<vmem>>
      %dma_wait3A_78 = arith.constant 0 : i32
      %dma_wait3A_79 = arith.constant 0 : i32
      %dma_wait3A_80 = tpu.memref_slice %arg2[%dma_wait3A_78, %dma_wait3A_79] : memref<10000x128xf32, #tpu.memory_space<hbm>> -> memref<10000x128xf32, #tpu.memory_space<hbm>>
      tpu.wait_indirect_dma semaphore(%run_scoped3A : memref<!tpu.dma_semaphore, #tpu.memory_space<semaphore_mem>>) src(%dma_wait3A_80 : memref<10000x128xf32, #tpu.memory_space<hbm>>) dst(%dma_wait3A_75 : memref<16x128xf32, #tpu.memory_space<vmem>>)
      tpu.yield
    }) : () -> ()
    "tpu.region"() ({
      %run_scoped3A = tpu.sem_alloc : memref<!tpu.dma_semaphore, #tpu.memory_space<semaphore_mem>>
      %dma_start3A_65 = arith.constant 0 : i32
      %dma_start3A_66 = arith.constant 0 : i32
      %dma_start3A_67 = tpu.memref_slice %arg10[%dma_start3A_65, %dma_start3A_66] : memref<128x128xf32, #tpu.memory_space<vmem>> -> memref<16x128xf32, #tpu.memory_space<vmem>>
      %dma_start3A_68 = arith.constant 0 : i32
      %dma_start3A_69 = arith.constant 0 : i32
      %dma_start3A_70 = tpu.memref_slice %arg18[%dma_start3A_68, %dma_start3A_69] : memref<10240x128xf32, #tpu.memory_space<vmem_shared>> -> memref<10240x128xf32, #tpu.memory_space<vmem_shared>>
      tpu.enqueue_indirect_dma source(%dma_start3A_67 : memref<16x128xf32, #tpu.memory_space<vmem>>) target(%dma_start3A_70 : memref<10240x128xf32, #tpu.memory_space<vmem_shared>>) offsets(%arg9 : memref<16xi32, #tpu.memory_space<vmem>>) semaphore(%run_scoped3A : memref<!tpu.dma_semaphore, #tpu.memory_space<semaphore_mem>>) {add = true}
      %dma_wait3A_71 = arith.constant 0 : i32
      %dma_wait3A_72 = arith.constant 0 : i32
      %dma_wait3A_73 = tpu.memref_slice %arg10[%dma_wait3A_71, %dma_wait3A_72] : memref<128x128xf32, #tpu.memory_space<vmem>> -> memref<16x128xf32, #tpu.memory_space<vmem>>
      %dma_wait3A_74 = arith.constant 0 : i32
      %dma_wait3A_75 = arith.constant 0 : i32
      %dma_wait3A_76 = tpu.memref_slice %arg18[%dma_wait3A_74, %dma_wait3A_75] : memref<10240x128xf32, #tpu.memory_space<vmem_shared>> -> memref<10240x128xf32, #tpu.memory_space<vmem_shared>>
      tpu.wait_indirect_dma semaphore(%run_scoped3A : memref<!tpu.dma_semaphore, #tpu.memory_space<semaphore_mem>>) src(%dma_wait3A_73 : memref<16x128xf32, #tpu.memory_space<vmem>>) dst(%dma_wait3A_76 : memref<10240x128xf32, #tpu.memory_space<vmem_shared>>)
      tpu.yield
    }) : () -> ()
    %barrier3A_64 = arith.constant 0 : index
    tpu.barrier barrier_id(%barrier3A_64)
    "tpu.region"() ({
      %run_scoped3A = tpu.sem_alloc : memref<!tpu.dma_semaphore, #tpu.memory_space<semaphore_mem>>
      %dma_start3A_65 = arith.constant 0 : i32
      %dma_start3A_66 = tpu.memref_slice %arg5[%arg0, %mul3A_4, %dma_start3A_65] : memref<2x10240x128xf32, #tpu.memory_space<hbm>> -> memref<1x640x128xf32, #tpu.memory_space<hbm>>
      %dma_start3A_67 = tpu.memref_squeeze %dma_start3A_66 : memref<1x640x128xf32, #tpu.memory_space<hbm>> -> memref<640x128xf32, #tpu.memory_space<hbm>>
      %dma_start3A_68 = arith.constant 0 : i32
      %dma_start3A_69 = tpu.memref_slice %arg18[%mul3A_4, %dma_start3A_68] : memref<10240x128xf32, #tpu.memory_space<vmem_shared>> -> memref<640x128xf32, #tpu.memory_space<vmem_shared>>
      tpu.enqueue_dma source(%dma_start3A_69 : memref<640x128xf32, #tpu.memory_space<vmem_shared>>) target(%dma_start3A_67 : memref<640x128xf32, #tpu.memory_space<hbm>>) target_semaphore(%run_scoped3A : memref<!tpu.dma_semaphore, #tpu.memory_space<semaphore_mem>>)
      %dma_wait3A_70 = arith.constant 0 : i32
      %dma_wait3A_71 = tpu.memref_slice %arg5[%arg0, %mul3A_4, %dma_wait3A_70] : memref<2x10240x128xf32, #tpu.memory_space<hbm>> -> memref<1x640x128xf32, #tpu.memory_space<hbm>>
      %dma_wait3A_72 = tpu.memref_squeeze %dma_wait3A_71 : memref<1x640x128xf32, #tpu.memory_space<hbm>> -> memref<640x128xf32, #tpu.memory_space<hbm>>
      %dma_wait3A_73 = arith.constant 0 : i32
      %dma_wait3A_74 = tpu.memref_slice %arg18[%mul3A_4, %dma_wait3A_73] : memref<10240x128xf32, #tpu.memory_space<vmem_shared>> -> memref<640x128xf32, #tpu.memory_space<vmem_shared>>
      tpu.wait_dma2 semaphore(%run_scoped3A : memref<!tpu.dma_semaphore, #tpu.memory_space<semaphore_mem>>) src(%dma_wait3A_74 : memref<640x128xf32, #tpu.memory_space<vmem_shared>>) dst(%dma_wait3A_72 : memref<640x128xf32, #tpu.memory_space<hbm>>)
      tpu.yield
    }) : () -> ()
    return
  }
}

#map = affine_map<(d0, d1) -> (0, 0)>
#map1 = affine_map<(d0, d1) -> (0)>
#map2 = affine_map<(d0, d1) -> (0, 0, 0)>
module attributes {stable_mosaic.version = 14 : i64} {
  func.func @_aggregate(%arg0: i32, %arg1: i32, %arg2: memref<10000x128xf32, #tpu.memory_space<hbm>>, %arg3: memref<640000xi32, #tpu.memory_space<hbm>>, %arg4: memref<640x128xf32, #tpu.memory_space<hbm>>, %arg5: memref<2x10240x128xf32, #tpu.memory_space<hbm>>, %arg6: memref<10000xi32, #tpu.memory_space<vmem>>, %arg7: memref<128xi32, #tpu.memory_space<vmem>>, %arg8: memref<128xi32, #tpu.memory_space<vmem>>, %arg9: memref<16xi32, #tpu.memory_space<vmem>>, %arg10: memref<128x128xf32, #tpu.memory_space<vmem>>, %arg11: memref<128x128xf32, #tpu.memory_space<vmem>>, %arg12: memref<!tpu.dma_semaphore, #tpu.memory_space<semaphore_mem>>, %arg13: memref<!tpu.dma_semaphore, #tpu.memory_space<semaphore_mem>>, %arg14: memref<!tpu.dma_semaphore, #tpu.memory_space<semaphore_mem>>, %arg15: memref<!tpu.dma_semaphore, #tpu.memory_space<semaphore_mem>>, %arg16: memref<!tpu.dma_semaphore, #tpu.memory_space<semaphore_mem>>, %arg17: memref<!tpu.dma_semaphore, #tpu.memory_space<semaphore_mem>>, %arg18: memref<10240x128xf32, #tpu.memory_space<vmem_shared>>) attributes {dimension_semantics = [#tpu.dimension_semantics<core_parallel>, #tpu.dimension_semantics<subcore_parallel>], iteration_bounds = array<i64: 2, 16>, scalar_prefetch = 0 : i64, scratch_operands = 13 : i64, tpu.core_type = #tpu.core_type<sc_vector_subcore>, window_params = [{transform_indices = #map}, {transform_indices = #map1}, {transform_indices = #map}, {transform_indices = #map2}]} {
    %mul3A = arith.constant 2 : i32
    %mul3A_0 = arith.muli %arg1, %mul3A : i32
    %add3A = arith.addi %mul3A_0, %arg0 : i32
    %mul3A_1 = arith.constant 10000 : i32
    %mul3A_2 = arith.muli %add3A, %mul3A_1 : i32
    %mul3A_3 = arith.constant 640 : i32
    %mul3A_4 = arith.muli %arg1, %mul3A_3 : i32
    %dma_start3A = arith.constant 0 : i32
    %dma_start3A_5 = tpu.memref_slice %arg18[%mul3A_4, %dma_start3A] : memref<10240x128xf32, #tpu.memory_space<vmem_shared>> -> memref<640x128xf32, #tpu.memory_space<vmem_shared>>
    tpu.enqueue_dma source(%arg4 : memref<640x128xf32, #tpu.memory_space<hbm>>) target(%dma_start3A_5 : memref<640x128xf32, #tpu.memory_space<vmem_shared>>) target_semaphore(%arg17 : memref<!tpu.dma_semaphore, #tpu.memory_space<semaphore_mem>>)
    %dma_start3A_6 = tpu.memref_slice %arg3[%mul3A_2] : memref<640000xi32, #tpu.memory_space<hbm>> -> memref<10000xi32, #tpu.memory_space<hbm>>
    %dma_start3A_7 = tpu.memref_slice %arg3[%mul3A_2] : memref<640000xi32, #tpu.memory_space<hbm>> -> memref<10000xi32, #tpu.memory_space<hbm>>
    tpu.enqueue_dma source(%dma_start3A_7 : memref<10000xi32, #tpu.memory_space<hbm>>) target(%arg6 : memref<10000xi32, #tpu.memory_space<vmem>>) target_semaphore(%arg16 : memref<!tpu.dma_semaphore, #tpu.memory_space<semaphore_mem>>)
    %dma_wait3A = tpu.memref_slice %arg3[%mul3A_2] : memref<640000xi32, #tpu.memory_space<hbm>> -> memref<10000xi32, #tpu.memory_space<hbm>>
    %dma_wait3A_8 = tpu.memref_slice %arg3[%mul3A_2] : memref<640000xi32, #tpu.memory_space<hbm>> -> memref<10000xi32, #tpu.memory_space<hbm>>
    tpu.wait_dma2 semaphore(%arg16 : memref<!tpu.dma_semaphore, #tpu.memory_space<semaphore_mem>>) src(%dma_wait3A_8 : memref<10000xi32, #tpu.memory_space<hbm>>) dst(%arg6 : memref<10000xi32, #tpu.memory_space<vmem>>)
    %add3A_9 = arith.constant 320000 : i32
    %add3A_10 = arith.addi %add3A_9, %mul3A_2 : i32
    %add3A_11 = arith.constant 0 : i32
    %add3A_12 = arith.addi %add3A_10, %add3A_11 : i32
    %dma_start3A_13 = tpu.memref_slice %arg3[%add3A_12] : memref<640000xi32, #tpu.memory_space<hbm>> -> memref<128xi32, #tpu.memory_space<hbm>>
    %dma_start3A_14 = tpu.memref_slice %arg3[%add3A_12] : memref<640000xi32, #tpu.memory_space<hbm>> -> memref<128xi32, #tpu.memory_space<hbm>>
    tpu.enqueue_dma source(%dma_start3A_14 : memref<128xi32, #tpu.memory_space<hbm>>) target(%arg7 : memref<128xi32, #tpu.memory_space<vmem>>) target_semaphore(%arg14 : memref<!tpu.dma_semaphore, #tpu.memory_space<semaphore_mem>>)
    %dma_start3A_15 = arith.constant 0 : i32
    %dma_start3A_16 = tpu.memref_slice %arg6[%dma_start3A_15] : memref<10000xi32, #tpu.memory_space<vmem>> -> memref<128xi32, #tpu.memory_space<vmem>>
    %dma_start3A_17 = arith.constant 0 : i32
    %dma_start3A_18 = arith.constant 0 : i32
    %dma_start3A_19 = tpu.memref_slice %arg2[%dma_start3A_17, %dma_start3A_18] : memref<10000x128xf32, #tpu.memory_space<hbm>> -> memref<10000x128xf32, #tpu.memory_space<hbm>>
    tpu.enqueue_indirect_dma source(%dma_start3A_19 : memref<10000x128xf32, #tpu.memory_space<hbm>>) target(%arg10 : memref<128x128xf32, #tpu.memory_space<vmem>>) offsets(%dma_start3A_16 : memref<128xi32, #tpu.memory_space<vmem>>) semaphore(%arg12 : memref<!tpu.dma_semaphore, #tpu.memory_space<semaphore_mem>>)
    %add3A_20 = arith.constant 320000 : i32
    %add3A_21 = arith.addi %add3A_20, %mul3A_2 : i32
    %add3A_22 = arith.constant 128 : i32
    %add3A_23 = arith.addi %add3A_21, %add3A_22 : i32
    %dma_start3A_24 = tpu.memref_slice %arg3[%add3A_23] : memref<640000xi32, #tpu.memory_space<hbm>> -> memref<128xi32, #tpu.memory_space<hbm>>
    %dma_start3A_25 = tpu.memref_slice %arg3[%add3A_23] : memref<640000xi32, #tpu.memory_space<hbm>> -> memref<128xi32, #tpu.memory_space<hbm>>
    tpu.enqueue_dma source(%dma_start3A_25 : memref<128xi32, #tpu.memory_space<hbm>>) target(%arg8 : memref<128xi32, #tpu.memory_space<vmem>>) target_semaphore(%arg15 : memref<!tpu.dma_semaphore, #tpu.memory_space<semaphore_mem>>)
    %dma_start3A_26 = arith.constant 128 : i32
    %dma_start3A_27 = tpu.memref_slice %arg6[%dma_start3A_26] : memref<10000xi32, #tpu.memory_space<vmem>> -> memref<128xi32, #tpu.memory_space<vmem>>
    %dma_start3A_28 = arith.constant 0 : i32
    %dma_start3A_29 = arith.constant 0 : i32
    %dma_start3A_30 = tpu.memref_slice %arg2[%dma_start3A_28, %dma_start3A_29] : memref<10000x128xf32, #tpu.memory_space<hbm>> -> memref<10000x128xf32, #tpu.memory_space<hbm>>
    tpu.enqueue_indirect_dma source(%dma_start3A_30 : memref<10000x128xf32, #tpu.memory_space<hbm>>) target(%arg11 : memref<128x128xf32, #tpu.memory_space<vmem>>) offsets(%dma_start3A_27 : memref<128xi32, #tpu.memory_space<vmem>>) semaphore(%arg13 : memref<!tpu.dma_semaphore, #tpu.memory_space<semaphore_mem>>)
    %dma_wait3A_31 = arith.constant 0 : i32
    %dma_wait3A_32 = tpu.memref_slice %arg18[%mul3A_4, %dma_wait3A_31] : memref<10240x128xf32, #tpu.memory_space<vmem_shared>> -> memref<640x128xf32, #tpu.memory_space<vmem_shared>>
    tpu.wait_dma2 semaphore(%arg17 : memref<!tpu.dma_semaphore, #tpu.memory_space<semaphore_mem>>) src(%arg4 : memref<640x128xf32, #tpu.memory_space<hbm>>) dst(%dma_wait3A_32 : memref<640x128xf32, #tpu.memory_space<vmem_shared>>)
    %barrier3A = arith.constant 0 : index
    tpu.barrier barrier_id(%barrier3A)
    %scan3A = arith.constant 0 : i32
    %scan3A_33 = arith.constant 0 : i32
    %scan3A_34 = arith.constant 38 : i32
    %scan3A_35 = arith.addi %scan3A_33, %scan3A_34 : i32
    %scan3A_36 = arith.constant 1 : i32
    scf.for %scan3A_65 = %scan3A_33 to %scan3A_35 step %scan3A_36  : i32 {
      %mul3A_66 = arith.constant 2 : i32
      %mul3A_67 = arith.muli %mul3A_66, %scan3A_65 : i32
      %add3A_68 = arith.constant 0 : i32
      %add3A_69 = arith.addi %mul3A_67, %add3A_68 : i32
      %add3A_70 = arith.constant 320000 : i32
      %add3A_71 = arith.addi %add3A_70, %mul3A_2 : i32
      %mul3A_72 = arith.constant 128 : i32
      %mul3A_73 = arith.muli %add3A_69, %mul3A_72 : i32
      %add3A_74 = arith.addi %add3A_71, %mul3A_73 : i32
      %dma_wait3A_75 = tpu.memref_slice %arg3[%add3A_74] : memref<640000xi32, #tpu.memory_space<hbm>> -> memref<128xi32, #tpu.memory_space<hbm>>
      %dma_wait3A_76 = tpu.memref_slice %arg3[%add3A_74] : memref<640000xi32, #tpu.memory_space<hbm>> -> memref<128xi32, #tpu.memory_space<hbm>>
      tpu.wait_dma2 semaphore(%arg14 : memref<!tpu.dma_semaphore, #tpu.memory_space<semaphore_mem>>) src(%dma_wait3A_76 : memref<128xi32, #tpu.memory_space<hbm>>) dst(%arg7 : memref<128xi32, #tpu.memory_space<vmem>>)
      %mul3A_77 = arith.constant 128 : i32
      %mul3A_78 = arith.muli %add3A_69, %mul3A_77 : i32
      %dma_wait3A_79 = tpu.memref_slice %arg6[%mul3A_78] : memref<10000xi32, #tpu.memory_space<vmem>> -> memref<128xi32, #tpu.memory_space<vmem>>
      %dma_wait3A_80 = arith.constant 0 : i32
      %dma_wait3A_81 = arith.constant 0 : i32
      %dma_wait3A_82 = tpu.memref_slice %arg2[%dma_wait3A_80, %dma_wait3A_81] : memref<10000x128xf32, #tpu.memory_space<hbm>> -> memref<10000x128xf32, #tpu.memory_space<hbm>>
      tpu.wait_indirect_dma semaphore(%arg12 : memref<!tpu.dma_semaphore, #tpu.memory_space<semaphore_mem>>) src(%dma_wait3A_82 : memref<10000x128xf32, #tpu.memory_space<hbm>>) dst(%arg10 : memref<128x128xf32, #tpu.memory_space<vmem>>)
      "tpu.region"() ({
        %run_scoped3A = tpu.sem_alloc : memref<!tpu.dma_semaphore, #tpu.memory_space<semaphore_mem>>
        %dma_start3A_130 = arith.constant 0 : i32
        %dma_start3A_131 = arith.constant 0 : i32
        %dma_start3A_132 = tpu.memref_slice %arg18[%dma_start3A_130, %dma_start3A_131] : memref<10240x128xf32, #tpu.memory_space<vmem_shared>> -> memref<10240x128xf32, #tpu.memory_space<vmem_shared>>
        tpu.enqueue_indirect_dma source(%arg10 : memref<128x128xf32, #tpu.memory_space<vmem>>) target(%dma_start3A_132 : memref<10240x128xf32, #tpu.memory_space<vmem_shared>>) offsets(%arg7 : memref<128xi32, #tpu.memory_space<vmem>>) semaphore(%run_scoped3A : memref<!tpu.dma_semaphore, #tpu.memory_space<semaphore_mem>>) {add = true}
        %dma_wait3A_133 = arith.constant 0 : i32
        %dma_wait3A_134 = arith.constant 0 : i32
        %dma_wait3A_135 = tpu.memref_slice %arg18[%dma_wait3A_133, %dma_wait3A_134] : memref<10240x128xf32, #tpu.memory_space<vmem_shared>> -> memref<10240x128xf32, #tpu.memory_space<vmem_shared>>
        tpu.wait_indirect_dma semaphore(%run_scoped3A : memref<!tpu.dma_semaphore, #tpu.memory_space<semaphore_mem>>) src(%arg10 : memref<128x128xf32, #tpu.memory_space<vmem>>) dst(%dma_wait3A_135 : memref<10240x128xf32, #tpu.memory_space<vmem_shared>>)
        tpu.yield
      }) : () -> ()
      %add3A_83 = arith.constant 2 : i32
      %add3A_84 = arith.addi %add3A_69, %add3A_83 : i32
      %add3A_85 = arith.constant 320000 : i32
      %add3A_86 = arith.addi %add3A_85, %mul3A_2 : i32
      %mul3A_87 = arith.constant 128 : i32
      %mul3A_88 = arith.muli %add3A_84, %mul3A_87 : i32
      %add3A_89 = arith.addi %add3A_86, %mul3A_88 : i32
      %dma_start3A_90 = tpu.memref_slice %arg3[%add3A_89] : memref<640000xi32, #tpu.memory_space<hbm>> -> memref<128xi32, #tpu.memory_space<hbm>>
      %dma_start3A_91 = tpu.memref_slice %arg3[%add3A_89] : memref<640000xi32, #tpu.memory_space<hbm>> -> memref<128xi32, #tpu.memory_space<hbm>>
      tpu.enqueue_dma source(%dma_start3A_91 : memref<128xi32, #tpu.memory_space<hbm>>) target(%arg7 : memref<128xi32, #tpu.memory_space<vmem>>) target_semaphore(%arg14 : memref<!tpu.dma_semaphore, #tpu.memory_space<semaphore_mem>>)
      %mul3A_92 = arith.constant 128 : i32
      %mul3A_93 = arith.muli %add3A_84, %mul3A_92 : i32
      %dma_start3A_94 = tpu.memref_slice %arg6[%mul3A_93] : memref<10000xi32, #tpu.memory_space<vmem>> -> memref<128xi32, #tpu.memory_space<vmem>>
      %dma_start3A_95 = arith.constant 0 : i32
      %dma_start3A_96 = arith.constant 0 : i32
      %dma_start3A_97 = tpu.memref_slice %arg2[%dma_start3A_95, %dma_start3A_96] : memref<10000x128xf32, #tpu.memory_space<hbm>> -> memref<10000x128xf32, #tpu.memory_space<hbm>>
      tpu.enqueue_indirect_dma source(%dma_start3A_97 : memref<10000x128xf32, #tpu.memory_space<hbm>>) target(%arg10 : memref<128x128xf32, #tpu.memory_space<vmem>>) offsets(%dma_start3A_94 : memref<128xi32, #tpu.memory_space<vmem>>) semaphore(%arg12 : memref<!tpu.dma_semaphore, #tpu.memory_space<semaphore_mem>>)
      %mul3A_98 = arith.constant 2 : i32
      %mul3A_99 = arith.muli %mul3A_98, %scan3A_65 : i32
      %add3A_100 = arith.constant 1 : i32
      %add3A_101 = arith.addi %mul3A_99, %add3A_100 : i32
      %add3A_102 = arith.constant 320000 : i32
      %add3A_103 = arith.addi %add3A_102, %mul3A_2 : i32
      %mul3A_104 = arith.constant 128 : i32
      %mul3A_105 = arith.muli %add3A_101, %mul3A_104 : i32
      %add3A_106 = arith.addi %add3A_103, %mul3A_105 : i32
      %dma_wait3A_107 = tpu.memref_slice %arg3[%add3A_106] : memref<640000xi32, #tpu.memory_space<hbm>> -> memref<128xi32, #tpu.memory_space<hbm>>
      %dma_wait3A_108 = tpu.memref_slice %arg3[%add3A_106] : memref<640000xi32, #tpu.memory_space<hbm>> -> memref<128xi32, #tpu.memory_space<hbm>>
      tpu.wait_dma2 semaphore(%arg15 : memref<!tpu.dma_semaphore, #tpu.memory_space<semaphore_mem>>) src(%dma_wait3A_108 : memref<128xi32, #tpu.memory_space<hbm>>) dst(%arg8 : memref<128xi32, #tpu.memory_space<vmem>>)
      %mul3A_109 = arith.constant 128 : i32
      %mul3A_110 = arith.muli %add3A_101, %mul3A_109 : i32
      %dma_wait3A_111 = tpu.memref_slice %arg6[%mul3A_110] : memref<10000xi32, #tpu.memory_space<vmem>> -> memref<128xi32, #tpu.memory_space<vmem>>
      %dma_wait3A_112 = arith.constant 0 : i32
      %dma_wait3A_113 = arith.constant 0 : i32
      %dma_wait3A_114 = tpu.memref_slice %arg2[%dma_wait3A_112, %dma_wait3A_113] : memref<10000x128xf32, #tpu.memory_space<hbm>> -> memref<10000x128xf32, #tpu.memory_space<hbm>>
      tpu.wait_indirect_dma semaphore(%arg13 : memref<!tpu.dma_semaphore, #tpu.memory_space<semaphore_mem>>) src(%dma_wait3A_114 : memref<10000x128xf32, #tpu.memory_space<hbm>>) dst(%arg11 : memref<128x128xf32, #tpu.memory_space<vmem>>)
      "tpu.region"() ({
        %run_scoped3A = tpu.sem_alloc : memref<!tpu.dma_semaphore, #tpu.memory_space<semaphore_mem>>
        %dma_start3A_130 = arith.constant 0 : i32
        %dma_start3A_131 = arith.constant 0 : i32
        %dma_start3A_132 = tpu.memref_slice %arg18[%dma_start3A_130, %dma_start3A_131] : memref<10240x128xf32, #tpu.memory_space<vmem_shared>> -> memref<10240x128xf32, #tpu.memory_space<vmem_shared>>
        tpu.enqueue_indirect_dma source(%arg11 : memref<128x128xf32, #tpu.memory_space<vmem>>) target(%dma_start3A_132 : memref<10240x128xf32, #tpu.memory_space<vmem_shared>>) offsets(%arg8 : memref<128xi32, #tpu.memory_space<vmem>>) semaphore(%run_scoped3A : memref<!tpu.dma_semaphore, #tpu.memory_space<semaphore_mem>>) {add = true}
        %dma_wait3A_133 = arith.constant 0 : i32
        %dma_wait3A_134 = arith.constant 0 : i32
        %dma_wait3A_135 = tpu.memref_slice %arg18[%dma_wait3A_133, %dma_wait3A_134] : memref<10240x128xf32, #tpu.memory_space<vmem_shared>> -> memref<10240x128xf32, #tpu.memory_space<vmem_shared>>
        tpu.wait_indirect_dma semaphore(%run_scoped3A : memref<!tpu.dma_semaphore, #tpu.memory_space<semaphore_mem>>) src(%arg11 : memref<128x128xf32, #tpu.memory_space<vmem>>) dst(%dma_wait3A_135 : memref<10240x128xf32, #tpu.memory_space<vmem_shared>>)
        tpu.yield
      }) : () -> ()
      %add3A_115 = arith.constant 2 : i32
      %add3A_116 = arith.addi %add3A_101, %add3A_115 : i32
      %add3A_117 = arith.constant 320000 : i32
      %add3A_118 = arith.addi %add3A_117, %mul3A_2 : i32
      %mul3A_119 = arith.constant 128 : i32
      %mul3A_120 = arith.muli %add3A_116, %mul3A_119 : i32
      %add3A_121 = arith.addi %add3A_118, %mul3A_120 : i32
      %dma_start3A_122 = tpu.memref_slice %arg3[%add3A_121] : memref<640000xi32, #tpu.memory_space<hbm>> -> memref<128xi32, #tpu.memory_space<hbm>>
      %dma_start3A_123 = tpu.memref_slice %arg3[%add3A_121] : memref<640000xi32, #tpu.memory_space<hbm>> -> memref<128xi32, #tpu.memory_space<hbm>>
      tpu.enqueue_dma source(%dma_start3A_123 : memref<128xi32, #tpu.memory_space<hbm>>) target(%arg8 : memref<128xi32, #tpu.memory_space<vmem>>) target_semaphore(%arg15 : memref<!tpu.dma_semaphore, #tpu.memory_space<semaphore_mem>>)
      %mul3A_124 = arith.constant 128 : i32
      %mul3A_125 = arith.muli %add3A_116, %mul3A_124 : i32
      %dma_start3A_126 = tpu.memref_slice %arg6[%mul3A_125] : memref<10000xi32, #tpu.memory_space<vmem>> -> memref<128xi32, #tpu.memory_space<vmem>>
      %dma_start3A_127 = arith.constant 0 : i32
      %dma_start3A_128 = arith.constant 0 : i32
      %dma_start3A_129 = tpu.memref_slice %arg2[%dma_start3A_127, %dma_start3A_128] : memref<10000x128xf32, #tpu.memory_space<hbm>> -> memref<10000x128xf32, #tpu.memory_space<hbm>>
      tpu.enqueue_indirect_dma source(%dma_start3A_129 : memref<10000x128xf32, #tpu.memory_space<hbm>>) target(%arg11 : memref<128x128xf32, #tpu.memory_space<vmem>>) offsets(%dma_start3A_126 : memref<128xi32, #tpu.memory_space<vmem>>) semaphore(%arg13 : memref<!tpu.dma_semaphore, #tpu.memory_space<semaphore_mem>>)
    }
    %scan3A_37 = arith.constant 38 : i32
    %add3A_38 = arith.constant 320000 : i32
    %add3A_39 = arith.addi %add3A_38, %mul3A_2 : i32
    %add3A_40 = arith.constant 9728 : i32
    %add3A_41 = arith.addi %add3A_39, %add3A_40 : i32
    %dma_wait3A_42 = tpu.memref_slice %arg3[%add3A_41] : memref<640000xi32, #tpu.memory_space<hbm>> -> memref<128xi32, #tpu.memory_space<hbm>>
    %dma_wait3A_43 = tpu.memref_slice %arg3[%add3A_41] : memref<640000xi32, #tpu.memory_space<hbm>> -> memref<128xi32, #tpu.memory_space<hbm>>
    tpu.wait_dma2 semaphore(%arg14 : memref<!tpu.dma_semaphore, #tpu.memory_space<semaphore_mem>>) src(%dma_wait3A_43 : memref<128xi32, #tpu.memory_space<hbm>>) dst(%arg7 : memref<128xi32, #tpu.memory_space<vmem>>)
    %dma_wait3A_44 = arith.constant 9728 : i32
    %dma_wait3A_45 = tpu.memref_slice %arg6[%dma_wait3A_44] : memref<10000xi32, #tpu.memory_space<vmem>> -> memref<128xi32, #tpu.memory_space<vmem>>
    %dma_wait3A_46 = arith.constant 0 : i32
    %dma_wait3A_47 = arith.constant 0 : i32
    %dma_wait3A_48 = tpu.memref_slice %arg2[%dma_wait3A_46, %dma_wait3A_47] : memref<10000x128xf32, #tpu.memory_space<hbm>> -> memref<10000x128xf32, #tpu.memory_space<hbm>>
    tpu.wait_indirect_dma semaphore(%arg12 : memref<!tpu.dma_semaphore, #tpu.memory_space<semaphore_mem>>) src(%dma_wait3A_48 : memref<10000x128xf32, #tpu.memory_space<hbm>>) dst(%arg10 : memref<128x128xf32, #tpu.memory_space<vmem>>)
    "tpu.region"() ({
      %run_scoped3A = tpu.sem_alloc : memref<!tpu.dma_semaphore, #tpu.memory_space<semaphore_mem>>
      %dma_start3A_65 = arith.constant 0 : i32
      %dma_start3A_66 = arith.constant 0 : i32
      %dma_start3A_67 = tpu.memref_slice %arg18[%dma_start3A_65, %dma_start3A_66] : memref<10240x128xf32, #tpu.memory_space<vmem_shared>> -> memref<10240x128xf32, #tpu.memory_space<vmem_shared>>
      tpu.enqueue_indirect_dma source(%arg10 : memref<128x128xf32, #tpu.memory_space<vmem>>) target(%dma_start3A_67 : memref<10240x128xf32, #tpu.memory_space<vmem_shared>>) offsets(%arg7 : memref<128xi32, #tpu.memory_space<vmem>>) semaphore(%run_scoped3A : memref<!tpu.dma_semaphore, #tpu.memory_space<semaphore_mem>>) {add = true}
      %dma_wait3A_68 = arith.constant 0 : i32
      %dma_wait3A_69 = arith.constant 0 : i32
      %dma_wait3A_70 = tpu.memref_slice %arg18[%dma_wait3A_68, %dma_wait3A_69] : memref<10240x128xf32, #tpu.memory_space<vmem_shared>> -> memref<10240x128xf32, #tpu.memory_space<vmem_shared>>
      tpu.wait_indirect_dma semaphore(%run_scoped3A : memref<!tpu.dma_semaphore, #tpu.memory_space<semaphore_mem>>) src(%arg10 : memref<128x128xf32, #tpu.memory_space<vmem>>) dst(%dma_wait3A_70 : memref<10240x128xf32, #tpu.memory_space<vmem_shared>>)
      tpu.yield
    }) : () -> ()
    %add3A_49 = arith.constant 320000 : i32
    %add3A_50 = arith.addi %add3A_49, %mul3A_2 : i32
    %add3A_51 = arith.constant 9856 : i32
    %add3A_52 = arith.addi %add3A_50, %add3A_51 : i32
    %dma_wait3A_53 = tpu.memref_slice %arg3[%add3A_52] : memref<640000xi32, #tpu.memory_space<hbm>> -> memref<128xi32, #tpu.memory_space<hbm>>
    %dma_wait3A_54 = tpu.memref_slice %arg3[%add3A_52] : memref<640000xi32, #tpu.memory_space<hbm>> -> memref<128xi32, #tpu.memory_space<hbm>>
    tpu.wait_dma2 semaphore(%arg15 : memref<!tpu.dma_semaphore, #tpu.memory_space<semaphore_mem>>) src(%dma_wait3A_54 : memref<128xi32, #tpu.memory_space<hbm>>) dst(%arg8 : memref<128xi32, #tpu.memory_space<vmem>>)
    %dma_wait3A_55 = arith.constant 9856 : i32
    %dma_wait3A_56 = tpu.memref_slice %arg6[%dma_wait3A_55] : memref<10000xi32, #tpu.memory_space<vmem>> -> memref<128xi32, #tpu.memory_space<vmem>>
    %dma_wait3A_57 = arith.constant 0 : i32
    %dma_wait3A_58 = arith.constant 0 : i32
    %dma_wait3A_59 = tpu.memref_slice %arg2[%dma_wait3A_57, %dma_wait3A_58] : memref<10000x128xf32, #tpu.memory_space<hbm>> -> memref<10000x128xf32, #tpu.memory_space<hbm>>
    tpu.wait_indirect_dma semaphore(%arg13 : memref<!tpu.dma_semaphore, #tpu.memory_space<semaphore_mem>>) src(%dma_wait3A_59 : memref<10000x128xf32, #tpu.memory_space<hbm>>) dst(%arg11 : memref<128x128xf32, #tpu.memory_space<vmem>>)
    "tpu.region"() ({
      %run_scoped3A = tpu.sem_alloc : memref<!tpu.dma_semaphore, #tpu.memory_space<semaphore_mem>>
      %dma_start3A_65 = arith.constant 0 : i32
      %dma_start3A_66 = arith.constant 0 : i32
      %dma_start3A_67 = tpu.memref_slice %arg18[%dma_start3A_65, %dma_start3A_66] : memref<10240x128xf32, #tpu.memory_space<vmem_shared>> -> memref<10240x128xf32, #tpu.memory_space<vmem_shared>>
      tpu.enqueue_indirect_dma source(%arg11 : memref<128x128xf32, #tpu.memory_space<vmem>>) target(%dma_start3A_67 : memref<10240x128xf32, #tpu.memory_space<vmem_shared>>) offsets(%arg8 : memref<128xi32, #tpu.memory_space<vmem>>) semaphore(%run_scoped3A : memref<!tpu.dma_semaphore, #tpu.memory_space<semaphore_mem>>) {add = true}
      %dma_wait3A_68 = arith.constant 0 : i32
      %dma_wait3A_69 = arith.constant 0 : i32
      %dma_wait3A_70 = tpu.memref_slice %arg18[%dma_wait3A_68, %dma_wait3A_69] : memref<10240x128xf32, #tpu.memory_space<vmem_shared>> -> memref<10240x128xf32, #tpu.memory_space<vmem_shared>>
      tpu.wait_indirect_dma semaphore(%run_scoped3A : memref<!tpu.dma_semaphore, #tpu.memory_space<semaphore_mem>>) src(%arg11 : memref<128x128xf32, #tpu.memory_space<vmem>>) dst(%dma_wait3A_70 : memref<10240x128xf32, #tpu.memory_space<vmem_shared>>)
      tpu.yield
    }) : () -> ()
    %add3A_60 = arith.constant 320000 : i32
    %add3A_61 = arith.addi %add3A_60, %mul3A_2 : i32
    %add3A_62 = arith.constant 9984 : i32
    %add3A_63 = arith.addi %add3A_61, %add3A_62 : i32
    "tpu.region"() ({
      %run_scoped3A = tpu.sem_alloc : memref<!tpu.dma_semaphore, #tpu.memory_space<semaphore_mem>>
      %dma_start3A_65 = tpu.memref_slice %arg3[%add3A_63] : memref<640000xi32, #tpu.memory_space<hbm>> -> memref<16xi32, #tpu.memory_space<hbm>>
      %dma_start3A_66 = tpu.memref_slice %arg3[%add3A_63] : memref<640000xi32, #tpu.memory_space<hbm>> -> memref<16xi32, #tpu.memory_space<hbm>>
      tpu.enqueue_dma source(%dma_start3A_66 : memref<16xi32, #tpu.memory_space<hbm>>) target(%arg9 : memref<16xi32, #tpu.memory_space<vmem>>) target_semaphore(%run_scoped3A : memref<!tpu.dma_semaphore, #tpu.memory_space<semaphore_mem>>)
      %dma_wait3A_67 = tpu.memref_slice %arg3[%add3A_63] : memref<640000xi32, #tpu.memory_space<hbm>> -> memref<16xi32, #tpu.memory_space<hbm>>
      %dma_wait3A_68 = tpu.memref_slice %arg3[%add3A_63] : memref<640000xi32, #tpu.memory_space<hbm>> -> memref<16xi32, #tpu.memory_space<hbm>>
      tpu.wait_dma2 semaphore(%run_scoped3A : memref<!tpu.dma_semaphore, #tpu.memory_space<semaphore_mem>>) src(%dma_wait3A_68 : memref<16xi32, #tpu.memory_space<hbm>>) dst(%arg9 : memref<16xi32, #tpu.memory_space<vmem>>)
      tpu.yield
    }) : () -> ()
    "tpu.region"() ({
      %run_scoped3A = tpu.sem_alloc : memref<!tpu.dma_semaphore, #tpu.memory_space<semaphore_mem>>
      %dma_start3A_65 = arith.constant 0 : i32
      %dma_start3A_66 = arith.constant 0 : i32
      %dma_start3A_67 = tpu.memref_slice %arg10[%dma_start3A_65, %dma_start3A_66] : memref<128x128xf32, #tpu.memory_space<vmem>> -> memref<16x128xf32, #tpu.memory_space<vmem>>
      %dma_start3A_68 = arith.constant 9984 : i32
      %dma_start3A_69 = tpu.memref_slice %arg6[%dma_start3A_68] : memref<10000xi32, #tpu.memory_space<vmem>> -> memref<16xi32, #tpu.memory_space<vmem>>
      %dma_start3A_70 = arith.constant 0 : i32
      %dma_start3A_71 = arith.constant 0 : i32
      %dma_start3A_72 = tpu.memref_slice %arg2[%dma_start3A_70, %dma_start3A_71] : memref<10000x128xf32, #tpu.memory_space<hbm>> -> memref<10000x128xf32, #tpu.memory_space<hbm>>
      tpu.enqueue_indirect_dma source(%dma_start3A_72 : memref<10000x128xf32, #tpu.memory_space<hbm>>) target(%dma_start3A_67 : memref<16x128xf32, #tpu.memory_space<vmem>>) offsets(%dma_start3A_69 : memref<16xi32, #tpu.memory_space<vmem>>) semaphore(%run_scoped3A : memref<!tpu.dma_semaphore, #tpu.memory_space<semaphore_mem>>)
      %dma_wait3A_73 = arith.constant 0 : i32
      %dma_wait3A_74 = arith.constant 0 : i32
      %dma_wait3A_75 = tpu.memref_slice %arg10[%dma_wait3A_73, %dma_wait3A_74] : memref<128x128xf32, #tpu.memory_space<vmem>> -> memref<16x128xf32, #tpu.memory_space<vmem>>
      %dma_wait3A_76 = arith.constant 9984 : i32
      %dma_wait3A_77 = tpu.memref_slice %arg6[%dma_wait3A_76] : memref<10000xi32, #tpu.memory_space<vmem>> -> memref<16xi32, #tpu.memory_space<vmem>>
      %dma_wait3A_78 = arith.constant 0 : i32
      %dma_wait3A_79 = arith.constant 0 : i32
      %dma_wait3A_80 = tpu.memref_slice %arg2[%dma_wait3A_78, %dma_wait3A_79] : memref<10000x128xf32, #tpu.memory_space<hbm>> -> memref<10000x128xf32, #tpu.memory_space<hbm>>
      tpu.wait_indirect_dma semaphore(%run_scoped3A : memref<!tpu.dma_semaphore, #tpu.memory_space<semaphore_mem>>) src(%dma_wait3A_80 : memref<10000x128xf32, #tpu.memory_space<hbm>>) dst(%dma_wait3A_75 : memref<16x128xf32, #tpu.memory_space<vmem>>)
      tpu.yield
    }) : () -> ()
    "tpu.region"() ({
      %run_scoped3A = tpu.sem_alloc : memref<!tpu.dma_semaphore, #tpu.memory_space<semaphore_mem>>
      %dma_start3A_65 = arith.constant 0 : i32
      %dma_start3A_66 = arith.constant 0 : i32
      %dma_start3A_67 = tpu.memref_slice %arg10[%dma_start3A_65, %dma_start3A_66] : memref<128x128xf32, #tpu.memory_space<vmem>> -> memref<16x128xf32, #tpu.memory_space<vmem>>
      %dma_start3A_68 = arith.constant 0 : i32
      %dma_start3A_69 = arith.constant 0 : i32
      %dma_start3A_70 = tpu.memref_slice %arg18[%dma_start3A_68, %dma_start3A_69] : memref<10240x128xf32, #tpu.memory_space<vmem_shared>> -> memref<10240x128xf32, #tpu.memory_space<vmem_shared>>
      tpu.enqueue_indirect_dma source(%dma_start3A_67 : memref<16x128xf32, #tpu.memory_space<vmem>>) target(%dma_start3A_70 : memref<10240x128xf32, #tpu.memory_space<vmem_shared>>) offsets(%arg9 : memref<16xi32, #tpu.memory_space<vmem>>) semaphore(%run_scoped3A : memref<!tpu.dma_semaphore, #tpu.memory_space<semaphore_mem>>) {add = true}
      %dma_wait3A_71 = arith.constant 0 : i32
      %dma_wait3A_72 = arith.constant 0 : i32
      %dma_wait3A_73 = tpu.memref_slice %arg10[%dma_wait3A_71, %dma_wait3A_72] : memref<128x128xf32, #tpu.memory_space<vmem>> -> memref<16x128xf32, #tpu.memory_space<vmem>>
      %dma_wait3A_74 = arith.constant 0 : i32
      %dma_wait3A_75 = arith.constant 0 : i32
      %dma_wait3A_76 = tpu.memref_slice %arg18[%dma_wait3A_74, %dma_wait3A_75] : memref<10240x128xf32, #tpu.memory_space<vmem_shared>> -> memref<10240x128xf32, #tpu.memory_space<vmem_shared>>
      tpu.wait_indirect_dma semaphore(%run_scoped3A : memref<!tpu.dma_semaphore, #tpu.memory_space<semaphore_mem>>) src(%dma_wait3A_73 : memref<16x128xf32, #tpu.memory_space<vmem>>) dst(%dma_wait3A_76 : memref<10240x128xf32, #tpu.memory_space<vmem_shared>>)
      tpu.yield
    }) : () -> ()
    %barrier3A_64 = arith.constant 0 : index
    tpu.barrier barrier_id(%barrier3A_64)
    "tpu.region"() ({
      %run_scoped3A = tpu.sem_alloc : memref<!tpu.dma_semaphore, #tpu.memory_space<semaphore_mem>>
      %dma_start3A_65 = arith.constant 0 : i32
      %dma_start3A_66 = tpu.memref_slice %arg5[%arg0, %mul3A_4, %dma_start3A_65] : memref<2x10240x128xf32, #tpu.memory_space<hbm>> -> memref<1x640x128xf32, #tpu.memory_space<hbm>>
      %dma_start3A_67 = tpu.memref_squeeze %dma_start3A_66 : memref<1x640x128xf32, #tpu.memory_space<hbm>> -> memref<640x128xf32, #tpu.memory_space<hbm>>
      %dma_start3A_68 = arith.constant 0 : i32
      %dma_start3A_69 = tpu.memref_slice %arg18[%mul3A_4, %dma_start3A_68] : memref<10240x128xf32, #tpu.memory_space<vmem_shared>> -> memref<640x128xf32, #tpu.memory_space<vmem_shared>>
      tpu.enqueue_dma source(%dma_start3A_69 : memref<640x128xf32, #tpu.memory_space<vmem_shared>>) target(%dma_start3A_67 : memref<640x128xf32, #tpu.memory_space<hbm>>) target_semaphore(%run_scoped3A : memref<!tpu.dma_semaphore, #tpu.memory_space<semaphore_mem>>)
      %dma_wait3A_70 = arith.constant 0 : i32
      %dma_wait3A_71 = tpu.memref_slice %arg5[%arg0, %mul3A_4, %dma_wait3A_70] : memref<2x10240x128xf32, #tpu.memory_space<hbm>> -> memref<1x640x128xf32, #tpu.memory_space<hbm>>
      %dma_wait3A_72 = tpu.memref_squeeze %dma_wait3A_71 : memref<1x640x128xf32, #tpu.memory_space<hbm>> -> memref<640x128xf32, #tpu.memory_space<hbm>>
      %dma_wait3A_73 = arith.constant 0 : i32
      %dma_wait3A_74 = tpu.memref_slice %arg18[%mul3A_4, %dma_wait3A_73] : memref<10240x128xf32, #tpu.memory_space<vmem_shared>> -> memref<640x128xf32, #tpu.memory_space<vmem_shared>>
      tpu.wait_dma2 semaphore(%run_scoped3A : memref<!tpu.dma_semaphore, #tpu.memory_space<semaphore_mem>>) src(%dma_wait3A_74 : memref<640x128xf32, #tpu.memory_space<vmem_shared>>) dst(%dma_wait3A_72 : memref<640x128xf32, #tpu.memory_space<hbm>>)
      tpu.yield
    }) : () -> ()
    return
  }
}

#map = affine_map<(d0, d1) -> (0, 0)>
#map1 = affine_map<(d0, d1) -> (0)>
#map2 = affine_map<(d0, d1) -> (0, 0, 0)>
module attributes {stable_mosaic.version = 14 : i64} {
  func.func @_aggregate(%arg0: i32, %arg1: i32, %arg2: memref<10000x128xf32, #tpu.memory_space<hbm>>, %arg3: memref<640000xi32, #tpu.memory_space<hbm>>, %arg4: memref<640x128xf32, #tpu.memory_space<hbm>>, %arg5: memref<2x10240x128xf32, #tpu.memory_space<hbm>>, %arg6: memref<10000xi32, #tpu.memory_space<vmem>>, %arg7: memref<128xi32, #tpu.memory_space<vmem>>, %arg8: memref<128xi32, #tpu.memory_space<vmem>>, %arg9: memref<16xi32, #tpu.memory_space<vmem>>, %arg10: memref<128x128xf32, #tpu.memory_space<vmem>>, %arg11: memref<128x128xf32, #tpu.memory_space<vmem>>, %arg12: memref<!tpu.dma_semaphore, #tpu.memory_space<semaphore_mem>>, %arg13: memref<!tpu.dma_semaphore, #tpu.memory_space<semaphore_mem>>, %arg14: memref<!tpu.dma_semaphore, #tpu.memory_space<semaphore_mem>>, %arg15: memref<!tpu.dma_semaphore, #tpu.memory_space<semaphore_mem>>, %arg16: memref<!tpu.dma_semaphore, #tpu.memory_space<semaphore_mem>>, %arg17: memref<!tpu.dma_semaphore, #tpu.memory_space<semaphore_mem>>, %arg18: memref<10240x128xf32, #tpu.memory_space<vmem_shared>>) attributes {dimension_semantics = [#tpu.dimension_semantics<core_parallel>, #tpu.dimension_semantics<subcore_parallel>], iteration_bounds = array<i64: 2, 16>, scalar_prefetch = 0 : i64, scratch_operands = 13 : i64, tpu.core_type = #tpu.core_type<sc_vector_subcore>, window_params = [{transform_indices = #map}, {transform_indices = #map1}, {transform_indices = #map}, {transform_indices = #map2}]} {
    %mul3A = arith.constant 2 : i32
    %mul3A_0 = arith.muli %arg1, %mul3A : i32
    %add3A = arith.addi %mul3A_0, %arg0 : i32
    %mul3A_1 = arith.constant 10000 : i32
    %mul3A_2 = arith.muli %add3A, %mul3A_1 : i32
    %mul3A_3 = arith.constant 640 : i32
    %mul3A_4 = arith.muli %arg1, %mul3A_3 : i32
    %dma_start3A = arith.constant 0 : i32
    %dma_start3A_5 = tpu.memref_slice %arg18[%mul3A_4, %dma_start3A] : memref<10240x128xf32, #tpu.memory_space<vmem_shared>> -> memref<640x128xf32, #tpu.memory_space<vmem_shared>>
    tpu.enqueue_dma source(%arg4 : memref<640x128xf32, #tpu.memory_space<hbm>>) target(%dma_start3A_5 : memref<640x128xf32, #tpu.memory_space<vmem_shared>>) target_semaphore(%arg17 : memref<!tpu.dma_semaphore, #tpu.memory_space<semaphore_mem>>)
    %dma_start3A_6 = tpu.memref_slice %arg3[%mul3A_2] : memref<640000xi32, #tpu.memory_space<hbm>> -> memref<10000xi32, #tpu.memory_space<hbm>>
    %dma_start3A_7 = tpu.memref_slice %arg3[%mul3A_2] : memref<640000xi32, #tpu.memory_space<hbm>> -> memref<10000xi32, #tpu.memory_space<hbm>>
    tpu.enqueue_dma source(%dma_start3A_7 : memref<10000xi32, #tpu.memory_space<hbm>>) target(%arg6 : memref<10000xi32, #tpu.memory_space<vmem>>) target_semaphore(%arg16 : memref<!tpu.dma_semaphore, #tpu.memory_space<semaphore_mem>>)
    %dma_wait3A = tpu.memref_slice %arg3[%mul3A_2] : memref<640000xi32, #tpu.memory_space<hbm>> -> memref<10000xi32, #tpu.memory_space<hbm>>
    %dma_wait3A_8 = tpu.memref_slice %arg3[%mul3A_2] : memref<640000xi32, #tpu.memory_space<hbm>> -> memref<10000xi32, #tpu.memory_space<hbm>>
    tpu.wait_dma2 semaphore(%arg16 : memref<!tpu.dma_semaphore, #tpu.memory_space<semaphore_mem>>) src(%dma_wait3A_8 : memref<10000xi32, #tpu.memory_space<hbm>>) dst(%arg6 : memref<10000xi32, #tpu.memory_space<vmem>>)
    %add3A_9 = arith.constant 320000 : i32
    %add3A_10 = arith.addi %add3A_9, %mul3A_2 : i32
    %add3A_11 = arith.constant 0 : i32
    %add3A_12 = arith.addi %add3A_10, %add3A_11 : i32
    %dma_start3A_13 = tpu.memref_slice %arg3[%add3A_12] : memref<640000xi32, #tpu.memory_space<hbm>> -> memref<128xi32, #tpu.memory_space<hbm>>
    %dma_start3A_14 = tpu.memref_slice %arg3[%add3A_12] : memref<640000xi32, #tpu.memory_space<hbm>> -> memref<128xi32, #tpu.memory_space<hbm>>
    tpu.enqueue_dma source(%dma_start3A_14 : memref<128xi32, #tpu.memory_space<hbm>>) target(%arg7 : memref<128xi32, #tpu.memory_space<vmem>>) target_semaphore(%arg14 : memref<!tpu.dma_semaphore, #tpu.memory_space<semaphore_mem>>)
    %dma_start3A_15 = arith.constant 0 : i32
    %dma_start3A_16 = tpu.memref_slice %arg6[%dma_start3A_15] : memref<10000xi32, #tpu.memory_space<vmem>> -> memref<128xi32, #tpu.memory_space<vmem>>
    %dma_start3A_17 = arith.constant 0 : i32
    %dma_start3A_18 = arith.constant 0 : i32
    %dma_start3A_19 = tpu.memref_slice %arg2[%dma_start3A_17, %dma_start3A_18] : memref<10000x128xf32, #tpu.memory_space<hbm>> -> memref<10000x128xf32, #tpu.memory_space<hbm>>
    tpu.enqueue_indirect_dma source(%dma_start3A_19 : memref<10000x128xf32, #tpu.memory_space<hbm>>) target(%arg10 : memref<128x128xf32, #tpu.memory_space<vmem>>) offsets(%dma_start3A_16 : memref<128xi32, #tpu.memory_space<vmem>>) semaphore(%arg12 : memref<!tpu.dma_semaphore, #tpu.memory_space<semaphore_mem>>)
    %add3A_20 = arith.constant 320000 : i32
    %add3A_21 = arith.addi %add3A_20, %mul3A_2 : i32
    %add3A_22 = arith.constant 128 : i32
    %add3A_23 = arith.addi %add3A_21, %add3A_22 : i32
    %dma_start3A_24 = tpu.memref_slice %arg3[%add3A_23] : memref<640000xi32, #tpu.memory_space<hbm>> -> memref<128xi32, #tpu.memory_space<hbm>>
    %dma_start3A_25 = tpu.memref_slice %arg3[%add3A_23] : memref<640000xi32, #tpu.memory_space<hbm>> -> memref<128xi32, #tpu.memory_space<hbm>>
    tpu.enqueue_dma source(%dma_start3A_25 : memref<128xi32, #tpu.memory_space<hbm>>) target(%arg8 : memref<128xi32, #tpu.memory_space<vmem>>) target_semaphore(%arg15 : memref<!tpu.dma_semaphore, #tpu.memory_space<semaphore_mem>>)
    %dma_start3A_26 = arith.constant 128 : i32
    %dma_start3A_27 = tpu.memref_slice %arg6[%dma_start3A_26] : memref<10000xi32, #tpu.memory_space<vmem>> -> memref<128xi32, #tpu.memory_space<vmem>>
    %dma_start3A_28 = arith.constant 0 : i32
    %dma_start3A_29 = arith.constant 0 : i32
    %dma_start3A_30 = tpu.memref_slice %arg2[%dma_start3A_28, %dma_start3A_29] : memref<10000x128xf32, #tpu.memory_space<hbm>> -> memref<10000x128xf32, #tpu.memory_space<hbm>>
    tpu.enqueue_indirect_dma source(%dma_start3A_30 : memref<10000x128xf32, #tpu.memory_space<hbm>>) target(%arg11 : memref<128x128xf32, #tpu.memory_space<vmem>>) offsets(%dma_start3A_27 : memref<128xi32, #tpu.memory_space<vmem>>) semaphore(%arg13 : memref<!tpu.dma_semaphore, #tpu.memory_space<semaphore_mem>>)
    %dma_wait3A_31 = arith.constant 0 : i32
    %dma_wait3A_32 = tpu.memref_slice %arg18[%mul3A_4, %dma_wait3A_31] : memref<10240x128xf32, #tpu.memory_space<vmem_shared>> -> memref<640x128xf32, #tpu.memory_space<vmem_shared>>
    tpu.wait_dma2 semaphore(%arg17 : memref<!tpu.dma_semaphore, #tpu.memory_space<semaphore_mem>>) src(%arg4 : memref<640x128xf32, #tpu.memory_space<hbm>>) dst(%dma_wait3A_32 : memref<640x128xf32, #tpu.memory_space<vmem_shared>>)
    %barrier3A = arith.constant 0 : index
    tpu.barrier barrier_id(%barrier3A)
    %scan3A = arith.constant 0 : i32
    %scan3A_33 = arith.constant 0 : i32
    %scan3A_34 = arith.constant 38 : i32
    %scan3A_35 = arith.addi %scan3A_33, %scan3A_34 : i32
    %scan3A_36 = arith.constant 1 : i32
    scf.for %scan3A_65 = %scan3A_33 to %scan3A_35 step %scan3A_36  : i32 {
      %mul3A_66 = arith.constant 2 : i32
      %mul3A_67 = arith.muli %mul3A_66, %scan3A_65 : i32
      %add3A_68 = arith.constant 0 : i32
      %add3A_69 = arith.addi %mul3A_67, %add3A_68 : i32
      %add3A_70 = arith.constant 320000 : i32
      %add3A_71 = arith.addi %add3A_70, %mul3A_2 : i32
      %mul3A_72 = arith.constant 128 : i32
      %mul3A_73 = arith.muli %add3A_69, %mul3A_72 : i32
      %add3A_74 = arith.addi %add3A_71, %mul3A_73 : i32
      %dma_wait3A_75 = tpu.memref_slice %arg3[%add3A_74] : memref<640000xi32, #tpu.memory_space<hbm>> -> memref<128xi32, #tpu.memory_space<hbm>>
      %dma_wait3A_76 = tpu.memref_slice %arg3[%add3A_74] : memref<640000xi32, #tpu.memory_space<hbm>> -> memref<128xi32, #tpu.memory_space<hbm>>
      tpu.wait_dma2 semaphore(%arg14 : memref<!tpu.dma_semaphore, #tpu.memory_space<semaphore_mem>>) src(%dma_wait3A_76 : memref<128xi32, #tpu.memory_space<hbm>>) dst(%arg7 : memref<128xi32, #tpu.memory_space<vmem>>)
      %mul3A_77 = arith.constant 128 : i32
      %mul3A_78 = arith.muli %add3A_69, %mul3A_77 : i32
      %dma_wait3A_79 = tpu.memref_slice %arg6[%mul3A_78] : memref<10000xi32, #tpu.memory_space<vmem>> -> memref<128xi32, #tpu.memory_space<vmem>>
      %dma_wait3A_80 = arith.constant 0 : i32
      %dma_wait3A_81 = arith.constant 0 : i32
      %dma_wait3A_82 = tpu.memref_slice %arg2[%dma_wait3A_80, %dma_wait3A_81] : memref<10000x128xf32, #tpu.memory_space<hbm>> -> memref<10000x128xf32, #tpu.memory_space<hbm>>
      tpu.wait_indirect_dma semaphore(%arg12 : memref<!tpu.dma_semaphore, #tpu.memory_space<semaphore_mem>>) src(%dma_wait3A_82 : memref<10000x128xf32, #tpu.memory_space<hbm>>) dst(%arg10 : memref<128x128xf32, #tpu.memory_space<vmem>>)
      "tpu.region"() ({
        %run_scoped3A = tpu.sem_alloc : memref<!tpu.dma_semaphore, #tpu.memory_space<semaphore_mem>>
        %dma_start3A_130 = arith.constant 0 : i32
        %dma_start3A_131 = arith.constant 0 : i32
        %dma_start3A_132 = tpu.memref_slice %arg18[%dma_start3A_130, %dma_start3A_131] : memref<10240x128xf32, #tpu.memory_space<vmem_shared>> -> memref<10240x128xf32, #tpu.memory_space<vmem_shared>>
        tpu.enqueue_indirect_dma source(%arg10 : memref<128x128xf32, #tpu.memory_space<vmem>>) target(%dma_start3A_132 : memref<10240x128xf32, #tpu.memory_space<vmem_shared>>) offsets(%arg7 : memref<128xi32, #tpu.memory_space<vmem>>) semaphore(%run_scoped3A : memref<!tpu.dma_semaphore, #tpu.memory_space<semaphore_mem>>) {add = true}
        %dma_wait3A_133 = arith.constant 0 : i32
        %dma_wait3A_134 = arith.constant 0 : i32
        %dma_wait3A_135 = tpu.memref_slice %arg18[%dma_wait3A_133, %dma_wait3A_134] : memref<10240x128xf32, #tpu.memory_space<vmem_shared>> -> memref<10240x128xf32, #tpu.memory_space<vmem_shared>>
        tpu.wait_indirect_dma semaphore(%run_scoped3A : memref<!tpu.dma_semaphore, #tpu.memory_space<semaphore_mem>>) src(%arg10 : memref<128x128xf32, #tpu.memory_space<vmem>>) dst(%dma_wait3A_135 : memref<10240x128xf32, #tpu.memory_space<vmem_shared>>)
        tpu.yield
      }) : () -> ()
      %add3A_83 = arith.constant 2 : i32
      %add3A_84 = arith.addi %add3A_69, %add3A_83 : i32
      %add3A_85 = arith.constant 320000 : i32
      %add3A_86 = arith.addi %add3A_85, %mul3A_2 : i32
      %mul3A_87 = arith.constant 128 : i32
      %mul3A_88 = arith.muli %add3A_84, %mul3A_87 : i32
      %add3A_89 = arith.addi %add3A_86, %mul3A_88 : i32
      %dma_start3A_90 = tpu.memref_slice %arg3[%add3A_89] : memref<640000xi32, #tpu.memory_space<hbm>> -> memref<128xi32, #tpu.memory_space<hbm>>
      %dma_start3A_91 = tpu.memref_slice %arg3[%add3A_89] : memref<640000xi32, #tpu.memory_space<hbm>> -> memref<128xi32, #tpu.memory_space<hbm>>
      tpu.enqueue_dma source(%dma_start3A_91 : memref<128xi32, #tpu.memory_space<hbm>>) target(%arg7 : memref<128xi32, #tpu.memory_space<vmem>>) target_semaphore(%arg14 : memref<!tpu.dma_semaphore, #tpu.memory_space<semaphore_mem>>)
      %mul3A_92 = arith.constant 128 : i32
      %mul3A_93 = arith.muli %add3A_84, %mul3A_92 : i32
      %dma_start3A_94 = tpu.memref_slice %arg6[%mul3A_93] : memref<10000xi32, #tpu.memory_space<vmem>> -> memref<128xi32, #tpu.memory_space<vmem>>
      %dma_start3A_95 = arith.constant 0 : i32
      %dma_start3A_96 = arith.constant 0 : i32
      %dma_start3A_97 = tpu.memref_slice %arg2[%dma_start3A_95, %dma_start3A_96] : memref<10000x128xf32, #tpu.memory_space<hbm>> -> memref<10000x128xf32, #tpu.memory_space<hbm>>
      tpu.enqueue_indirect_dma source(%dma_start3A_97 : memref<10000x128xf32, #tpu.memory_space<hbm>>) target(%arg10 : memref<128x128xf32, #tpu.memory_space<vmem>>) offsets(%dma_start3A_94 : memref<128xi32, #tpu.memory_space<vmem>>) semaphore(%arg12 : memref<!tpu.dma_semaphore, #tpu.memory_space<semaphore_mem>>)
      %mul3A_98 = arith.constant 2 : i32
      %mul3A_99 = arith.muli %mul3A_98, %scan3A_65 : i32
      %add3A_100 = arith.constant 1 : i32
      %add3A_101 = arith.addi %mul3A_99, %add3A_100 : i32
      %add3A_102 = arith.constant 320000 : i32
      %add3A_103 = arith.addi %add3A_102, %mul3A_2 : i32
      %mul3A_104 = arith.constant 128 : i32
      %mul3A_105 = arith.muli %add3A_101, %mul3A_104 : i32
      %add3A_106 = arith.addi %add3A_103, %mul3A_105 : i32
      %dma_wait3A_107 = tpu.memref_slice %arg3[%add3A_106] : memref<640000xi32, #tpu.memory_space<hbm>> -> memref<128xi32, #tpu.memory_space<hbm>>
      %dma_wait3A_108 = tpu.memref_slice %arg3[%add3A_106] : memref<640000xi32, #tpu.memory_space<hbm>> -> memref<128xi32, #tpu.memory_space<hbm>>
      tpu.wait_dma2 semaphore(%arg15 : memref<!tpu.dma_semaphore, #tpu.memory_space<semaphore_mem>>) src(%dma_wait3A_108 : memref<128xi32, #tpu.memory_space<hbm>>) dst(%arg8 : memref<128xi32, #tpu.memory_space<vmem>>)
      %mul3A_109 = arith.constant 128 : i32
      %mul3A_110 = arith.muli %add3A_101, %mul3A_109 : i32
      %dma_wait3A_111 = tpu.memref_slice %arg6[%mul3A_110] : memref<10000xi32, #tpu.memory_space<vmem>> -> memref<128xi32, #tpu.memory_space<vmem>>
      %dma_wait3A_112 = arith.constant 0 : i32
      %dma_wait3A_113 = arith.constant 0 : i32
      %dma_wait3A_114 = tpu.memref_slice %arg2[%dma_wait3A_112, %dma_wait3A_113] : memref<10000x128xf32, #tpu.memory_space<hbm>> -> memref<10000x128xf32, #tpu.memory_space<hbm>>
      tpu.wait_indirect_dma semaphore(%arg13 : memref<!tpu.dma_semaphore, #tpu.memory_space<semaphore_mem>>) src(%dma_wait3A_114 : memref<10000x128xf32, #tpu.memory_space<hbm>>) dst(%arg11 : memref<128x128xf32, #tpu.memory_space<vmem>>)
      "tpu.region"() ({
        %run_scoped3A = tpu.sem_alloc : memref<!tpu.dma_semaphore, #tpu.memory_space<semaphore_mem>>
        %dma_start3A_130 = arith.constant 0 : i32
        %dma_start3A_131 = arith.constant 0 : i32
        %dma_start3A_132 = tpu.memref_slice %arg18[%dma_start3A_130, %dma_start3A_131] : memref<10240x128xf32, #tpu.memory_space<vmem_shared>> -> memref<10240x128xf32, #tpu.memory_space<vmem_shared>>
        tpu.enqueue_indirect_dma source(%arg11 : memref<128x128xf32, #tpu.memory_space<vmem>>) target(%dma_start3A_132 : memref<10240x128xf32, #tpu.memory_space<vmem_shared>>) offsets(%arg8 : memref<128xi32, #tpu.memory_space<vmem>>) semaphore(%run_scoped3A : memref<!tpu.dma_semaphore, #tpu.memory_space<semaphore_mem>>) {add = true}
        %dma_wait3A_133 = arith.constant 0 : i32
        %dma_wait3A_134 = arith.constant 0 : i32
        %dma_wait3A_135 = tpu.memref_slice %arg18[%dma_wait3A_133, %dma_wait3A_134] : memref<10240x128xf32, #tpu.memory_space<vmem_shared>> -> memref<10240x128xf32, #tpu.memory_space<vmem_shared>>
        tpu.wait_indirect_dma semaphore(%run_scoped3A : memref<!tpu.dma_semaphore, #tpu.memory_space<semaphore_mem>>) src(%arg11 : memref<128x128xf32, #tpu.memory_space<vmem>>) dst(%dma_wait3A_135 : memref<10240x128xf32, #tpu.memory_space<vmem_shared>>)
        tpu.yield
      }) : () -> ()
      %add3A_115 = arith.constant 2 : i32
      %add3A_116 = arith.addi %add3A_101, %add3A_115 : i32
      %add3A_117 = arith.constant 320000 : i32
      %add3A_118 = arith.addi %add3A_117, %mul3A_2 : i32
      %mul3A_119 = arith.constant 128 : i32
      %mul3A_120 = arith.muli %add3A_116, %mul3A_119 : i32
      %add3A_121 = arith.addi %add3A_118, %mul3A_120 : i32
      %dma_start3A_122 = tpu.memref_slice %arg3[%add3A_121] : memref<640000xi32, #tpu.memory_space<hbm>> -> memref<128xi32, #tpu.memory_space<hbm>>
      %dma_start3A_123 = tpu.memref_slice %arg3[%add3A_121] : memref<640000xi32, #tpu.memory_space<hbm>> -> memref<128xi32, #tpu.memory_space<hbm>>
      tpu.enqueue_dma source(%dma_start3A_123 : memref<128xi32, #tpu.memory_space<hbm>>) target(%arg8 : memref<128xi32, #tpu.memory_space<vmem>>) target_semaphore(%arg15 : memref<!tpu.dma_semaphore, #tpu.memory_space<semaphore_mem>>)
      %mul3A_124 = arith.constant 128 : i32
      %mul3A_125 = arith.muli %add3A_116, %mul3A_124 : i32
      %dma_start3A_126 = tpu.memref_slice %arg6[%mul3A_125] : memref<10000xi32, #tpu.memory_space<vmem>> -> memref<128xi32, #tpu.memory_space<vmem>>
      %dma_start3A_127 = arith.constant 0 : i32
      %dma_start3A_128 = arith.constant 0 : i32
      %dma_start3A_129 = tpu.memref_slice %arg2[%dma_start3A_127, %dma_start3A_128] : memref<10000x128xf32, #tpu.memory_space<hbm>> -> memref<10000x128xf32, #tpu.memory_space<hbm>>
      tpu.enqueue_indirect_dma source(%dma_start3A_129 : memref<10000x128xf32, #tpu.memory_space<hbm>>) target(%arg11 : memref<128x128xf32, #tpu.memory_space<vmem>>) offsets(%dma_start3A_126 : memref<128xi32, #tpu.memory_space<vmem>>) semaphore(%arg13 : memref<!tpu.dma_semaphore, #tpu.memory_space<semaphore_mem>>)
    }
    %scan3A_37 = arith.constant 38 : i32
    %add3A_38 = arith.constant 320000 : i32
    %add3A_39 = arith.addi %add3A_38, %mul3A_2 : i32
    %add3A_40 = arith.constant 9728 : i32
    %add3A_41 = arith.addi %add3A_39, %add3A_40 : i32
    %dma_wait3A_42 = tpu.memref_slice %arg3[%add3A_41] : memref<640000xi32, #tpu.memory_space<hbm>> -> memref<128xi32, #tpu.memory_space<hbm>>
    %dma_wait3A_43 = tpu.memref_slice %arg3[%add3A_41] : memref<640000xi32, #tpu.memory_space<hbm>> -> memref<128xi32, #tpu.memory_space<hbm>>
    tpu.wait_dma2 semaphore(%arg14 : memref<!tpu.dma_semaphore, #tpu.memory_space<semaphore_mem>>) src(%dma_wait3A_43 : memref<128xi32, #tpu.memory_space<hbm>>) dst(%arg7 : memref<128xi32, #tpu.memory_space<vmem>>)
    %dma_wait3A_44 = arith.constant 9728 : i32
    %dma_wait3A_45 = tpu.memref_slice %arg6[%dma_wait3A_44] : memref<10000xi32, #tpu.memory_space<vmem>> -> memref<128xi32, #tpu.memory_space<vmem>>
    %dma_wait3A_46 = arith.constant 0 : i32
    %dma_wait3A_47 = arith.constant 0 : i32
    %dma_wait3A_48 = tpu.memref_slice %arg2[%dma_wait3A_46, %dma_wait3A_47] : memref<10000x128xf32, #tpu.memory_space<hbm>> -> memref<10000x128xf32, #tpu.memory_space<hbm>>
    tpu.wait_indirect_dma semaphore(%arg12 : memref<!tpu.dma_semaphore, #tpu.memory_space<semaphore_mem>>) src(%dma_wait3A_48 : memref<10000x128xf32, #tpu.memory_space<hbm>>) dst(%arg10 : memref<128x128xf32, #tpu.memory_space<vmem>>)
    "tpu.region"() ({
      %run_scoped3A = tpu.sem_alloc : memref<!tpu.dma_semaphore, #tpu.memory_space<semaphore_mem>>
      %dma_start3A_65 = arith.constant 0 : i32
      %dma_start3A_66 = arith.constant 0 : i32
      %dma_start3A_67 = tpu.memref_slice %arg18[%dma_start3A_65, %dma_start3A_66] : memref<10240x128xf32, #tpu.memory_space<vmem_shared>> -> memref<10240x128xf32, #tpu.memory_space<vmem_shared>>
      tpu.enqueue_indirect_dma source(%arg10 : memref<128x128xf32, #tpu.memory_space<vmem>>) target(%dma_start3A_67 : memref<10240x128xf32, #tpu.memory_space<vmem_shared>>) offsets(%arg7 : memref<128xi32, #tpu.memory_space<vmem>>) semaphore(%run_scoped3A : memref<!tpu.dma_semaphore, #tpu.memory_space<semaphore_mem>>) {add = true}
      %dma_wait3A_68 = arith.constant 0 : i32
      %dma_wait3A_69 = arith.constant 0 : i32
      %dma_wait3A_70 = tpu.memref_slice %arg18[%dma_wait3A_68, %dma_wait3A_69] : memref<10240x128xf32, #tpu.memory_space<vmem_shared>> -> memref<10240x128xf32, #tpu.memory_space<vmem_shared>>
      tpu.wait_indirect_dma semaphore(%run_scoped3A : memref<!tpu.dma_semaphore, #tpu.memory_space<semaphore_mem>>) src(%arg10 : memref<128x128xf32, #tpu.memory_space<vmem>>) dst(%dma_wait3A_70 : memref<10240x128xf32, #tpu.memory_space<vmem_shared>>)
      tpu.yield
    }) : () -> ()
    %add3A_49 = arith.constant 320000 : i32
    %add3A_50 = arith.addi %add3A_49, %mul3A_2 : i32
    %add3A_51 = arith.constant 9856 : i32
    %add3A_52 = arith.addi %add3A_50, %add3A_51 : i32
    %dma_wait3A_53 = tpu.memref_slice %arg3[%add3A_52] : memref<640000xi32, #tpu.memory_space<hbm>> -> memref<128xi32, #tpu.memory_space<hbm>>
    %dma_wait3A_54 = tpu.memref_slice %arg3[%add3A_52] : memref<640000xi32, #tpu.memory_space<hbm>> -> memref<128xi32, #tpu.memory_space<hbm>>
    tpu.wait_dma2 semaphore(%arg15 : memref<!tpu.dma_semaphore, #tpu.memory_space<semaphore_mem>>) src(%dma_wait3A_54 : memref<128xi32, #tpu.memory_space<hbm>>) dst(%arg8 : memref<128xi32, #tpu.memory_space<vmem>>)
    %dma_wait3A_55 = arith.constant 9856 : i32
    %dma_wait3A_56 = tpu.memref_slice %arg6[%dma_wait3A_55] : memref<10000xi32, #tpu.memory_space<vmem>> -> memref<128xi32, #tpu.memory_space<vmem>>
    %dma_wait3A_57 = arith.constant 0 : i32
    %dma_wait3A_58 = arith.constant 0 : i32
    %dma_wait3A_59 = tpu.memref_slice %arg2[%dma_wait3A_57, %dma_wait3A_58] : memref<10000x128xf32, #tpu.memory_space<hbm>> -> memref<10000x128xf32, #tpu.memory_space<hbm>>
    tpu.wait_indirect_dma semaphore(%arg13 : memref<!tpu.dma_semaphore, #tpu.memory_space<semaphore_mem>>) src(%dma_wait3A_59 : memref<10000x128xf32, #tpu.memory_space<hbm>>) dst(%arg11 : memref<128x128xf32, #tpu.memory_space<vmem>>)
    "tpu.region"() ({
      %run_scoped3A = tpu.sem_alloc : memref<!tpu.dma_semaphore, #tpu.memory_space<semaphore_mem>>
      %dma_start3A_65 = arith.constant 0 : i32
      %dma_start3A_66 = arith.constant 0 : i32
      %dma_start3A_67 = tpu.memref_slice %arg18[%dma_start3A_65, %dma_start3A_66] : memref<10240x128xf32, #tpu.memory_space<vmem_shared>> -> memref<10240x128xf32, #tpu.memory_space<vmem_shared>>
      tpu.enqueue_indirect_dma source(%arg11 : memref<128x128xf32, #tpu.memory_space<vmem>>) target(%dma_start3A_67 : memref<10240x128xf32, #tpu.memory_space<vmem_shared>>) offsets(%arg8 : memref<128xi32, #tpu.memory_space<vmem>>) semaphore(%run_scoped3A : memref<!tpu.dma_semaphore, #tpu.memory_space<semaphore_mem>>) {add = true}
      %dma_wait3A_68 = arith.constant 0 : i32
      %dma_wait3A_69 = arith.constant 0 : i32
      %dma_wait3A_70 = tpu.memref_slice %arg18[%dma_wait3A_68, %dma_wait3A_69] : memref<10240x128xf32, #tpu.memory_space<vmem_shared>> -> memref<10240x128xf32, #tpu.memory_space<vmem_shared>>
      tpu.wait_indirect_dma semaphore(%run_scoped3A : memref<!tpu.dma_semaphore, #tpu.memory_space<semaphore_mem>>) src(%arg11 : memref<128x128xf32, #tpu.memory_space<vmem>>) dst(%dma_wait3A_70 : memref<10240x128xf32, #tpu.memory_space<vmem_shared>>)
      tpu.yield
    }) : () -> ()
    %add3A_60 = arith.constant 320000 : i32
    %add3A_61 = arith.addi %add3A_60, %mul3A_2 : i32
    %add3A_62 = arith.constant 9984 : i32
    %add3A_63 = arith.addi %add3A_61, %add3A_62 : i32
    "tpu.region"() ({
      %run_scoped3A = tpu.sem_alloc : memref<!tpu.dma_semaphore, #tpu.memory_space<semaphore_mem>>
      %dma_start3A_65 = tpu.memref_slice %arg3[%add3A_63] : memref<640000xi32, #tpu.memory_space<hbm>> -> memref<16xi32, #tpu.memory_space<hbm>>
      %dma_start3A_66 = tpu.memref_slice %arg3[%add3A_63] : memref<640000xi32, #tpu.memory_space<hbm>> -> memref<16xi32, #tpu.memory_space<hbm>>
      tpu.enqueue_dma source(%dma_start3A_66 : memref<16xi32, #tpu.memory_space<hbm>>) target(%arg9 : memref<16xi32, #tpu.memory_space<vmem>>) target_semaphore(%run_scoped3A : memref<!tpu.dma_semaphore, #tpu.memory_space<semaphore_mem>>)
      %dma_wait3A_67 = tpu.memref_slice %arg3[%add3A_63] : memref<640000xi32, #tpu.memory_space<hbm>> -> memref<16xi32, #tpu.memory_space<hbm>>
      %dma_wait3A_68 = tpu.memref_slice %arg3[%add3A_63] : memref<640000xi32, #tpu.memory_space<hbm>> -> memref<16xi32, #tpu.memory_space<hbm>>
      tpu.wait_dma2 semaphore(%run_scoped3A : memref<!tpu.dma_semaphore, #tpu.memory_space<semaphore_mem>>) src(%dma_wait3A_68 : memref<16xi32, #tpu.memory_space<hbm>>) dst(%arg9 : memref<16xi32, #tpu.memory_space<vmem>>)
      tpu.yield
    }) : () -> ()
    "tpu.region"() ({
      %run_scoped3A = tpu.sem_alloc : memref<!tpu.dma_semaphore, #tpu.memory_space<semaphore_mem>>
      %dma_start3A_65 = arith.constant 0 : i32
      %dma_start3A_66 = arith.constant 0 : i32
      %dma_start3A_67 = tpu.memref_slice %arg10[%dma_start3A_65, %dma_start3A_66] : memref<128x128xf32, #tpu.memory_space<vmem>> -> memref<16x128xf32, #tpu.memory_space<vmem>>
      %dma_start3A_68 = arith.constant 9984 : i32
      %dma_start3A_69 = tpu.memref_slice %arg6[%dma_start3A_68] : memref<10000xi32, #tpu.memory_space<vmem>> -> memref<16xi32, #tpu.memory_space<vmem>>
      %dma_start3A_70 = arith.constant 0 : i32
      %dma_start3A_71 = arith.constant 0 : i32
      %dma_start3A_72 = tpu.memref_slice %arg2[%dma_start3A_70, %dma_start3A_71] : memref<10000x128xf32, #tpu.memory_space<hbm>> -> memref<10000x128xf32, #tpu.memory_space<hbm>>
      tpu.enqueue_indirect_dma source(%dma_start3A_72 : memref<10000x128xf32, #tpu.memory_space<hbm>>) target(%dma_start3A_67 : memref<16x128xf32, #tpu.memory_space<vmem>>) offsets(%dma_start3A_69 : memref<16xi32, #tpu.memory_space<vmem>>) semaphore(%run_scoped3A : memref<!tpu.dma_semaphore, #tpu.memory_space<semaphore_mem>>)
      %dma_wait3A_73 = arith.constant 0 : i32
      %dma_wait3A_74 = arith.constant 0 : i32
      %dma_wait3A_75 = tpu.memref_slice %arg10[%dma_wait3A_73, %dma_wait3A_74] : memref<128x128xf32, #tpu.memory_space<vmem>> -> memref<16x128xf32, #tpu.memory_space<vmem>>
      %dma_wait3A_76 = arith.constant 9984 : i32
      %dma_wait3A_77 = tpu.memref_slice %arg6[%dma_wait3A_76] : memref<10000xi32, #tpu.memory_space<vmem>> -> memref<16xi32, #tpu.memory_space<vmem>>
      %dma_wait3A_78 = arith.constant 0 : i32
      %dma_wait3A_79 = arith.constant 0 : i32
      %dma_wait3A_80 = tpu.memref_slice %arg2[%dma_wait3A_78, %dma_wait3A_79] : memref<10000x128xf32, #tpu.memory_space<hbm>> -> memref<10000x128xf32, #tpu.memory_space<hbm>>
      tpu.wait_indirect_dma semaphore(%run_scoped3A : memref<!tpu.dma_semaphore, #tpu.memory_space<semaphore_mem>>) src(%dma_wait3A_80 : memref<10000x128xf32, #tpu.memory_space<hbm>>) dst(%dma_wait3A_75 : memref<16x128xf32, #tpu.memory_space<vmem>>)
      tpu.yield
    }) : () -> ()
    "tpu.region"() ({
      %run_scoped3A = tpu.sem_alloc : memref<!tpu.dma_semaphore, #tpu.memory_space<semaphore_mem>>
      %dma_start3A_65 = arith.constant 0 : i32
      %dma_start3A_66 = arith.constant 0 : i32
      %dma_start3A_67 = tpu.memref_slice %arg10[%dma_start3A_65, %dma_start3A_66] : memref<128x128xf32, #tpu.memory_space<vmem>> -> memref<16x128xf32, #tpu.memory_space<vmem>>
      %dma_start3A_68 = arith.constant 0 : i32
      %dma_start3A_69 = arith.constant 0 : i32
      %dma_start3A_70 = tpu.memref_slice %arg18[%dma_start3A_68, %dma_start3A_69] : memref<10240x128xf32, #tpu.memory_space<vmem_shared>> -> memref<10240x128xf32, #tpu.memory_space<vmem_shared>>
      tpu.enqueue_indirect_dma source(%dma_start3A_67 : memref<16x128xf32, #tpu.memory_space<vmem>>) target(%dma_start3A_70 : memref<10240x128xf32, #tpu.memory_space<vmem_shared>>) offsets(%arg9 : memref<16xi32, #tpu.memory_space<vmem>>) semaphore(%run_scoped3A : memref<!tpu.dma_semaphore, #tpu.memory_space<semaphore_mem>>) {add = true}
      %dma_wait3A_71 = arith.constant 0 : i32
      %dma_wait3A_72 = arith.constant 0 : i32
      %dma_wait3A_73 = tpu.memref_slice %arg10[%dma_wait3A_71, %dma_wait3A_72] : memref<128x128xf32, #tpu.memory_space<vmem>> -> memref<16x128xf32, #tpu.memory_space<vmem>>
      %dma_wait3A_74 = arith.constant 0 : i32
      %dma_wait3A_75 = arith.constant 0 : i32
      %dma_wait3A_76 = tpu.memref_slice %arg18[%dma_wait3A_74, %dma_wait3A_75] : memref<10240x128xf32, #tpu.memory_space<vmem_shared>> -> memref<10240x128xf32, #tpu.memory_space<vmem_shared>>
      tpu.wait_indirect_dma semaphore(%run_scoped3A : memref<!tpu.dma_semaphore, #tpu.memory_space<semaphore_mem>>) src(%dma_wait3A_73 : memref<16x128xf32, #tpu.memory_space<vmem>>) dst(%dma_wait3A_76 : memref<10240x128xf32, #tpu.memory_space<vmem_shared>>)
      tpu.yield
    }) : () -> ()
    %barrier3A_64 = arith.constant 0 : index
    tpu.barrier barrier_id(%barrier3A_64)
    "tpu.region"() ({
      %run_scoped3A = tpu.sem_alloc : memref<!tpu.dma_semaphore, #tpu.memory_space<semaphore_mem>>
      %dma_start3A_65 = arith.constant 0 : i32
      %dma_start3A_66 = tpu.memref_slice %arg5[%arg0, %mul3A_4, %dma_start3A_65] : memref<2x10240x128xf32, #tpu.memory_space<hbm>> -> memref<1x640x128xf32, #tpu.memory_space<hbm>>
      %dma_start3A_67 = tpu.memref_squeeze %dma_start3A_66 : memref<1x640x128xf32, #tpu.memory_space<hbm>> -> memref<640x128xf32, #tpu.memory_space<hbm>>
      %dma_start3A_68 = arith.constant 0 : i32
      %dma_start3A_69 = tpu.memref_slice %arg18[%mul3A_4, %dma_start3A_68] : memref<10240x128xf32, #tpu.memory_space<vmem_shared>> -> memref<640x128xf32, #tpu.memory_space<vmem_shared>>
      tpu.enqueue_dma source(%dma_start3A_69 : memref<640x128xf32, #tpu.memory_space<vmem_shared>>) target(%dma_start3A_67 : memref<640x128xf32, #tpu.memory_space<hbm>>) target_semaphore(%run_scoped3A : memref<!tpu.dma_semaphore, #tpu.memory_space<semaphore_mem>>)
      %dma_wait3A_70 = arith.constant 0 : i32
      %dma_wait3A_71 = tpu.memref_slice %arg5[%arg0, %mul3A_4, %dma_wait3A_70] : memref<2x10240x128xf32, #tpu.memory_space<hbm>> -> memref<1x640x128xf32, #tpu.memory_space<hbm>>
      %dma_wait3A_72 = tpu.memref_squeeze %dma_wait3A_71 : memref<1x640x128xf32, #tpu.memory_space<hbm>> -> memref<640x128xf32, #tpu.memory_space<hbm>>
      %dma_wait3A_73 = arith.constant 0 : i32
      %dma_wait3A_74 = tpu.memref_slice %arg18[%mul3A_4, %dma_wait3A_73] : memref<10240x128xf32, #tpu.memory_space<vmem_shared>> -> memref<640x128xf32, #tpu.memory_space<vmem_shared>>
      tpu.wait_dma2 semaphore(%run_scoped3A : memref<!tpu.dma_semaphore, #tpu.memory_space<semaphore_mem>>) src(%dma_wait3A_74 : memref<640x128xf32, #tpu.memory_space<vmem_shared>>) dst(%dma_wait3A_72 : memref<640x128xf32, #tpu.memory_space<hbm>>)
      tpu.yield
    }) : () -> ()
    return
  }
}

module attributes {stable_mosaic.version = 14 : i64} {
  func.func @_t0_body(%arg0: i32, %arg1: memref<2000x128xf32, #tpu.memory_space<vmem>>, %arg2: memref<2000x4xf32, #tpu.memory_space<vmem>>, %arg3: memref<2000x128xf32, #tpu.memory_space<vmem>>) attributes {dimension_semantics = [#tpu.dimension_semantics<arbitrary>], iteration_bounds = array<i64: 5>, scalar_prefetch = 0 : i64, scratch_operands = 0 : i64, tpu.core_type = #tpu.core_type<tc>, window_params = [{transform_indices = @transform_0, window_bounds = array<i64: 2000, 128>}, {transform_indices = @transform_1, window_bounds = array<i64: 2000, 4>}, {transform_indices = @transform_2, window_bounds = array<i64: 2000, 128>}]} {
    %get3A = arith.constant 0 : index
    %get3A_0 = arith.constant 0 : index
    %get3A_1 = vector.load %arg2[%get3A, %get3A_0] : memref<2000x4xf32, #tpu.memory_space<vmem>>, vector<2000x4xf32>
    %slice3A = vector.extract_strided_slice %get3A_1 {offsets = [0, 0], sizes = [2000, 1], strides = [1, 1]} : vector<2000x4xf32> to vector<2000x1xf32>
    %slice3A_2 = vector.extract_strided_slice %get3A_1 {offsets = [0, 1], sizes = [2000, 1], strides = [1, 1]} : vector<2000x4xf32> to vector<2000x1xf32>
    %add3A = arith.addf %slice3A, %slice3A_2 : vector<2000x1xf32>
    %max3A = arith.constant 1.000000e+00 : f32
    %max3A_3 = vector.broadcast %max3A : f32 to vector<2000x1xf32>
    %max3A_4 = arith.maximumf %add3A, %max3A_3 : vector<2000x1xf32>
    %rsqrt3A = math.rsqrt %max3A_4 : vector<2000x1xf32>
    %get3A_5 = arith.constant 0 : index
    %get3A_6 = arith.constant 0 : index
    %get3A_7 = vector.load %arg1[%get3A_5, %get3A_6] : memref<2000x128xf32, #tpu.memory_space<vmem>>, vector<2000x128xf32>
    %mul3A = vector.broadcast %rsqrt3A : vector<2000x1xf32> to vector<2000x128xf32>
    %mul3A_8 = arith.mulf %get3A_7, %mul3A : vector<2000x128xf32>
    %swap3A = arith.constant 0 : index
    %swap3A_9 = arith.constant 0 : index
    %swap3A_10 = vector.load %arg3[%swap3A, %swap3A_9] : memref<2000x128xf32, #tpu.memory_space<vmem>>, vector<2000x128xf32>
    tpu.vector_store %arg3[%swap3A, %swap3A_9], %mul3A_8 {strides = array<i32>} : memref<2000x128xf32, #tpu.memory_space<vmem>>, vector<2000x128xf32>,
    return
  }
  func.func @transform_0(%arg0: i32) -> (i32, i32) {
    %c0_i32 = arith.constant 0 : i32
    %c0_i32_0 = arith.constant 0 : i32
    return %arg0, %c0_i32 : i32, i32
  }
  func.func @transform_1(%arg0: i32) -> (i32, i32) {
    %c0_i32 = arith.constant 0 : i32
    %c0_i32_0 = arith.constant 0 : i32
    return %arg0, %c0_i32 : i32, i32
  }
  func.func @transform_2(%arg0: i32) -> (i32, i32) {
    %c0_i32 = arith.constant 0 : i32
    %c0_i32_0 = arith.constant 0 : i32
    return %arg0, %c0_i32 : i32, i32
  }
}

module attributes {stable_mosaic.version = 14 : i64} {
  func.func @_tmid_body(%arg0: i32, %arg1: memref<2x2000x128xf32, #tpu.memory_space<vmem>>, %arg2: memref<2000x4xf32, #tpu.memory_space<vmem>>, %arg3: memref<1x128xf32, #tpu.memory_space<vmem>>, %arg4: memref<1x128xf32, #tpu.memory_space<vmem>>, %arg5: memref<128x128xf32, #tpu.memory_space<vmem>>, %arg6: memref<2000x128xf32, #tpu.memory_space<vmem>>) attributes {dimension_semantics = [#tpu.dimension_semantics<arbitrary>], iteration_bounds = array<i64: 5>, scalar_prefetch = 0 : i64, scratch_operands = 0 : i64, tpu.core_type = #tpu.core_type<tc>, window_params = [{transform_indices = @transform_0, window_bounds = array<i64: 2, 2000, 128>}, {transform_indices = @transform_1, window_bounds = array<i64: 2000, 4>}, {pipeline_mode = #tpu.pipeline_mode<synchronous>, transform_indices = @transform_2, window_bounds = array<i64: 1, 128>}, {pipeline_mode = #tpu.pipeline_mode<synchronous>, transform_indices = @transform_3, window_bounds = array<i64: 1, 128>}, {pipeline_mode = #tpu.pipeline_mode<synchronous>, transform_indices = @transform_4, window_bounds = array<i64: 128, 128>}, {transform_indices = @transform_5, window_bounds = array<i64: 2000, 128>}]} {
    %get3A = arith.constant 0 : index
    %get3A_0 = arith.constant 0 : index
    %get3A_1 = arith.constant 0 : index
    %get3A_2 = vector.load %arg1[%get3A, %get3A_0, %get3A_1] : memref<2x2000x128xf32, #tpu.memory_space<vmem>>, vector<1x2000x128xf32>
    %get3A_3 = vector.shape_cast %get3A_2 : vector<1x2000x128xf32> to vector<2000x128xf32>
    %get3A_4 = arith.constant 1 : index
    %get3A_5 = arith.constant 0 : index
    %get3A_6 = arith.constant 0 : index
    %get3A_7 = vector.load %arg1[%get3A_4, %get3A_5, %get3A_6] : memref<2x2000x128xf32, #tpu.memory_space<vmem>>, vector<1x2000x128xf32>
    %get3A_8 = vector.shape_cast %get3A_7 : vector<1x2000x128xf32> to vector<2000x128xf32>
    %add3A = arith.addf %get3A_3, %get3A_8 : vector<2000x128xf32>
    %get3A_9 = arith.constant 0 : index
    %get3A_10 = arith.constant 0 : index
    %get3A_11 = vector.load %arg5[%get3A_9, %get3A_10] : memref<128x128xf32, #tpu.memory_space<vmem>>, vector<128x128xf32>
    %dot_general3A = arith.constant dense<0.000000e+00> : vector<2000x128xf32>
    %dot_general3A_12 = tpu.matmul %add3A, %get3A_11, %dot_general3A {dimension_numbers = #tpu.dot_dimension_numbers<[1], [0], [0], [1], [0, 0, 1, 1], [], []>, transpose_lhs_hint = false} : vector<2000x128xf32>, vector<128x128xf32>, vector<2000x128xf32> -> vector<2000x128xf32>
    %get3A_13 = arith.constant 0 : index
    %get3A_14 = arith.constant 0 : index
    %get3A_15 = vector.load %arg2[%get3A_13, %get3A_14] : memref<2000x4xf32, #tpu.memory_space<vmem>>, vector<2000x4xf32>
    %slice3A = vector.extract_strided_slice %get3A_15 {offsets = [0, 2], sizes = [2000, 1], strides = [1, 1]} : vector<2000x4xf32> to vector<2000x1xf32>
    %slice3A_16 = vector.extract_strided_slice %get3A_15 {offsets = [0, 3], sizes = [2000, 1], strides = [1, 1]} : vector<2000x4xf32> to vector<2000x1xf32>
    %add3A_17 = arith.addf %slice3A, %slice3A_16 : vector<2000x1xf32>
    %max3A = arith.constant 1.000000e+00 : f32
    %max3A_18 = vector.broadcast %max3A : f32 to vector<2000x1xf32>
    %max3A_19 = arith.maximumf %add3A_17, %max3A_18 : vector<2000x1xf32>
    %rsqrt3A = math.rsqrt %max3A_19 : vector<2000x1xf32>
    %mul3A = vector.broadcast %rsqrt3A : vector<2000x1xf32> to vector<2000x128xf32>
    %mul3A_20 = arith.mulf %dot_general3A_12, %mul3A : vector<2000x128xf32>
    %get3A_21 = arith.constant 0 : index
    %get3A_22 = arith.constant 0 : index
    %get3A_23 = vector.load %arg3[%get3A_21, %get3A_22] : memref<1x128xf32, #tpu.memory_space<vmem>>, vector<1x128xf32>
    %add3A_24 = vector.broadcast %get3A_23 : vector<1x128xf32> to vector<2000x128xf32>
    %add3A_25 = arith.addf %mul3A_20, %add3A_24 : vector<2000x128xf32>
    %ge3A = arith.constant 0.000000e+00 : f32
    %ge3A_26 = vector.broadcast %ge3A : f32 to vector<2000x128xf32>
    %ge3A_27 = arith.cmpf oge, %add3A_25, %ge3A_26 : vector<2000x128xf32>
    %get3A_28 = arith.constant 0 : index
    %get3A_29 = arith.constant 0 : index
    %get3A_30 = vector.load %arg4[%get3A_28, %get3A_29] : memref<1x128xf32, #tpu.memory_space<vmem>>, vector<1x128xf32>
    %mul3A_31 = vector.broadcast %get3A_30 : vector<1x128xf32> to vector<2000x128xf32>
    %mul3A_32 = arith.mulf %mul3A_31, %add3A_25 : vector<2000x128xf32>
    %select_n3A = arith.select %ge3A_27, %add3A_25, %mul3A_32 : vector<2000x128xi1>, vector<2000x128xf32>
    %slice3A_33 = vector.extract_strided_slice %get3A_15 {offsets = [0, 0], sizes = [2000, 1], strides = [1, 1]} : vector<2000x4xf32> to vector<2000x1xf32>
    %slice3A_34 = vector.extract_strided_slice %get3A_15 {offsets = [0, 1], sizes = [2000, 1], strides = [1, 1]} : vector<2000x4xf32> to vector<2000x1xf32>
    %add3A_35 = arith.addf %slice3A_33, %slice3A_34 : vector<2000x1xf32>
    %max3A_36 = arith.constant 1.000000e+00 : f32
    %max3A_37 = vector.broadcast %max3A_36 : f32 to vector<2000x1xf32>
    %max3A_38 = arith.maximumf %add3A_35, %max3A_37 : vector<2000x1xf32>
    %rsqrt3A_39 = math.rsqrt %max3A_38 : vector<2000x1xf32>
    %mul3A_40 = vector.broadcast %rsqrt3A_39 : vector<2000x1xf32> to vector<2000x128xf32>
    %mul3A_41 = arith.mulf %select_n3A, %mul3A_40 : vector<2000x128xf32>
    %swap3A = arith.constant 0 : index
    %swap3A_42 = arith.constant 0 : index
    %swap3A_43 = vector.load %arg6[%swap3A, %swap3A_42] : memref<2000x128xf32, #tpu.memory_space<vmem>>, vector<2000x128xf32>
    tpu.vector_store %arg6[%swap3A, %swap3A_42], %mul3A_41 {strides = array<i32>} : memref<2000x128xf32, #tpu.memory_space<vmem>>, vector<2000x128xf32>,
    return
  }
  func.func @transform_0(%arg0: i32) -> (i32, i32, i32) {
    %c0_i32 = arith.constant 0 : i32
    %c0_i32_0 = arith.constant 0 : i32
    %c0_i32_1 = arith.constant 0 : i32
    return %c0_i32, %arg0, %c0_i32_0 : i32, i32, i32
  }
  func.func @transform_1(%arg0: i32) -> (i32, i32) {
    %c0_i32 = arith.constant 0 : i32
    %c0_i32_0 = arith.constant 0 : i32
    return %arg0, %c0_i32 : i32, i32
  }
  func.func @transform_2(%arg0: i32) -> (i32, i32) {
    %c0_i32 = arith.constant 0 : i32
    %c0_i32_0 = arith.constant 0 : i32
    %c0_i32_1 = arith.constant 0 : i32
    return %c0_i32, %c0_i32_0 : i32, i32
  }
  func.func @transform_3(%arg0: i32) -> (i32, i32) {
    %c0_i32 = arith.constant 0 : i32
    %c0_i32_0 = arith.constant 0 : i32
    %c0_i32_1 = arith.constant 0 : i32
    return %c0_i32, %c0_i32_0 : i32, i32
  }
  func.func @transform_4(%arg0: i32) -> (i32, i32) {
    %c0_i32 = arith.constant 0 : i32
    %c0_i32_0 = arith.constant 0 : i32
    %c0_i32_1 = arith.constant 0 : i32
    return %c0_i32, %c0_i32_0 : i32, i32
  }
  func.func @transform_5(%arg0: i32) -> (i32, i32) {
    %c0_i32 = arith.constant 0 : i32
    %c0_i32_0 = arith.constant 0 : i32
    return %arg0, %c0_i32 : i32, i32
  }
}

module attributes {stable_mosaic.version = 14 : i64} {
  func.func @_t3_body(%arg0: i32, %arg1: memref<2x2000x128xf32, #tpu.memory_space<vmem>>, %arg2: memref<2000x4xf32, #tpu.memory_space<vmem>>, %arg3: memref<1x128xf32, #tpu.memory_space<vmem>>, %arg4: memref<128x128xf32, #tpu.memory_space<vmem>>, %arg5: memref<2000x128xf32, #tpu.memory_space<vmem>>) attributes {dimension_semantics = [#tpu.dimension_semantics<arbitrary>], iteration_bounds = array<i64: 5>, scalar_prefetch = 0 : i64, scratch_operands = 0 : i64, tpu.core_type = #tpu.core_type<tc>, window_params = [{transform_indices = @transform_0, window_bounds = array<i64: 2, 2000, 128>}, {transform_indices = @transform_1, window_bounds = array<i64: 2000, 4>}, {pipeline_mode = #tpu.pipeline_mode<synchronous>, transform_indices = @transform_2, window_bounds = array<i64: 1, 128>}, {pipeline_mode = #tpu.pipeline_mode<synchronous>, transform_indices = @transform_3, window_bounds = array<i64: 128, 128>}, {transform_indices = @transform_4, window_bounds = array<i64: 2000, 128>}]} {
    %get3A = arith.constant 0 : index
    %get3A_0 = arith.constant 0 : index
    %get3A_1 = arith.constant 0 : index
    %get3A_2 = vector.load %arg1[%get3A, %get3A_0, %get3A_1] : memref<2x2000x128xf32, #tpu.memory_space<vmem>>, vector<1x2000x128xf32>
    %get3A_3 = vector.shape_cast %get3A_2 : vector<1x2000x128xf32> to vector<2000x128xf32>
    %get3A_4 = arith.constant 1 : index
    %get3A_5 = arith.constant 0 : index
    %get3A_6 = arith.constant 0 : index
    %get3A_7 = vector.load %arg1[%get3A_4, %get3A_5, %get3A_6] : memref<2x2000x128xf32, #tpu.memory_space<vmem>>, vector<1x2000x128xf32>
    %get3A_8 = vector.shape_cast %get3A_7 : vector<1x2000x128xf32> to vector<2000x128xf32>
    %add3A = arith.addf %get3A_3, %get3A_8 : vector<2000x128xf32>
    %get3A_9 = arith.constant 0 : index
    %get3A_10 = arith.constant 0 : index
    %get3A_11 = vector.load %arg4[%get3A_9, %get3A_10] : memref<128x128xf32, #tpu.memory_space<vmem>>, vector<128x128xf32>
    %dot_general3A = arith.constant dense<0.000000e+00> : vector<2000x128xf32>
    %dot_general3A_12 = tpu.matmul %add3A, %get3A_11, %dot_general3A {dimension_numbers = #tpu.dot_dimension_numbers<[1], [0], [0], [1], [0, 0, 1, 1], [], []>, transpose_lhs_hint = false} : vector<2000x128xf32>, vector<128x128xf32>, vector<2000x128xf32> -> vector<2000x128xf32>
    %get3A_13 = arith.constant 0 : index
    %get3A_14 = arith.constant 0 : index
    %get3A_15 = vector.load %arg2[%get3A_13, %get3A_14] : memref<2000x4xf32, #tpu.memory_space<vmem>>, vector<2000x4xf32>
    %slice3A = vector.extract_strided_slice %get3A_15 {offsets = [0, 2], sizes = [2000, 1], strides = [1, 1]} : vector<2000x4xf32> to vector<2000x1xf32>
    %slice3A_16 = vector.extract_strided_slice %get3A_15 {offsets = [0, 3], sizes = [2000, 1], strides = [1, 1]} : vector<2000x4xf32> to vector<2000x1xf32>
    %add3A_17 = arith.addf %slice3A, %slice3A_16 : vector<2000x1xf32>
    %max3A = arith.constant 1.000000e+00 : f32
    %max3A_18 = vector.broadcast %max3A : f32 to vector<2000x1xf32>
    %max3A_19 = arith.maximumf %add3A_17, %max3A_18 : vector<2000x1xf32>
    %rsqrt3A = math.rsqrt %max3A_19 : vector<2000x1xf32>
    %mul3A = vector.broadcast %rsqrt3A : vector<2000x1xf32> to vector<2000x128xf32>
    %mul3A_20 = arith.mulf %dot_general3A_12, %mul3A : vector<2000x128xf32>
    %get3A_21 = arith.constant 0 : index
    %get3A_22 = arith.constant 0 : index
    %get3A_23 = vector.load %arg3[%get3A_21, %get3A_22] : memref<1x128xf32, #tpu.memory_space<vmem>>, vector<1x128xf32>
    %add3A_24 = vector.broadcast %get3A_23 : vector<1x128xf32> to vector<2000x128xf32>
    %add3A_25 = arith.addf %mul3A_20, %add3A_24 : vector<2000x128xf32>
    %swap3A = arith.constant 0 : index
    %swap3A_26 = arith.constant 0 : index
    %swap3A_27 = vector.load %arg5[%swap3A, %swap3A_26] : memref<2000x128xf32, #tpu.memory_space<vmem>>, vector<2000x128xf32>
    tpu.vector_store %arg5[%swap3A, %swap3A_26], %add3A_25 {strides = array<i32>} : memref<2000x128xf32, #tpu.memory_space<vmem>>, vector<2000x128xf32>,
    return
  }
  func.func @transform_0(%arg0: i32) -> (i32, i32, i32) {
    %c0_i32 = arith.constant 0 : i32
    %c0_i32_0 = arith.constant 0 : i32
    %c0_i32_1 = arith.constant 0 : i32
    return %c0_i32, %arg0, %c0_i32_0 : i32, i32, i32
  }
  func.func @transform_1(%arg0: i32) -> (i32, i32) {
    %c0_i32 = arith.constant 0 : i32
    %c0_i32_0 = arith.constant 0 : i32
    return %arg0, %c0_i32 : i32, i32
  }
  func.func @transform_2(%arg0: i32) -> (i32, i32) {
    %c0_i32 = arith.constant 0 : i32
    %c0_i32_0 = arith.constant 0 : i32
    %c0_i32_1 = arith.constant 0 : i32
    return %c0_i32, %c0_i32_0 : i32, i32
  }
  func.func @transform_3(%arg0: i32) -> (i32, i32) {
    %c0_i32 = arith.constant 0 : i32
    %c0_i32_0 = arith.constant 0 : i32
    %c0_i32_1 = arith.constant 0 : i32
    return %c0_i32, %c0_i32_0 : i32, i32
  }
  func.func @transform_4(%arg0: i32) -> (i32, i32) {
    %c0_i32 = arith.constant 0 : i32
    %c0_i32_0 = arith.constant 0 : i32
    return %arg0, %c0_i32 : i32, i32
  }
}

</mosaic_0001>

<sc_bundles>
// kernel: kernel.10.cloned.1.call-start
scs
__scs_entry_jumppad:
0x0: {  	(pc) =	sbr.rel $0x88, $3  }
0x1: {  	(tag) =	ssettag $0x0;
	lr =	simm.s32 $0x1  }
0x2: {  	[smem:$0x3F97] =	sst lr;
	_ =	strace $0xD0000000  }
0x3: {  	_ = 	snop  }
0x4: {  	_ = 	snop  }
0x5: {  	_ = 	snop  }
0x6: {  	_ = 	snop  }
0x7: {  	_ = 	snop  }
__scs_overlays_trampoline_lowered:
0x8: {  	[smem:$0x3FA6] =	sst s0  }
0x9: {  	[smem:$0x3FA7] =	sst s1  }
0xa: {  	[smem:$0x3FA8] =	sst s2  }
0xb: {  	[smem:$0x3FA9] =	sst s3  }
0xc: {  	[smem:$0x3FAA] =	sst s4  }
0xd: {  	[smem:$0x3FAB] =	sst s5  }
0xe: {  	[smem:$0x3FAC] =	sst s6  }
0xf: {  	[smem:$0x3FAD] =	sst s7  }
0x10: {  	[smem:$0x3FAE] =	sst s8  }
0x11: {  	[smem:$0x3FAF] =	sst s9;
	s0 =	simm.s32 @!p0 $0x0  }
0x12: {  	s1 =	sld [smem:$0x3F95];
	s0 =	simm.s32 @p0 $0x1  }
0x13: {  	[smem:$0x3FB0] =	sst s0;
	s0 =	simm.s32 @!p1 $0x0  }
0x14: {  	s2 =	sld [smem:$0x3F94];
	s0 =	simm.s32 @p1 $0x1  }
0x15: {  	[smem:$0x3FB1] =	sst s0;
	s0 =	simm.s32 @!p2 $0x0  }
0x16: {  	s3 =	sld [smem:$0x3FDB];
	s0 =	simm.s32 @p2 $0x1  }
0x17: {  	s4 =	simm.s32 $0x1BF5;
	[smem:$0x3FB3] =	sst s0  }
0x18: {  	s0 =	sld [smem:$0x3F96];
	_ =	swait.ge [sflag:s4], $0x0  }
0x19: {  	s7 =	sld [smem:$0x3F97]  }
0x1a: {  	s8 =	sadd.s32 $0xFFFFE003, lr  }
0x1b: {  	s9 =	sadd.s32 $0xFFFFFEF7, lr;
	s5 =	simm.s32 $0xFFFFFFFF;
	p2 =	slt.u32 s8, $0xFFFFF086  }
0x1c: {  	p1 =	slt.u32 s9, $0xF7A;
	s5 =	simm.s32 @!p2 $0x0  }
0x1d: {  	s5 =	simm.s32 @p1 $0x1;
	p0 =	seq.s32 s7, s2  }
0x1e: {  	s7 =	smul.u32 @!p0 $0xF7A, s2;
	p2 =	seq.s32 @!p0 s5, $0x0  }
0x1f: {  	s9 =	smul.u32 $0xF7A, s1;
	s8 =	simm.s32 @!p0 $0x1BF5;
	p2 =	por !p2, p0  }
0x20: {  	[sflag:s8] =	ssyncset.s32 @!p0 $0xFFFFF086;
	s6 =	sadd.s32 @!p0 s3, s7;
	s7 =	simm.s32 @!p0 $0x108  }
0x21: {  	s3 =	sadd.s32 s3, s9;
	s6 =	sadd.s32 @!p0 $0x88, s6;
	s7 =	simm.s32 @p2 $0x1082  }
0x22: {  	[simem:s7], [sflag:s8] =	dma.local @!p0 [hbm:s6], $0xF7A  }
0x23: {  	s9 =	sor.u32 $0xD0000000, s2;
	s6 =	simm.s32 $0x108;
	_ =	swait.ge @!p0 [sflag:s8], $0x0  }
0x24: {  	s3 =	sadd.s32 $0x88, s3;
	s6 =	simm.s32 @!p1 $0x1082;
	[sflag:s4] =	ssyncset.s32 $0xFFFFF086  }
0x25: {  	[simem:s6], [sflag:s4] =	dma.local [hbm:s3], $0xF7A  }
0x26: {  	[smem:$0x3F97] =	sst s1;
	(tag) =	ssettag s2;
	_ =	strace s9  }
0x27: {  	s1 =	sld [smem:$0x3FA7]  }
0x28: {  	s2 =	sld [smem:$0x3FA8]  }
0x29: {  	s4 =	sld [smem:$0x3FAA]  }
0x2a: {  	p0 =	seq.s32 s5, $0x0;
	s5 =	sld [smem:$0x3FAB]  }
0x2b: {  	s6 =	sld [smem:$0x3FAC]  }
0x2c: {  	s7 =	sld [smem:$0x3FAD]  }
0x2d: {  	s3 =	simm.s32 $0x108;
	s8 =	sld [smem:$0x3FAE]  }
0x2e: {  	s3 =	simm.s32 @!p0 $0x1082;
	s9 =	sld [smem:$0x3FAF]  }
0x2f: {  	lr =	sadd.s32 s0, s3;
	s0 =	sld [smem:$0x3FA6]  }
0x30: {  	s3 =	sld [smem:$0x3FA9]  }
0x31: {  	[smem:$0x3FB2] =	sst s10  }
0x32: {  	s10 =	sld [smem:$0x3FB0];
	_ =	sdelay $0x3  }
0x33: {  	p0 =	seq.s32 s10, $0x1;
	s10 =	sld [smem:$0x3FB2];
	_ =	sdelay $0x3  }
0x34: {  	[smem:$0x3FB2] =	sst s10  }
0x35: {  	s10 =	sld [smem:$0x3FB1];
	_ =	sdelay $0x3  }
0x36: {  	p1 =	seq.s32 s10, $0x1;
	s10 =	sld [smem:$0x3FB2];
	_ =	sdelay $0x3  }
0x37: {  	[smem:$0x3FB2] =	sst s10  }
0x38: {  	s10 =	sld [smem:$0x3FB3]  }
0x39: {  	_ = 	snop;
	(pc) =	sbr.ind lr, $3  }
0x3a: {  	_ = 	snop  }
0x3b: {  	_ = 	snop  }
0x3c: {  	p2 =	seq.s32 s10, $0x1;
	s10 =	sld [smem:$0x3FB2]  }
0x3d: {  	_ =	shalt  }
0x3e: {  	_ =	shalt  }
0x3f: {  	_ =	shalt  }
0x40: {  	_ =	shalt  }
0x41: {  	_ =	shalt  }
0x42: {  	_ =	shalt  }
0x43: {  	_ =	shalt  }
0x44: {  	_ =	shalt  }
0x45: {  	_ =	shalt  }
0x46: {  	_ =	shalt  }
0x47: {  	_ =	shalt  }
0x48: {  	_ =	shalt  }
0x49: {  	_ =	shalt  }
0x4a: {  	_ =	shalt  }
0x4b: {  	_ =	shalt  }
0x4c: {  	_ =	shalt  }
0x4d: {  	_ =	shalt  }
0x4e: {  	_ =	shalt  }
0x4f: {  	_ =	shalt  }
0x50: {  	_ =	shalt  }
0x51: {  	_ =	shalt  }
0x52: {  	_ =	shalt  }
0x53: {  	_ =	shalt  }
0x54: {  	_ =	shalt  }
0x55: {  	_ =	shalt  }
0x56: {  	_ =	shalt  }
0x57: {  	_ =	shalt  }
0x58: {  	_ =	shalt  }
0x59: {  	_ =	shalt  }
0x5a: {  	_ =	shalt  }
0x5b: {  	_ =	shalt  }
0x5c: {  	_ =	shalt  }
0x5d: {  	_ =	shalt  }
0x5e: {  	_ =	shalt  }
0x5f: {  	_ =	shalt  }
0x60: {  	_ =	shalt  }
0x61: {  	_ =	shalt  }
0x62: {  	_ =	shalt  }
0x63: {  	_ =	shalt  }
0x64: {  	_ =	shalt  }
0x65: {  	_ =	shalt  }
0x66: {  	_ =	shalt  }
0x67: {  	_ =	shalt  }
0x68: {  	_ =	shalt  }
0x69: {  	_ =	shalt  }
0x6a: {  	_ =	shalt  }
0x6b: {  	_ =	shalt  }
0x6c: {  	_ =	shalt  }
0x6d: {  	_ =	shalt  }
0x6e: {  	_ =	shalt  }
0x6f: {  	_ =	shalt  }
0x70: {  	_ =	shalt  }
0x71: {  	_ =	shalt  }
0x72: {  	_ =	shalt  }
0x73: {  	_ =	shalt  }
0x74: {  	_ =	shalt  }
0x75: {  	_ =	shalt  }
0x76: {  	_ =	shalt  }
0x77: {  	_ =	shalt  }
0x78: {  	_ =	shalt  }
0x79: {  	_ =	shalt  }
0x7a: {  	_ =	shalt  }
0x7b: {  	_ =	shalt  }
0x7c: {  	_ =	shalt  }
0x7d: {  	_ =	shalt  }
0x7e: {  	_ =	shalt  }
0x7f: {  	_ =	shalt  }
0x80: {  	_ =	shalt  }
0x81: {  	_ =	shalt  }
0x82: {  	_ =	shalt  }
0x83: {  	_ =	shalt  }
0x84: {  	_ =	shalt  }
0x85: {  	_ =	shalt  }
0x86: {  	_ =	shalt  }
0x87: {  	_ =	shalt  }
.Lfunc_end0:
.L_simem_size_0:
called_computation_lowered:
.L_overlay_start_0:
0x88: {  	s2 =	sld [smem:$0x3FD9]  }
0x89: {  	s3 =	sld [smem:$0x3FFE];
	_ =	sdelay $0x1  }
0x8a: {  	s1 =	srdreg.scid  }
0x8b: {  	s0 =	sand.u32 $0x1, s1  }
0x8c: {  	s17 =	sshll.u32 s0, $0xA;
	s2 =	sadd.s32 s3, s2  }
0x8d: {  	s2 =	sadd.s32 s2, s17  }
0x8e: {  	[smem:$0x3FBE] =	sst s2  }
0x8f: {  	_ = 	snop  }
0x90: {  	s2 =	sld [smem:$0x3FD0];
	(tm) =	ssettm $0x1  }
0x91: {  	s18 =	sld [smem:$0x3FFB];
	_ =	sdelay $0x3  }
0x92: {  	_ =	strace s18  }
0x93: {  	s3 =	sld [smem:$0x3FFC];
	_ =	sdelay $0x3  }
0x94: {  	_ =	strace s3  }
0x95: {  	s3 =	sld [smem:$0x3FFD];
	_ =	sdelay $0x3  }
0x96: {  	_ =	strace s3  }
0x97: {  	_ =	strace $0x8FFFFFFF  }
0x98: {  	s19 =	sld [smem:$0x3FDB];
	_ =	sdelay $0x1  }
0x99: {  	s4 =	simm.s32 $_scs_section_size  }
0x9a: {  	s5 =	simm.s32 $_size__tile_overlayer_lowered;
	s6 =	simm.s32 $_tile_overlayer_lowered  }
0x9b: {  	s22 =	simm.s32 $0x1BFF;
	s21 =	sshll.u32 s6, $0x1;
	s3 =	sadd.s32 s4, s19  }
0x9c: {  	s7 =	simm.s32 $0x0;
	s20 =	sshll.u32 s5, $0x1;
	s5 =	sadd.s32 s21, s3  }
0x9d: {  	[timem:s7], [sflag:s22] =	dma.local [hbm:s5], s20  }
0x9e: {  	_ =	swait.ge [sflag:s22], s20  }
0x9f: {  	s4 =	ssub.s32 $0x0, s20;
	[sflag:s22] =	ssyncset.done $0x0  }
0xa0: {  	[sflag:s22] =	ssyncadd.s32 s4;
	_ =	sdelay $0x1  }
0xa1: {  	s23 =	simm.s32 $0x1B8B  }
0xa2: {  	_ =	swait.ge [sflag:s23], $0x1  }
0xa3: {  	[sflag:s23] =	ssyncset.done $0x0  }
0xa4: {  	s25 =	simm.s32 $0x1B8E;
	s24 =	sld [smem:$0x3FFE];
	[sflag:s23] =	ssyncadd.s32 $0xFFFFFFFF  }
0xa5: {  	s26 =	simm.s32 $execute0_lowered;
	[smem:$0x3FD2] =	sst s25  }
0xa6: {  	s5 =	sshll.u32 s26, $0x1;
	_ =	strace $0x80000046;
	[dreg:$0x1] =	wrdreg $0xFFFFFFFF  }
0xa7: {  	s28 =	simm.s32 $_size_execute0_lowered;
	s3 =	sadd.s32 s3, s5;
	[dreg:$0x0] =	wrdreg $0x0  }
0xa8: {  	s5 =	sshll.u32 s28, $0x1;
	[dreg:$0x2] =	wrdreg s3  }
0xa9: {  	[dreg:$0x3] =	wrdreg s5  }
0xaa: {  	[dreg:$0x4] =	wrdreg $0xC0  }
0xab: {  	_ =	task [dreg:s7], $0x5FFFF  }
0xac: {  	[dreg:$0x1] =	wrdreg $0xFFFFFFFF  }
0xad: {  	[dreg:$0x0] =	wrdreg $0x60  }
0xae: {  	[dreg:$0x2] =	wrdreg s24  }
0xaf: {  	[dreg:$0x3] =	wrdreg s2  }
0xb0: {  	[dreg:$0x4] =	wrdreg $0x55000  }
0xb1: {  	[dreg:$0x5] =	wrdreg $0x57800  }
0xb2: {  	[dreg:$0x6] =	wrdreg $0x9  }
0xb3: {  	_ =	task.clear_ibuf [dreg:s7], $0x7FFFF;
	_ =	strace $0x90000046  }
0xb4: {  	s29 =	simm.s32 $0x9;
	_ =	strace $0x80000048  }
0xb5: {  	_ =	swait.ge [sflag:s29], $0x1  }
0xb6: {  	[sflag:s29] =	ssyncadd.s32 $0xFFFFFFFF  }
0xb7: {  	_ =	strace $0x90000048  }
0xb8: {  	_ =	sfence  }
0xb9: {  	s30 =	sld [smem:$0x0];
	_ =	sdelay $0x2  }
0xba: {  	s31 =	sshll.u32 s1, $0xD;
	s1 =	sshrl.u32 s1, $0x2  }
0xbb: {  	s3 =	sand.u32 $0x4000, s31;
	s1 =	sadd.s32 s1, s30  }
0xbc: {  	s0 =	sor.u32 s3, s0;
	s1 =	sshll.u32 s1, $0x11  }
0xbd: {  	s0 =	sor.u32 s1, s0  }
0xbe: {  	s0 =	sadd.s32 $0x8F2B, s0  }
0xbf: {  	[sflag:s0] =	ssyncadd.remote.s32 $0x1  }
0xc0: {  	_ =	sfence.sel $0xFFFF  }
0xc1: {  	[dreg:$0x0] =	wrdreg $0xFFFFFFFF;
	(pc) =	sbr.abs _section_cstart, $3  }
0xc2: {  	[dreg:$0x1] =	wrdreg $0xFFFFFFFF  }
0xc3: {  	_ =	task.clear_ibuf [dreg:s7], $0x2FFFF;
	_ =	strace $0x9FFFFFFF  }
0xc4: {  	(tm) =	ssettm $0x7FFFFFFF  }
0xc5: {  	_ =	shalt  }
tec
execute0_lowered:
.L_overlay_start_1:
0x0: {  	(tag) =	ssettag $0x1  }
0x1: {  	s1 =	rddreg [dreg:$0x0]  }
0x2: {  	s9 =	rddreg [dreg:$0x1]  }
0x3: {  	s3 =	srdreg.scid;
	s0 =	stileid.u32  }
0x4: {  	s2 =	rddreg [dreg:$0x2];
	s13 =	simm.s32 $0x5;
	s14 =	simm.s32 $0x2780  }
0x5: {  	s15 =	simm.s32 $0x80;
	s16 =	simm.s32 $0x4F00;
	s17 =	simm.s32 $0x5200  }
0x6: {  	s18 =	simm.s32 $0x5000;
	s19 =	simm.s32 $0x4F80;
	s20 =	simm.s32 $0x5080  }
0x7: {  	s21 =	simm.s32 $0x1;
	s22 =	simm.s32 $0x3;
	s23 =	simm.s32 $0x2  }
0x8: {  	s24 =	simm.s32 $0x4;
	s25 =	simm.s32 $0x10;
	s28 =	simm.s32 $0x5180  }
0x9: {  	s29 =	simm.s32 $0x20;
	s30 =	simm.s32 $0x0;
	s5 =	sand.u32 $0x1, s3  }
0xa: {  	s4 =	sshll.u32 s0, $0x1;
	s3 =	rddreg [dreg:$0x3];
	s7 =	smul.u32 $0x500, s0  }
0xb: {  	s26 =	smul.u32 $0x280, s0;
	s6 =	sor.u32 s5, s4;
	s4 =	simm.s32 $0x0  }
0xc: {  	s8 =	sshll.u32 s5, $0x7;
	s5 =	ssub.s32 $0x2, s5;
	s6 =	smul.u32 $0x2710, s6  }
0xd: {  	[smem:$0x7FF] =	sst s4;
	s7 =	sor.u32 s8, s7;
	s31 =	sshrl.u32 s5, $0x1  }
0xe: {  	_ =	strace $0x80000047;
	s11 =	sshrl.u32 s7, $0x3;
	s12 =	ssub.s32 s5, s31  }
0xf: {  	s5 =	sadd.s32 s26, s2;
	s6 =	sshrl.u32 s6, $0x3;
	s9 =	sadd.s32 s9, s11  }
0x10: {  	s10 =	sadd.s32 s6, s1;
	s1 =	sadd.s32 s11, s1;
	s6 =	sadd.s32 s26, s3  }
0x11: {  	s11 =	smax.u32 s12, $0x1;
	s12 =	simm.s32 $0x5280;
	s26 =	simm.s32 $0x5100  }
0x12: {  	v0 =	vimm.f32 $1.000000000e+00;
	v1 =	vimm.f32 $0.0e+00;
	s7 =	sadd.s32 $0x3A00, s10;
	s8 =	sadd.s32 $0xD640, s10;
	s10 =	sadd.s32 $0x17400, s1  }
.LBB2_1:
0x13: {  	[tilespmem:$0x5200] =	vst v0  }
0x14: {  	[tilespmem:$0x5210] =	vst v0  }
0x15: {  	[tilespmem:$0x5220] =	vst v0  }
0x16: {  	[tilespmem:$0x5230] =	vst v0  }
0x17: {  	[tilespmem:$0x5240] =	vst v0  }
0x18: {  	[tilespmem:$0x5250] =	vst v0  }
0x19: {  	[tilespmem:$0x5260] =	vst v0  }
0x1a: {  	[tilespmem:$0x5270] =	vst v0  }
0x1b: {  	[tilespmem:$0x5280] =	vst v1  }
0x1c: {  	[tilespmem:$0x5290] =	vst v1  }
0x1d: {  	[tilespmem:$0x52A0] =	vst v1  }
0x1e: {  	[tilespmem:$0x52B0] =	vst v1  }
0x1f: {  	[tilespmem:$0x52C0] =	vst v1  }
0x20: {  	[tilespmem:$0x52D0] =	vst v1  }
0x21: {  	[tilespmem:$0x52E0] =	vst v1  }
0x22: {  	[tilespmem:$0x52F0] =	vst v1  }
0x23: {  	[tilespmem:$0x5300] =	vst v1  }
0x24: {  	[tilespmem:$0x5310] =	vst v1  }
0x25: {  	[tilespmem:$0x5320] =	vst v1  }
0x26: {  	[tilespmem:$0x5330] =	vst v1  }
0x27: {  	[tilespmem:$0x5340] =	vst v1  }
0x28: {  	[tilespmem:$0x5350] =	vst v1  }
0x29: {  	[tilespmem:$0x5360] =	vst v1  }
0x2a: {  	[tilespmem:$0x5370] =	vst v1  }
0x2b: {  	[tilespmem:$0x5380] =	vst v1  }
0x2c: {  	[tilespmem:$0x5390] =	vst v1  }
0x2d: {  	[tilespmem:$0x53A0] =	vst v1  }
0x2e: {  	[tilespmem:$0x53B0] =	vst v1  }
0x2f: {  	[tilespmem:$0x53C0] =	vst v1  }
0x30: {  	[tilespmem:$0x53D0] =	vst v1  }
0x31: {  	[tilespmem:$0x53E0] =	vst v1  }
0x32: {  	[tilespmem:$0x53F0] =	vst v1  }
0x33: {  	[tilespmem:$0x5400] =	vst v1  }
0x34: {  	[tilespmem:$0x5410] =	vst v1  }
0x35: {  	[tilespmem:$0x5420] =	vst v1  }
0x36: {  	[tilespmem:$0x5430] =	vst v1  }
0x37: {  	[tilespmem:$0x5440] =	vst v1  }
0x38: {  	[tilespmem:$0x5450] =	vst v1  }
0x39: {  	[tilespmem:$0x5460] =	vst v1  }
0x3a: {  	[tilespmem:$0x5470] =	vst v1  }
0x3b: {  	[tilespmem:$0x5480] =	vst v1  }
0x3c: {  	[tilespmem:$0x5490] =	vst v1  }
0x3d: {  	[tilespmem:$0x54A0] =	vst v1  }
0x3e: {  	[tilespmem:$0x54B0] =	vst v1  }
0x3f: {  	[tilespmem:$0x54C0] =	vst v1  }
0x40: {  	[tilespmem:$0x54D0] =	vst v1  }
0x41: {  	[tilespmem:$0x54E0] =	vst v1  }
0x42: {  	[tilespmem:$0x54F0] =	vst v1  }
0x43: {  	[spmem:s5] =	stream.linear.scatter [tilespmem:s12], [sflag:$0x5], $0x280, $0x38;
	[tilespmem:$0x5A00] =	vst v63  }
0x44: {  	_ =	swait.ge [sflag:s13], $0x280  }
0x45: {  	[sflag:s13] =	ssyncset.done $0x0  }
0x46: {  	[sflag:s13] =	ssyncadd.s32 $0xFFFFFD80  }
0x47: {  	[spmem:s6] =	stream.linear.scatter [tilespmem:s12], [sflag:$0x5], $0x280, $0x38;
	[tilespmem:$0x5A00] =	vst v63  }
0x48: {  	_ =	swait.ge [sflag:s13], $0x280  }
0x49: {  	[sflag:s13] =	ssyncset.done $0x0  }
0x4a: {  	[sflag:s13] =	ssyncadd.s32 $0xFFFFFD80  }
0x4b: {  	[tilespmem:s4], [sflag:$0x5] =	stream.linear.gather [hbm4b:s7+s4], $0x2710, $0x38;
	[tilespmem:$0x5A00] =	vst v63  }
0x4c: {  	_ =	swait.ge [sflag:s13], $0x2710  }
0x4d: {  	[sflag:s13] =	ssyncset.done $0x0  }
0x4e: {  	[sflag:s13] =	ssyncadd.s32 $0xFFFFD8F0  }
0x4f: {  	[tilespmem:s14], [sflag:$0x5] =	stream.linear.gather [hbm4b:s8+s4], $0x2710, $0x38;
	[tilespmem:$0x5A00] =	vst v63  }
0x50: {  	_ =	swait.ge [sflag:s13], $0x2710  }
0x51: {  	[sflag:s13] =	ssyncset.done $0x0  }
0x52: {  	[sflag:s13] =	ssyncadd.s32 $0xFFFFD8F0  }
0x53: {  	[bflag:$0x0] =	sbarrier.arrive $0xFFFF  }
0x54: {  	v2 =	vld [tilespmem:$0x0]  }
0x55: {  	v3 =	vld [tilespmem:$0x2780]  }
0x56: {  	v4 =	vld [tilespmem:$0x10]  }
0x57: {  	v5 =	vld [tilespmem:$0x2790]  }
0x58: {  	v6 =	vld [tilespmem:$0x20]  }
0x59: {  	[tilespmem:$0x4F00] =	vst v2;
	v2 =	vld [tilespmem:$0x27A0]  }
0x5a: {  	v49 =	vld [tilespmem:$0x27B0];
	[tilespmem:$0x5000] =	vst v3  }
0x5b: {  	v50 =	vld [tilespmem:$0x40];
	[tilespmem:$0x4F10] =	vst v4  }
0x5c: {  	v51 =	vld [tilespmem:$0x27C0];
	[tilespmem:$0x5010] =	vst v5  }
0x5d: {  	v3 =	vld [tilespmem:$0x30];
	[tilespmem:$0x4F20] =	vst v6  }
0x5e: {  	[tilespmem:$0x5020] =	vst v2;
	v2 =	vld [tilespmem:$0x50]  }
0x5f: {  	v52 =	vld [tilespmem:$0x60];
	[tilespmem:$0x5030] =	vst v49  }
0x60: {  	v53 =	vld [tilespmem:$0x27E0];
	[tilespmem:$0x4F40] =	vst v50  }
0x61: {  	v54 =	vld [tilespmem:$0x70];
	[tilespmem:$0x5040] =	vst v51  }
0x62: {  	[tilespmem:$0x4F30] =	vst v3;
	v3 =	vld [tilespmem:$0x27D0]  }
0x63: {  	[tilespmem:$0x4F50] =	vst v2;
	v2 =	vld [tilespmem:$0x27F0]  }
0x64: {  	[tilespmem:$0x4F60] =	vst v52  }
0x65: {  	[tilespmem:$0x5060] =	vst v53  }
0x66: {  	[tilespmem:$0x4F70] =	vst v54  }
0x67: {  	[tilespmem:$0x5050] =	vst v3  }
0x68: {  	[tilespmem:$0x5070] =	vst v2  }
0x69: {  	[spmem:s2] =	stream.indirect.scatter.add.f32 [tilespmem:s17], [sflag:$0x1], $0x1, s16, s15, $0xb8;
	[tilespmem:$0x5A00] =	vst v63  }
0x6a: {  	_ = 	snop  }
0x6b: {  	[spmem:s3] =	stream.indirect.scatter.add.f32 [tilespmem:s17], [sflag:$0x3], $0x1, s18, s15, $0xb8;
	[tilespmem:$0x5A00] =	vst v63  }
0x6c: {  	v2 =	vld [tilespmem:$0x80]  }
0x6d: {  	v3 =	vld [tilespmem:$0x2800]  }
0x6e: {  	v55 =	vld [tilespmem:$0x90]  }
0x6f: {  	v56 =	vld [tilespmem:$0x2810]  }
0x70: {  	v57 =	vld [tilespmem:$0xA0]  }
0x71: {  	[tilespmem:$0x4F80] =	vst v2;
	v2 =	vld [tilespmem:$0x2820]  }
0x72: {  	v58 =	vld [tilespmem:$0x2830];
	[tilespmem:$0x5080] =	vst v3  }
0x73: {  	v59 =	vld [tilespmem:$0xC0];
	[tilespmem:$0x4F90] =	vst v55  }
0x74: {  	v60 =	vld [tilespmem:$0x2840];
	[tilespmem:$0x5090] =	vst v56  }
0x75: {  	v3 =	vld [tilespmem:$0xB0];
	[tilespmem:$0x4FA0] =	vst v57  }
0x76: {  	[tilespmem:$0x50A0] =	vst v2;
	v2 =	vld [tilespmem:$0xD0]  }
0x77: {  	v61 =	vld [tilespmem:$0xE0];
	[tilespmem:$0x50B0] =	vst v58  }
0x78: {  	v62 =	vld [tilespmem:$0x2860];
	[tilespmem:$0x4FC0] =	vst v59  }
0x79: {  	v63 =	vld [tilespmem:$0xF0];
	[tilespmem:$0x50C0] =	vst v60  }
0x7a: {  	[tilespmem:$0x4FB0] =	vst v3;
	v3 =	vld [tilespmem:$0x2850]  }
0x7b: {  	[tilespmem:$0x4FD0] =	vst v2;
	v2 =	vld [tilespmem:$0x2870]  }
0x7c: {  	[tilespmem:$0x4FE0] =	vst v61  }
0x7d: {  	[tilespmem:$0x50E0] =	vst v62  }
0x7e: {  	[tilespmem:$0x4FF0] =	vst v63  }
0x7f: {  	[tilespmem:$0x50D0] =	vst v3  }
0x80: {  	[tilespmem:$0x50F0] =	vst v2  }
0x81: {  	[spmem:s2] =	stream.indirect.scatter.add.f32 [tilespmem:s17], [sflag:$0x2], $0x1, s19, s15, $0xb8;
	[tilespmem:$0x5A00] =	vst v63  }
0x82: {  	_ = 	snop  }
0x83: {  	[spmem:s3] =	stream.indirect.scatter.add.f32 [tilespmem:s17], [sflag:$0x4], $0x1, s20, s15, $0xb8;
	[tilespmem:$0x5A00] =	vst v63  }
0x84: {  	_ =	swait.ge [sflag:s21], $0x80  }
0x85: {  	[sflag:s21] =	ssyncset.done $0x0  }
0x86: {  	[sflag:s21] =	ssyncadd.s32 $0xFFFFFF80  }
0x87: {  	_ =	swait.ge [sflag:s22], $0x80  }
0x88: {  	[sflag:s22] =	ssyncset.done $0x0  }
0x89: {  	s1 =	simm.s32 $0x1F0;
	[sflag:s22] =	ssyncadd.s32 $0xFFFFFF80  }
0x8a: {  	v2 =	vld [tilespmem:s1+$0xFFFFFF10];
	_ =	sdelay $0x4  }
0x8b: {  	[tilespmem:$0x4F00] =	vst v2  }
0x8c: {  	v2 =	vld [tilespmem:s1+$0x2690];
	_ =	sdelay $0x4  }
0x8d: {  	[tilespmem:$0x5000] =	vst v2  }
0x8e: {  	v2 =	vld [tilespmem:s1+$0xFFFFFF20];
	_ =	sdelay $0x4  }
0x8f: {  	[tilespmem:$0x4F10] =	vst v2  }
0x90: {  	v2 =	vld [tilespmem:s1+$0x26A0];
	_ =	sdelay $0x4  }
0x91: {  	[tilespmem:$0x5010] =	vst v2  }
0x92: {  	v2 =	vld [tilespmem:s1+$0xFFFFFF30];
	_ =	sdelay $0x4  }
0x93: {  	[tilespmem:$0x4F20] =	vst v2  }
0x94: {  	v2 =	vld [tilespmem:s1+$0x26B0];
	_ =	sdelay $0x4  }
0x95: {  	[tilespmem:$0x5020] =	vst v2  }
0x96: {  	v2 =	vld [tilespmem:s1+$0xFFFFFF40];
	_ =	sdelay $0x4  }
0x97: {  	[tilespmem:$0x4F30] =	vst v2  }
0x98: {  	v2 =	vld [tilespmem:s1+$0x26C0];
	_ =	sdelay $0x4  }
0x99: {  	[tilespmem:$0x5030] =	vst v2  }
0x9a: {  	v2 =	vld [tilespmem:s1+$0xFFFFFF50];
	_ =	sdelay $0x4  }
0x9b: {  	[tilespmem:$0x4F40] =	vst v2  }
0x9c: {  	v2 =	vld [tilespmem:s1+$0x26D0];
	_ =	sdelay $0x4  }
0x9d: {  	[tilespmem:$0x5040] =	vst v2  }
0x9e: {  	v2 =	vld [tilespmem:s1+$0xFFFFFF60];
	_ =	sdelay $0x4  }
0x9f: {  	[tilespmem:$0x4F50] =	vst v2  }
0xa0: {  	v2 =	vld [tilespmem:s1+$0x26E0];
	_ =	sdelay $0x4  }
0xa1: {  	[tilespmem:$0x5050] =	vst v2  }
0xa2: {  	v2 =	vld [tilespmem:s1+$0xFFFFFF70];
	_ =	sdelay $0x4  }
0xa3: {  	[tilespmem:$0x4F60] =	vst v2  }
0xa4: {  	v2 =	vld [tilespmem:s1+$0x26F0];
	_ =	sdelay $0x4  }
0xa5: {  	[tilespmem:$0x5060] =	vst v2  }
0xa6: {  	v2 =	vld [tilespmem:s1+$0xFFFFFF80];
	_ =	sdelay $0x4  }
0xa7: {  	[tilespmem:$0x4F70] =	vst v2  }
0xa8: {  	v2 =	vld [tilespmem:s1+$0x2700];
	_ =	sdelay $0x4  }
0xa9: {  	[tilespmem:$0x5070] =	vst v2  }
0xaa: {  	[spmem:s2] =	stream.indirect.scatter.add.f32 [tilespmem:s17], [sflag:$0x1], $0x1, s16, s15, $0xb8;
	[tilespmem:$0x5A00] =	vst v63  }
0xab: {  	_ = 	snop  }
0xac: {  	[spmem:s3] =	stream.indirect.scatter.add.f32 [tilespmem:s17], [sflag:$0x3], $0x1, s18, s15, $0xb8;
	[tilespmem:$0x5A00] =	vst v63  }
0xad: {  	_ =	swait.ge [sflag:s23], $0x80  }
0xae: {  	[sflag:s23] =	ssyncset.done $0x0  }
0xaf: {  	[sflag:s23] =	ssyncadd.s32 $0xFFFFFF80  }
0xb0: {  	_ =	swait.ge [sflag:s24], $0x80  }
0xb1: {  	[sflag:s24] =	ssyncset.done $0x0  }
0xb2: {  	[sflag:s24] =	ssyncadd.s32 $0xFFFFFF80  }
0xb3: {  	v2 =	vld [tilespmem:s1+$0xFFFFFF90];
	_ =	sdelay $0x4  }
0xb4: {  	[tilespmem:$0x4F80] =	vst v2  }
0xb5: {  	v2 =	vld [tilespmem:s1+$0x2710];
	_ =	sdelay $0x4  }
0xb6: {  	[tilespmem:$0x5080] =	vst v2  }
0xb7: {  	v2 =	vld [tilespmem:s1+$0xFFFFFFA0];
	_ =	sdelay $0x4  }
0xb8: {  	[tilespmem:$0x4F90] =	vst v2  }
0xb9: {  	v2 =	vld [tilespmem:s1+$0x2720];
	_ =	sdelay $0x4  }
0xba: {  	[tilespmem:$0x5090] =	vst v2  }
0xbb: {  	v2 =	vld [tilespmem:s1+$0xFFFFFFB0];
	_ =	sdelay $0x4  }
0xbc: {  	[tilespmem:$0x4FA0] =	vst v2  }
0xbd: {  	v2 =	vld [tilespmem:s1+$0x2730];
	_ =	sdelay $0x4  }
0xbe: {  	[tilespmem:$0x50A0] =	vst v2  }
0xbf: {  	v2 =	vld [tilespmem:s1+$0xFFFFFFC0];
	_ =	sdelay $0x4  }
0xc0: {  	[tilespmem:$0x4FB0] =	vst v2  }
0xc1: {  	v2 =	vld [tilespmem:s1+$0x2740];
	_ =	sdelay $0x4  }
0xc2: {  	[tilespmem:$0x50B0] =	vst v2  }
0xc3: {  	v2 =	vld [tilespmem:s1+$0xFFFFFFD0];
	_ =	sdelay $0x4  }
0xc4: {  	[tilespmem:$0x4FC0] =	vst v2  }
0xc5: {  	v2 =	vld [tilespmem:s1+$0x2750];
	_ =	sdelay $0x4  }
0xc6: {  	[tilespmem:$0x50C0] =	vst v2  }
0xc7: {  	v2 =	vld [tilespmem:s1+$0xFFFFFFE0];
	_ =	sdelay $0x4  }
0xc8: {  	[tilespmem:$0x4FD0] =	vst v2  }
0xc9: {  	v2 =	vld [tilespmem:s1+$0x2760];
	_ =	sdelay $0x4  }
0xca: {  	[tilespmem:$0x50D0] =	vst v2  }
0xcb: {  	v2 =	vld [tilespmem:s1+$0xFFFFFFF0];
	_ =	sdelay $0x4  }
0xcc: {  	[tilespmem:$0x4FE0] =	vst v2  }
0xcd: {  	v2 =	vld [tilespmem:s1+$0x2770];
	_ =	sdelay $0x4  }
0xce: {  	[tilespmem:$0x50E0] =	vst v2  }
0xcf: {  	v2 =	vld [tilespmem:s1+$0x0];
	_ =	sdelay $0x4  }
0xd0: {  	[tilespmem:$0x4FF0] =	vst v2  }
0xd1: {  	v2 =	vld [tilespmem:s1+$0x2780];
	_ =	sdelay $0x4  }
0xd2: {  	s31 =	simm.s32 $0xBC0;
	[tilespmem:$0x50F0] =	vst v2  }
0xd3: {  	[spmem:s2] =	stream.indirect.scatter.add.f32 [tilespmem:s17], [sflag:$0x2], $0x1, s19, s15, $0xb8;
	[tilespmem:$0x5A00] =	vst v63  }
.LBB2_2:
0xd4: {  	[spmem:s3] =	stream.indirect.scatter.add.f32 [tilespmem:s17], [sflag:$0x4], $0x1, s20, s15, $0xb8;
	[tilespmem:$0x5A00] =	vst v63  }
0xd5: {  	s1 =	smov.u32 s31  }
0xd6: {  	p0 =	sne.s32 s31, $0x9BC0;
	s31 =	sadd.s32 $0x400, s31;
	_ =	swait.ge [sflag:s21], $0x80  }
0xd7: {  	[sflag:s21] =	ssyncset.done $0x0  }
0xd8: {  	[sflag:s21] =	ssyncadd.s32 $0xFFFFFF80  }
0xd9: {  	_ =	swait.ge [sflag:s22], $0x80  }
0xda: {  	[sflag:s22] =	ssyncset.done $0x0  }
0xdb: {  	s1 =	sshra.s32 s1, $0x2;
	[sflag:s22] =	ssyncadd.s32 $0xFFFFFF80  }
0xdc: {  	v2 =	vld [tilespmem:s1+$0xFFFFFF10];
	_ =	sdelay $0x4  }
0xdd: {  	[tilespmem:$0x4F00] =	vst v2  }
0xde: {  	v2 =	vld [tilespmem:s1+$0x2690];
	_ =	sdelay $0x4  }
0xdf: {  	[tilespmem:$0x5000] =	vst v2  }
0xe0: {  	v2 =	vld [tilespmem:s1+$0xFFFFFF20];
	_ =	sdelay $0x4  }
0xe1: {  	[tilespmem:$0x4F10] =	vst v2  }
0xe2: {  	v2 =	vld [tilespmem:s1+$0x26A0];
	_ =	sdelay $0x4  }
0xe3: {  	[tilespmem:$0x5010] =	vst v2  }
0xe4: {  	v2 =	vld [tilespmem:s1+$0xFFFFFF30];
	_ =	sdelay $0x4  }
0xe5: {  	[tilespmem:$0x4F20] =	vst v2  }
0xe6: {  	v2 =	vld [tilespmem:s1+$0x26B0];
	_ =	sdelay $0x4  }
0xe7: {  	[tilespmem:$0x5020] =	vst v2  }
0xe8: {  	v2 =	vld [tilespmem:s1+$0xFFFFFF40];
	_ =	sdelay $0x4  }
0xe9: {  	[tilespmem:$0x4F30] =	vst v2  }
0xea: {  	v2 =	vld [tilespmem:s1+$0x26C0];
	_ =	sdelay $0x4  }
0xeb: {  	[tilespmem:$0x5030] =	vst v2  }
0xec: {  	v2 =	vld [tilespmem:s1+$0xFFFFFF50];
	_ =	sdelay $0x4  }
0xed: {  	[tilespmem:$0x4F40] =	vst v2  }
0xee: {  	v2 =	vld [tilespmem:s1+$0x26D0];
	_ =	sdelay $0x4  }
0xef: {  	[tilespmem:$0x5040] =	vst v2  }
0xf0: {  	v2 =	vld [tilespmem:s1+$0xFFFFFF60];
	_ =	sdelay $0x4  }
0xf1: {  	[tilespmem:$0x4F50] =	vst v2  }
0xf2: {  	v2 =	vld [tilespmem:s1+$0x26E0];
	_ =	sdelay $0x4  }
0xf3: {  	[tilespmem:$0x5050] =	vst v2  }
0xf4: {  	v2 =	vld [tilespmem:s1+$0xFFFFFF70];
	_ =	sdelay $0x4  }
0xf5: {  	[tilespmem:$0x4F60] =	vst v2  }
0xf6: {  	v2 =	vld [tilespmem:s1+$0x26F0];
	_ =	sdelay $0x4  }
0xf7: {  	[tilespmem:$0x5060] =	vst v2  }
0xf8: {  	v2 =	vld [tilespmem:s1+$0xFFFFFF80];
	_ =	sdelay $0x4  }
0xf9: {  	[tilespmem:$0x4F70] =	vst v2  }
0xfa: {  	v2 =	vld [tilespmem:s1+$0x2700];
	_ =	sdelay $0x4  }
0xfb: {  	[tilespmem:$0x5070] =	vst v2  }
0xfc: {  	[spmem:s2] =	stream.indirect.scatter.add.f32 [tilespmem:s17], [sflag:$0x1], $0x1, s16, s15, $0xb8;
	[tilespmem:$0x5A00] =	vst v63  }
0xfd: {  	_ = 	snop  }
0xfe: {  	[spmem:s3] =	stream.indirect.scatter.add.f32 [tilespmem:s17], [sflag:$0x3], $0x1, s18, s15, $0xb8;
	[tilespmem:$0x5A00] =	vst v63  }
0xff: {  	_ =	swait.ge [sflag:s23], $0x80  }
0x100: {  	[sflag:s23] =	ssyncset.done $0x0  }
0x101: {  	[sflag:s23] =	ssyncadd.s32 $0xFFFFFF80  }
0x102: {  	_ =	swait.ge [sflag:s24], $0x80  }
0x103: {  	[sflag:s24] =	ssyncset.done $0x0  }
0x104: {  	[sflag:s24] =	ssyncadd.s32 $0xFFFFFF80  }
0x105: {  	v2 =	vld [tilespmem:s1+$0xFFFFFF90];
	_ =	sdelay $0x4  }
0x106: {  	[tilespmem:$0x4F80] =	vst v2  }
0x107: {  	v2 =	vld [tilespmem:s1+$0x2710];
	_ =	sdelay $0x4  }
0x108: {  	[tilespmem:$0x5080] =	vst v2  }
0x109: {  	v2 =	vld [tilespmem:s1+$0xFFFFFFA0];
	_ =	sdelay $0x4  }
0x10a: {  	[tilespmem:$0x4F90] =	vst v2  }
0x10b: {  	v2 =	vld [tilespmem:s1+$0x2720];
	_ =	sdelay $0x4  }
0x10c: {  	[tilespmem:$0x5090] =	vst v2  }
0x10d: {  	v2 =	vld [tilespmem:s1+$0xFFFFFFB0];
	_ =	sdelay $0x4  }
0x10e: {  	[tilespmem:$0x4FA0] =	vst v2  }
0x10f: {  	v2 =	vld [tilespmem:s1+$0x2730];
	_ =	sdelay $0x4  }
0x110: {  	[tilespmem:$0x50A0] =	vst v2  }
0x111: {  	v2 =	vld [tilespmem:s1+$0xFFFFFFC0];
	_ =	sdelay $0x4  }
0x112: {  	[tilespmem:$0x4FB0] =	vst v2  }
0x113: {  	v2 =	vld [tilespmem:s1+$0x2740];
	_ =	sdelay $0x4  }
0x114: {  	[tilespmem:$0x50B0] =	vst v2  }
0x115: {  	v2 =	vld [tilespmem:s1+$0xFFFFFFD0];
	_ =	sdelay $0x4  }
0x116: {  	[tilespmem:$0x4FC0] =	vst v2  }
0x117: {  	v2 =	vld [tilespmem:s1+$0x2750];
	_ =	sdelay $0x4  }
0x118: {  	[tilespmem:$0x50C0] =	vst v2  }
0x119: {  	v2 =	vld [tilespmem:s1+$0xFFFFFFE0];
	_ =	sdelay $0x4  }
0x11a: {  	[tilespmem:$0x4FD0] =	vst v2  }
0x11b: {  	v2 =	vld [tilespmem:s1+$0x2760];
	_ =	sdelay $0x4  }
0x11c: {  	[tilespmem:$0x50D0] =	vst v2  }
0x11d: {  	v2 =	vld [tilespmem:s1+$0xFFFFFFF0];
	_ =	sdelay $0x4  }
0x11e: {  	[tilespmem:$0x4FE0] =	vst v2  }
0x11f: {  	v2 =	vld [tilespmem:s1+$0x2770];
	_ =	sdelay $0x4  }
0x120: {  	[tilespmem:$0x50E0] =	vst v2  }
0x121: {  	v2 =	vld [tilespmem:s1+$0x0];
	_ =	sdelay $0x4  }
0x122: {  	[tilespmem:$0x4FF0] =	vst v2  }
0x123: {  	v2 =	vld [tilespmem:s1+$0x2780];
	_ =	sdelay $0x1  }
.Ltmp0:
0x124: {  	(pc) =	sbr.rel @p0 .LBB2_2-.Ltmp0, $3  }
0x125: {  	_ =	sdelay $0x1  }
0x126: {  	[tilespmem:$0x50F0] =	vst v2  }
0x127: {  	[spmem:s2] =	stream.indirect.scatter.add.f32 [tilespmem:s17], [sflag:$0x2], $0x1, s19, s15, $0xb8;
	[tilespmem:$0x5A00] =	vst v63  }
0x128: {  	[spmem:s3] =	stream.indirect.scatter.add.f32 [tilespmem:s17], [sflag:$0x4], $0x1, s20, s15, $0xb8;
	[tilespmem:$0x5A00] =	vst v63  }
0x129: {  	_ =	swait.ge [sflag:s21], $0x80  }
0x12a: {  	[sflag:s21] =	ssyncset.done $0x0  }
0x12b: {  	[sflag:s21] =	ssyncadd.s32 $0xFFFFFF80  }
0x12c: {  	_ =	swait.ge [sflag:s22], $0x80  }
0x12d: {  	[sflag:s22] =	ssyncset.done $0x0  }
0x12e: {  	[sflag:s22] =	ssyncadd.s32 $0xFFFFFF80  }
0x12f: {  	_ =	swait.ge [sflag:s23], $0x80  }
0x130: {  	[sflag:s23] =	ssyncset.done $0x0  }
0x131: {  	[sflag:s23] =	ssyncadd.s32 $0xFFFFFF80  }
0x132: {  	_ =	swait.ge [sflag:s24], $0x80  }
0x133: {  	[sflag:s24] =	ssyncset.done $0x0  }
0x134: {  	[sflag:s24] =	ssyncadd.s32 $0xFFFFFF80  }
0x135: {  	v2 =	vld [tilespmem:$0x2700]  }
0x136: {  	v3 =	vld [tilespmem:$0x4E80];
	_ =	sdelay $0x3  }
0x137: {  	[tilespmem:$0x5100] =	vst v2  }
0x138: {  	[tilespmem:$0x5180] =	vst v3  }
0x139: {  	[spmem:s2] =	stream.indirect.scatter.add.f32 [tilespmem:s17], [sflag:$0x5], $0x1, s26, s25, $0xb8;
	[tilespmem:$0x5A00] =	vst v63  }
0x13a: {  	_ =	swait.ge [sflag:s13], $0x10  }
0x13b: {  	[sflag:s13] =	ssyncset.done $0x0  }
0x13c: {  	[sflag:s13] =	ssyncadd.s32 $0xFFFFFFF0  }
0x13d: {  	[spmem:s3] =	stream.indirect.scatter.add.f32 [tilespmem:s17], [sflag:$0x5], $0x1, s28, s25, $0xb8;
	[tilespmem:$0x5A00] =	vst v63  }
0x13e: {  	_ =	swait.ge [sflag:s13], $0x10  }
0x13f: {  	[sflag:s13] =	ssyncset.done $0x0  }
0x140: {  	s1 =	sshll.u32 s0, $0x6;
	[sflag:s13] =	ssyncadd.s32 $0xFFFFFFF0  }
0x141: {  	s31 =	sshrl.u32 s5, $0x3;
	s1 =	sor.u32 $0x1C05, s1;
	[bflag:$0x0] =	sbarrier.arrive $0xFFFF  }
0x142: {  	[hbm:s9@s29], [sflag:s1] =	dma.strided [spmem:s31@s25], $0x50, s21, $0x10   }
0x143: {  	s30 =	sadd.s32 $0x1, s30;
	_ =	swait.ge [sflag:s13], $0x50  }
0x144: {  	p0 =	sne.s32 s30, s11;
	[sflag:s13] =	ssyncset.done $0x0  }
.Ltmp1:
0x145: {  	s31 =	sshrl.u32 s6, $0x3;
	[sflag:s13] =	ssyncadd.s32 $0xFFFFFFB0;
	(pc) =	sbr.rel @p0 .LBB2_1-.Ltmp1, $4  }
0x146: {  	[hbm:s10@s29], [sflag:s1] =	dma.strided [spmem:s31@s25], $0x50, s21, $0x10   }
0x147: {  	_ =	swait.ge [sflag:s13], $0x50  }
0x148: {  	[sflag:s13] =	ssyncset.done $0x0  }
0x149: {  	[sflag:s13] =	ssyncadd.s32 $0xFFFFFFB0  }
0x14a: {  	_ =	sfence.sel $0x180000  }
0x14b: {  	[bflag:$0x0] =	sbarrier.arrive $0xFFFF  }
0x14c: {  	_ =	strace $0x90000047  }
0x14d: {  	[bflag:$0x2] =	sbarrier.arrive $0xFFFF  }
0x14e: {  	p0 =	sne.s32 s0, $0x0;
	s0 =	rddreg [dreg:$0x4]  }
0x14f: {  	s0 =	sadd.s32 @!p0 $0x100000, s0  }
0x150: {  	[sflag:s0] =	ssyncadd.tile.s32 @!p0 $0x1;
	_ =	shalt  }
.Lfunc_end2:
_tile_overlayer_lowered:
.L_overlay_start_2:
0x151: {  	(tag) =	ssettag $0x2  }
0x152: {  	s0 =	rddreg [dreg:$0x0];
	s2 =	stileid.u32  }
0x153: {  	s1 =	rddreg [dreg:$0x1];
	p0 =	sne.s32 s2, $0x0  }
0x154: {  	s3 =	rddreg [dreg:$0x2];
	[bflag:$0x3] =	sbarrier.arrive $0xFFFF;
	s2 =	simm.s32 @!p0 $0x1C05  }
0x155: {  	[timem:s3], [sflag:s2] =	dma.local @!p0 [hbm:s0], s1  }
0x156: {  	s0 =	simm.s32 @!p0 $0x5  }
0x157: {  	_ =	swait.ge @!p0 [sflag:s0], s1  }
0x158: {  	s1 =	ssub.s32 @!p0 $0x0, s1;
	[sflag:s0] =	ssyncset.done @!p0 $0x0  }
0x159: {  	[sflag:s0] =	ssyncadd.s32 @!p0 s1  }
0x15a: {  	[bflag:$0x3] =	sbarrier.arrive $0xFFFF  }
0x15b: {  	_ =	shalt  }

// kernel: kernel.13.cloned.1.call-start
scs
__scs_entry_jumppad:
0x0: {  	(pc) =	sbr.rel $0x88, $3  }
0x1: {  	(tag) =	ssettag $0x0;
	lr =	simm.s32 $0x1  }
0x2: {  	[smem:$0x3F97] =	sst lr;
	_ =	strace $0xD0000000  }
0x3: {  	_ = 	snop  }
0x4: {  	_ = 	snop  }
0x5: {  	_ = 	snop  }
0x6: {  	_ = 	snop  }
0x7: {  	_ = 	snop  }
__scs_overlays_trampoline_lowered:
0x8: {  	[smem:$0x3FA6] =	sst s0  }
0x9: {  	[smem:$0x3FA7] =	sst s1  }
0xa: {  	[smem:$0x3FA8] =	sst s2  }
0xb: {  	[smem:$0x3FA9] =	sst s3  }
0xc: {  	[smem:$0x3FAA] =	sst s4  }
0xd: {  	[smem:$0x3FAB] =	sst s5  }
0xe: {  	[smem:$0x3FAC] =	sst s6  }
0xf: {  	[smem:$0x3FAD] =	sst s7  }
0x10: {  	[smem:$0x3FAE] =	sst s8  }
0x11: {  	[smem:$0x3FAF] =	sst s9;
	s0 =	simm.s32 @!p0 $0x0  }
0x12: {  	s1 =	sld [smem:$0x3F95];
	s0 =	simm.s32 @p0 $0x1  }
0x13: {  	[smem:$0x3FB0] =	sst s0;
	s0 =	simm.s32 @!p1 $0x0  }
0x14: {  	s2 =	sld [smem:$0x3F94];
	s0 =	simm.s32 @p1 $0x1  }
0x15: {  	[smem:$0x3FB1] =	sst s0;
	s0 =	simm.s32 @!p2 $0x0  }
0x16: {  	s3 =	sld [smem:$0x3FDB];
	s0 =	simm.s32 @p2 $0x1  }
0x17: {  	s4 =	simm.s32 $0x1BF5;
	[smem:$0x3FB3] =	sst s0  }
0x18: {  	s0 =	sld [smem:$0x3F96];
	_ =	swait.ge [sflag:s4], $0x0  }
0x19: {  	s7 =	sld [smem:$0x3F97]  }
0x1a: {  	s8 =	sadd.s32 $0xFFFFE003, lr  }
0x1b: {  	s9 =	sadd.s32 $0xFFFFFEF7, lr;
	s5 =	simm.s32 $0xFFFFFFFF;
	p2 =	slt.u32 s8, $0xFFFFF086  }
0x1c: {  	p1 =	slt.u32 s9, $0xF7A;
	s5 =	simm.s32 @!p2 $0x0  }
0x1d: {  	s5 =	simm.s32 @p1 $0x1;
	p0 =	seq.s32 s7, s2  }
0x1e: {  	s7 =	smul.u32 @!p0 $0xF7A, s2;
	p2 =	seq.s32 @!p0 s5, $0x0  }
0x1f: {  	s9 =	smul.u32 $0xF7A, s1;
	s8 =	simm.s32 @!p0 $0x1BF5;
	p2 =	por !p2, p0  }
0x20: {  	[sflag:s8] =	ssyncset.s32 @!p0 $0xFFFFF086;
	s6 =	sadd.s32 @!p0 s3, s7;
	s7 =	simm.s32 @!p0 $0x108  }
0x21: {  	s3 =	sadd.s32 s3, s9;
	s6 =	sadd.s32 @!p0 $0x88, s6;
	s7 =	simm.s32 @p2 $0x1082  }
0x22: {  	[simem:s7], [sflag:s8] =	dma.local @!p0 [hbm:s6], $0xF7A  }
0x23: {  	s9 =	sor.u32 $0xD0000000, s2;
	s6 =	simm.s32 $0x108;
	_ =	swait.ge @!p0 [sflag:s8], $0x0  }
0x24: {  	s3 =	sadd.s32 $0x88, s3;
	s6 =	simm.s32 @!p1 $0x1082;
	[sflag:s4] =	ssyncset.s32 $0xFFFFF086  }
0x25: {  	[simem:s6], [sflag:s4] =	dma.local [hbm:s3], $0xF7A  }
0x26: {  	[smem:$0x3F97] =	sst s1;
	(tag) =	ssettag s2;
	_ =	strace s9  }
0x27: {  	s1 =	sld [smem:$0x3FA7]  }
0x28: {  	s2 =	sld [smem:$0x3FA8]  }
0x29: {  	s4 =	sld [smem:$0x3FAA]  }
0x2a: {  	p0 =	seq.s32 s5, $0x0;
	s5 =	sld [smem:$0x3FAB]  }
0x2b: {  	s6 =	sld [smem:$0x3FAC]  }
0x2c: {  	s7 =	sld [smem:$0x3FAD]  }
0x2d: {  	s3 =	simm.s32 $0x108;
	s8 =	sld [smem:$0x3FAE]  }
0x2e: {  	s3 =	simm.s32 @!p0 $0x1082;
	s9 =	sld [smem:$0x3FAF]  }
0x2f: {  	lr =	sadd.s32 s0, s3;
	s0 =	sld [smem:$0x3FA6]  }
0x30: {  	s3 =	sld [smem:$0x3FA9]  }
0x31: {  	[smem:$0x3FB2] =	sst s10  }
0x32: {  	s10 =	sld [smem:$0x3FB0];
	_ =	sdelay $0x3  }
0x33: {  	p0 =	seq.s32 s10, $0x1;
	s10 =	sld [smem:$0x3FB2];
	_ =	sdelay $0x3  }
0x34: {  	[smem:$0x3FB2] =	sst s10  }
0x35: {  	s10 =	sld [smem:$0x3FB1];
	_ =	sdelay $0x3  }
0x36: {  	p1 =	seq.s32 s10, $0x1;
	s10 =	sld [smem:$0x3FB2];
	_ =	sdelay $0x3  }
0x37: {  	[smem:$0x3FB2] =	sst s10  }
0x38: {  	s10 =	sld [smem:$0x3FB3]  }
0x39: {  	_ = 	snop;
	(pc) =	sbr.ind lr, $3  }
0x3a: {  	_ = 	snop  }
0x3b: {  	_ = 	snop  }
0x3c: {  	p2 =	seq.s32 s10, $0x1;
	s10 =	sld [smem:$0x3FB2]  }
0x3d: {  	_ =	shalt  }
0x3e: {  	_ =	shalt  }
0x3f: {  	_ =	shalt  }
0x40: {  	_ =	shalt  }
0x41: {  	_ =	shalt  }
0x42: {  	_ =	shalt  }
0x43: {  	_ =	shalt  }
0x44: {  	_ =	shalt  }
0x45: {  	_ =	shalt  }
0x46: {  	_ =	shalt  }
0x47: {  	_ =	shalt  }
0x48: {  	_ =	shalt  }
0x49: {  	_ =	shalt  }
0x4a: {  	_ =	shalt  }
0x4b: {  	_ =	shalt  }
0x4c: {  	_ =	shalt  }
0x4d: {  	_ =	shalt  }
0x4e: {  	_ =	shalt  }
0x4f: {  	_ =	shalt  }
0x50: {  	_ =	shalt  }
0x51: {  	_ =	shalt  }
0x52: {  	_ =	shalt  }
0x53: {  	_ =	shalt  }
0x54: {  	_ =	shalt  }
0x55: {  	_ =	shalt  }
0x56: {  	_ =	shalt  }
0x57: {  	_ =	shalt  }
0x58: {  	_ =	shalt  }
0x59: {  	_ =	shalt  }
0x5a: {  	_ =	shalt  }
0x5b: {  	_ =	shalt  }
0x5c: {  	_ =	shalt  }
0x5d: {  	_ =	shalt  }
0x5e: {  	_ =	shalt  }
0x5f: {  	_ =	shalt  }
0x60: {  	_ =	shalt  }
0x61: {  	_ =	shalt  }
0x62: {  	_ =	shalt  }
0x63: {  	_ =	shalt  }
0x64: {  	_ =	shalt  }
0x65: {  	_ =	shalt  }
0x66: {  	_ =	shalt  }
0x67: {  	_ =	shalt  }
0x68: {  	_ =	shalt  }
0x69: {  	_ =	shalt  }
0x6a: {  	_ =	shalt  }
0x6b: {  	_ =	shalt  }
0x6c: {  	_ =	shalt  }
0x6d: {  	_ =	shalt  }
0x6e: {  	_ =	shalt  }
0x6f: {  	_ =	shalt  }
0x70: {  	_ =	shalt  }
0x71: {  	_ =	shalt  }
0x72: {  	_ =	shalt  }
0x73: {  	_ =	shalt  }
0x74: {  	_ =	shalt  }
0x75: {  	_ =	shalt  }
0x76: {  	_ =	shalt  }
0x77: {  	_ =	shalt  }
0x78: {  	_ =	shalt  }
0x79: {  	_ =	shalt  }
0x7a: {  	_ =	shalt  }
0x7b: {  	_ =	shalt  }
0x7c: {  	_ =	shalt  }
0x7d: {  	_ =	shalt  }
0x7e: {  	_ =	shalt  }
0x7f: {  	_ =	shalt  }
0x80: {  	_ =	shalt  }
0x81: {  	_ =	shalt  }
0x82: {  	_ =	shalt  }
0x83: {  	_ =	shalt  }
0x84: {  	_ =	shalt  }
0x85: {  	_ =	shalt  }
0x86: {  	_ =	shalt  }
0x87: {  	_ =	shalt  }
.Lfunc_end0:
.L_simem_size_0:
called_computation.1_lowered:
.L_overlay_start_0:
0x88: {  	s2 =	sld [smem:$0x3FD9]  }
0x89: {  	s3 =	sld [smem:$0x3FFE];
	_ =	sdelay $0x1  }
0x8a: {  	s1 =	srdreg.scid  }
0x8b: {  	s0 =	sand.u32 $0x1, s1  }
0x8c: {  	s17 =	sshll.u32 s0, $0xA;
	s2 =	sadd.s32 s3, s2  }
0x8d: {  	s2 =	sadd.s32 s2, s17  }
0x8e: {  	[smem:$0x3FBE] =	sst s2  }
0x8f: {  	_ = 	snop  }
0x90: {  	s2 =	sld [smem:$0x3FD0];
	(tm) =	ssettm $0x1  }
0x91: {  	s18 =	sld [smem:$0x3FFB];
	_ =	sdelay $0x3  }
0x92: {  	_ =	strace s18  }
0x93: {  	s3 =	sld [smem:$0x3FFC];
	_ =	sdelay $0x3  }
0x94: {  	_ =	strace s3  }
0x95: {  	s3 =	sld [smem:$0x3FFD];
	_ =	sdelay $0x3  }
0x96: {  	_ =	strace s3  }
0x97: {  	_ =	strace $0x8FFFFFFF  }
0x98: {  	s19 =	sld [smem:$0x3FDB];
	_ =	sdelay $0x1  }
0x99: {  	s4 =	simm.s32 $_scs_section_size  }
0x9a: {  	s5 =	simm.s32 $_size__tile_overlayer_lowered;
	s6 =	simm.s32 $_tile_overlayer_lowered  }
0x9b: {  	s22 =	simm.s32 $0x1BFF;
	s21 =	sshll.u32 s6, $0x1;
	s3 =	sadd.s32 s4, s19  }
0x9c: {  	s7 =	simm.s32 $0x0;
	s20 =	sshll.u32 s5, $0x1;
	s5 =	sadd.s32 s21, s3  }
0x9d: {  	[timem:s7], [sflag:s22] =	dma.local [hbm:s5], s20  }
0x9e: {  	_ =	swait.ge [sflag:s22], s20  }
0x9f: {  	s4 =	ssub.s32 $0x0, s20;
	[sflag:s22] =	ssyncset.done $0x0  }
0xa0: {  	[sflag:s22] =	ssyncadd.s32 s4;
	_ =	sdelay $0x1  }
0xa1: {  	s23 =	simm.s32 $0x1B8B  }
0xa2: {  	_ =	swait.ge [sflag:s23], $0x1  }
0xa3: {  	[sflag:s23] =	ssyncset.done $0x0  }
0xa4: {  	s25 =	simm.s32 $0x1B8E;
	s24 =	sld [smem:$0x3FFE];
	[sflag:s23] =	ssyncadd.s32 $0xFFFFFFFF  }
0xa5: {  	s26 =	simm.s32 $execute0_lowered;
	[smem:$0x3FD2] =	sst s25  }
0xa6: {  	s5 =	sshll.u32 s26, $0x1;
	_ =	strace $0x80000049;
	[dreg:$0x1] =	wrdreg $0xFFFFFFFF  }
0xa7: {  	s28 =	simm.s32 $_size_execute0_lowered;
	s3 =	sadd.s32 s3, s5;
	[dreg:$0x0] =	wrdreg $0x0  }
0xa8: {  	s5 =	sshll.u32 s28, $0x1;
	[dreg:$0x2] =	wrdreg s3  }
0xa9: {  	[dreg:$0x3] =	wrdreg s5  }
0xaa: {  	[dreg:$0x4] =	wrdreg $0xC0  }
0xab: {  	_ =	task [dreg:s7], $0x5FFFF  }
0xac: {  	[dreg:$0x1] =	wrdreg $0xFFFFFFFF  }
0xad: {  	[dreg:$0x0] =	wrdreg $0x60  }
0xae: {  	[dreg:$0x2] =	wrdreg s2  }
0xaf: {  	[dreg:$0x3] =	wrdreg s24  }
0xb0: {  	[dreg:$0x4] =	wrdreg $0xA9000  }
0xb1: {  	[dreg:$0x5] =	wrdreg $0x9  }
0xb2: {  	_ =	task.clear_ibuf [dreg:s7], $0x6FFFF;
	_ =	strace $0x90000049  }
0xb3: {  	s29 =	simm.s32 $0x9;
	_ =	strace $0x8000004B  }
0xb4: {  	_ =	swait.ge [sflag:s29], $0x1  }
0xb5: {  	[sflag:s29] =	ssyncadd.s32 $0xFFFFFFFF  }
0xb6: {  	_ =	strace $0x9000004B  }
0xb7: {  	_ =	sfence  }
0xb8: {  	s30 =	sld [smem:$0x0];
	_ =	sdelay $0x2  }
0xb9: {  	s31 =	sshll.u32 s1, $0xD;
	s1 =	sshrl.u32 s1, $0x2  }
0xba: {  	s3 =	sand.u32 $0x4000, s31;
	s1 =	sadd.s32 s1, s30  }
0xbb: {  	s0 =	sor.u32 s3, s0;
	s1 =	sshll.u32 s1, $0x11  }
0xbc: {  	s0 =	sor.u32 s1, s0  }
0xbd: {  	s0 =	sadd.s32 $0x8F2B, s0  }
0xbe: {  	[sflag:s0] =	ssyncadd.remote.s32 $0x1  }
0xbf: {  	_ =	sfence.sel $0xFFFF  }
0xc0: {  	[dreg:$0x0] =	wrdreg $0xFFFFFFFF;
	(pc) =	sbr.abs _section_cstart, $3  }
0xc1: {  	[dreg:$0x1] =	wrdreg $0xFFFFFFFF  }
0xc2: {  	_ =	task.clear_ibuf [dreg:s7], $0x2FFFF;
	_ =	strace $0x9FFFFFFF  }
0xc3: {  	(tm) =	ssettm $0x7FFFFFFF  }
tec
execute0_lowered:
.L_overlay_start_1:
0x0: {  	(tag) =	ssettag $0x1  }
0x1: {  	s1 =	rddreg [dreg:$0x0]  }
0x2: {  	s0 =	rddreg [dreg:$0x1]  }
0x3: {  	s2 =	rddreg [dreg:$0x2]  }
0x4: {  	s4 =	simm.s32 $0x0;
	s3 =	srdreg.scid;
	s12 =	stileid.u32  }
0x5: {  	s17 =	simm.s32 $0x5;
	s28 =	simm.s32 $0x4;
	s29 =	simm.s32 $0x2  }
0x6: {  	s30 =	simm.s32 $0x2880;
	s31 =	simm.s32 $0x10;
	s6 =	smul.u32 $0x14000, s12  }
0x7: {  	[smem:$0x7FF] =	sst s4;
	s3 =	sand.u32 $0x1, s3;
	s10 =	smul.u32 $0x50000, s12  }
0x8: {  	s7 =	sshll.u32 s12, $0x1;
	s8 =	sadd.s32 $0x3A00, s0;
	s11 =	smul.u32 $0x4E20, s12  }
0x9: {  	s9 =	sadd.s32 $0x17400, s0;
	s5 =	smul.u32 $0x140000, s3;
	_ =	strace $0x8000004A  }
0xa: {  	s7 =	sor.u32 s3, s7;
	s18 =	ssub.s32 $0x2, s3;
	s3 =	smul.u32 $0x2710, s3  }
0xb: {  	[dreg:$0x4] =	wrdreg s9;
	s7 =	smul.u32 $0x2710, s7;
	s19 =	sshrl.u32 s18, $0x1  }
0xc: {  	s21 =	sshrl.u32 s10, $0x2;
	s5 =	sadd.s32 s6, s5;
	s20 =	ssub.s32 s18, s19  }
0xd: {  	s16 =	sadd.s32 s21, s2;
	s6 =	sshll.u32 s12, $0x6;
	s3 =	sadd.s32 s3, s11  }
0xe: {  	s18 =	simm.s32 $0x2780;
	s19 =	simm.s32 $0x80;
	s21 =	simm.s32 $0x2800  }
0xf: {  	s5 =	sshrl.u32 s5, $0x3;
	s7 =	sshrl.u32 s7, $0x3;
	s22 =	sor.u32 $0x1C06, s6  }
0x10: {  	s13 =	sadd.s32 $0x4E380, s3;
	s3 =	sadd.s32 $0x4E300, s3;
	s16 =	sshrl.u32 s16, $0x3  }
0x11: {  	s0 =	sadd.s32 s5, s0;
	s7 =	sadd.s32 s8, s7;
	[dreg:$0x5] =	wrdreg s22  }
0x12: {  	s25 =	sshrl.u32 s13, $0x3;
	s13 =	smax.u32 s20, $0x1;
	s26 =	sshrl.u32 s3, $0x3  }
0x13: {  	s20 =	simm.s32 $0x2900;
	s22 =	simm.s32 $0x6900;
	s3 =	simm.s32 $0x0  }
0x14: {  	s23 =	sadd.s32 $0x9C40, s7;
	s24 =	sadd.s32 $0x9C50, s7;
	s11 =	sadd.s32 $0xA120, s7  }
0x15: {  	s12 =	sadd.s32 $0x19C00, s0;
	s14 =	sadd.s32 s25, s8;
	s15 =	sadd.s32 s26, s8  }
0x16: {  	s25 =	simm.s32 $0x1;
	s26 =	simm.s32 $0x7;
	[dreg:$0x6] =	wrdreg s23  }
0x17: {  	[dreg:$0x7] =	wrdreg s24;
	s23 =	simm.s32 $0x6;
	s24 =	simm.s32 $0x3  }
.LBB2_1:
0x18: {  	s0 =	rddreg [dreg:$0x4]  }
0x19: {  	s5 =	rddreg [dreg:$0x5]  }
0x1a: {  	[spmem:s16], [sflag:s5] =	dma.local [hbm:s0], $0x2800  }
0x1b: {  	[tilespmem:s4], [sflag:$0x5] =	stream.linear.gather [hbm4b:s7+s4], $0x2710, $0x38;
	[tilespmem:$0x1E900] =	vst v63  }
0x1c: {  	_ =	swait.ge [sflag:s17], $0x2710  }
0x1d: {  	[sflag:s17] =	ssyncset.done $0x0  }
0x1e: {  	s10 =	rddreg [dreg:$0x6];
	[sflag:s17] =	ssyncadd.s32 $0xFFFFD8F0  }
0x1f: {  	[tilespmem:s18], [sflag:$0x3] =	stream.linear.gather [hbm4b:s10+s4], $0x80, $0x38;
	[tilespmem:$0x1E900] =	vst v63  }
0x20: {  	_ = 	snop  }
0x21: {  	[tilespmem:s20], [sflag:$0x1] =	stream.indirect.gather [hbm4b:s1+s19], $0x80, s4, s19, $0xb8;
	[tilespmem:$0x1E900] =	vst v63  }
0x22: {  	s5 =	rddreg [dreg:$0x7]  }
0x23: {  	[tilespmem:s21], [sflag:$0x4] =	stream.linear.gather [hbm4b:s5+s4], $0x80, $0x38;
	[tilespmem:$0x1E900] =	vst v63  }
0x24: {  	_ = 	snop  }
0x25: {  	[tilespmem:s22], [sflag:$0x2] =	stream.indirect.gather [hbm4b:s1+s19], $0x80, s19, s19, $0xb8;
	[tilespmem:$0x1E900] =	vst v63  }
0x26: {  	_ =	swait.ge [sflag:s23], $0x2800  }
0x27: {  	[sflag:s23] =	ssyncset.done $0x0  }
0x28: {  	[sflag:s23] =	ssyncadd.s32 $0xFFFFD800  }
0x29: {  	[bflag:$0x0] =	sbarrier.arrive $0xFFFF  }
0x2a: {  	_ =	swait.ge [sflag:s24], $0x80  }
0x2b: {  	[sflag:s24] =	ssyncset.done $0x0  }
0x2c: {  	[sflag:s24] =	ssyncadd.s32 $0xFFFFFF80  }
0x2d: {  	_ =	swait.ge [sflag:s25], $0x4000  }
0x2e: {  	[sflag:s25] =	ssyncset.done $0x0  }
0x2f: {  	[sflag:s25] =	ssyncadd.s32 $0xFFFFC000  }
0x30: {  	[spmem:s2] =	stream.indirect.scatter.add.f32 [tilespmem:s20], [sflag:$0x7], $0x80, s18, s19, $0xb8;
	[tilespmem:$0x1E900] =	vst v63  }
0x31: {  	_ =	swait.ge [sflag:s26], $0x4000  }
0x32: {  	[sflag:s26] =	ssyncset.done $0x0  }
0x33: {  	s8 =	sadd.s32 $0x0, s15;
	[sflag:s26] =	ssyncadd.s32 $0xFFFFC000  }
0x34: {  	[tilespmem:s18], [sflag:$0x3] =	stream.linear.gather [hbm4b:s8+s4], $0x80, $0x38;
	[tilespmem:$0x1E900] =	vst v63  }
0x35: {  	s9 =	simm.s32 $0x100  }
0x36: {  	[tilespmem:s20], [sflag:$0x1] =	stream.indirect.gather [hbm4b:s1+s19], $0x80, s9, s19, $0xb8;
	[tilespmem:$0x1E900] =	vst v63  }
0x37: {  	_ =	swait.ge [sflag:s28], $0x80  }
0x38: {  	[sflag:s28] =	ssyncset.done $0x0  }
0x39: {  	[sflag:s28] =	ssyncadd.s32 $0xFFFFFF80  }
0x3a: {  	_ =	swait.ge [sflag:s29], $0x4000  }
0x3b: {  	[sflag:s29] =	ssyncset.done $0x0  }
0x3c: {  	[sflag:s29] =	ssyncadd.s32 $0xFFFFC000  }
0x3d: {  	[spmem:s2] =	stream.indirect.scatter.add.f32 [tilespmem:s22], [sflag:$0x7], $0x80, s21, s19, $0xb8;
	[tilespmem:$0x1E900] =	vst v63  }
0x3e: {  	_ =	swait.ge [sflag:s26], $0x4000  }
0x3f: {  	s0 =	simm.s32 $0x180;
	s10 =	sadd.s32 $0x0, s14;
	[sflag:s26] =	ssyncset.done $0x0  }
0x40: {  	s5 =	simm.s32 $0x20;
	s8 =	simm.s32 $0x280;
	[sflag:s26] =	ssyncadd.s32 $0xFFFFC000  }
0x41: {  	[tilespmem:s21], [sflag:$0x4] =	stream.linear.gather [hbm4b:s10+s4], $0x80, $0x38;
	[tilespmem:$0x1E900] =	vst v63  }
.LBB2_2:
0x42: {  	[tilespmem:s22], [sflag:$0x2] =	stream.indirect.gather [hbm4b:s1+s19], $0x80, s0, s19, $0xb8;
	[tilespmem:$0x1E900] =	vst v63  }
0x43: {  	s9 =	smov.u32 s5;
	s0 =	smov.u32 s8  }
0x44: {  	p0 =	sne.s32 s5, $0x4A0;
	s5 =	sadd.s32 $0x20, s5;
	_ =	swait.ge [sflag:s24], $0x80  }
0x45: {  	[sflag:s24] =	ssyncset.done $0x0  }
0x46: {  	[sflag:s24] =	ssyncadd.s32 $0xFFFFFF80  }
0x47: {  	_ =	swait.ge [sflag:s25], $0x4000  }
0x48: {  	[sflag:s25] =	ssyncset.done $0x0  }
0x49: {  	[sflag:s25] =	ssyncadd.s32 $0xFFFFC000  }
0x4a: {  	[spmem:s2] =	stream.indirect.scatter.add.f32 [tilespmem:s20], [sflag:$0x7], $0x80, s18, s19, $0xb8;
	[tilespmem:$0x1E900] =	vst v63  }
0x4b: {  	_ =	swait.ge [sflag:s26], $0x4000  }
0x4c: {  	[sflag:s26] =	ssyncset.done $0x0  }
0x4d: {  	s10 =	sadd.s32 s9, s15;
	[sflag:s26] =	ssyncadd.s32 $0xFFFFC000  }
0x4e: {  	[tilespmem:s18], [sflag:$0x3] =	stream.linear.gather [hbm4b:s10+s4], $0x80, $0x38;
	[tilespmem:$0x1E900] =	vst v63  }
0x4f: {  	s10 =	sadd.s32 $0xFFFFFF80, s8  }
0x50: {  	[tilespmem:s20], [sflag:$0x1] =	stream.indirect.gather [hbm4b:s1+s19], $0x80, s10, s19, $0xb8;
	[tilespmem:$0x1E900] =	vst v63  }
0x51: {  	_ =	swait.ge [sflag:s28], $0x80  }
0x52: {  	[sflag:s28] =	ssyncset.done $0x0  }
0x53: {  	[sflag:s28] =	ssyncadd.s32 $0xFFFFFF80  }
0x54: {  	_ =	swait.ge [sflag:s29], $0x4000  }
0x55: {  	[sflag:s29] =	ssyncset.done $0x0  }
0x56: {  	[sflag:s29] =	ssyncadd.s32 $0xFFFFC000  }
0x57: {  	[spmem:s2] =	stream.indirect.scatter.add.f32 [tilespmem:s22], [sflag:$0x7], $0x80, s21, s19, $0xb8;
	[tilespmem:$0x1E900] =	vst v63  }
.Ltmp0:
0x58: {  	_ =	swait.ge [sflag:s26], $0x4000;
	(pc) =	sbr.rel @p0 .LBB2_2-.Ltmp0, $4  }
0x59: {  	[sflag:s26] =	ssyncset.done $0x0  }
0x5a: {  	s9 =	sadd.s32 s9, s14;
	[sflag:s26] =	ssyncadd.s32 $0xFFFFC000  }
0x5b: {  	[tilespmem:s21], [sflag:$0x4] =	stream.linear.gather [hbm4b:s9+s4], $0x80, $0x38;
	[tilespmem:$0x1E900] =	vst v63  }
0x5c: {  	s8 =	sadd.s32 $0x100, s8  }
0x5d: {  	[tilespmem:s22], [sflag:$0x2] =	stream.indirect.gather [hbm4b:s1+s19], $0x80, s0, s19, $0xb8;
	[tilespmem:$0x1E900] =	vst v63  }
0x5e: {  	_ =	swait.ge [sflag:s24], $0x80  }
0x5f: {  	[sflag:s24] =	ssyncset.done $0x0  }
0x60: {  	[sflag:s24] =	ssyncadd.s32 $0xFFFFFF80  }
0x61: {  	_ =	swait.ge [sflag:s25], $0x4000  }
0x62: {  	[sflag:s25] =	ssyncset.done $0x0  }
0x63: {  	[sflag:s25] =	ssyncadd.s32 $0xFFFFC000  }
0x64: {  	[spmem:s2] =	stream.indirect.scatter.add.f32 [tilespmem:s20], [sflag:$0x7], $0x80, s18, s19, $0xb8;
	[tilespmem:$0x1E900] =	vst v63  }
0x65: {  	_ =	swait.ge [sflag:s26], $0x4000  }
0x66: {  	[sflag:s26] =	ssyncset.done $0x0  }
0x67: {  	[sflag:s26] =	ssyncadd.s32 $0xFFFFC000  }
0x68: {  	_ =	swait.ge [sflag:s28], $0x80  }
0x69: {  	[sflag:s28] =	ssyncset.done $0x0  }
0x6a: {  	[sflag:s28] =	ssyncadd.s32 $0xFFFFFF80  }
0x6b: {  	_ =	swait.ge [sflag:s29], $0x4000  }
0x6c: {  	[sflag:s29] =	ssyncset.done $0x0  }
0x6d: {  	[sflag:s29] =	ssyncadd.s32 $0xFFFFC000  }
0x6e: {  	[spmem:s2] =	stream.indirect.scatter.add.f32 [tilespmem:s22], [sflag:$0x7], $0x80, s21, s19, $0xb8;
	[tilespmem:$0x1E900] =	vst v63  }
0x6f: {  	_ =	swait.ge [sflag:s26], $0x4000  }
0x70: {  	[sflag:s26] =	ssyncset.done $0x0  }
0x71: {  	[sflag:s26] =	ssyncadd.s32 $0xFFFFC000  }
0x72: {  	[tilespmem:s30], [sflag:$0x7] =	stream.linear.gather [hbm4b:s11+s4], $0x10, $0x38;
	[tilespmem:$0x1E900] =	vst v63  }
0x73: {  	_ =	swait.ge [sflag:s26], $0x10  }
0x74: {  	[sflag:s26] =	ssyncset.done $0x0  }
0x75: {  	s9 =	simm.s32 $0x2700;
	[sflag:s26] =	ssyncadd.s32 $0xFFFFFFF0  }
0x76: {  	[tilespmem:s20], [sflag:$0x7] =	stream.indirect.gather [hbm4b:s1+s31], $0x80, s9, s31, $0xb8;
	[tilespmem:$0x1E900] =	vst v63  }
0x77: {  	_ =	swait.ge [sflag:s26], $0x800  }
0x78: {  	[sflag:s26] =	ssyncset.done $0x0  }
0x79: {  	[sflag:s26] =	ssyncadd.s32 $0xFFFFF800  }
0x7a: {  	[spmem:s2] =	stream.indirect.scatter.add.f32 [tilespmem:s20], [sflag:$0x7], $0x80, s30, s31, $0xb8;
	[tilespmem:$0x1E900] =	vst v63  }
0x7b: {  	_ =	swait.ge [sflag:s26], $0x800  }
0x7c: {  	s3 =	sadd.s32 $0x1, s3;
	[sflag:s26] =	ssyncset.done $0x0  }
0x7d: {  	p0 =	sne.s32 s3, s13;
	[sflag:s26] =	ssyncadd.s32 $0xFFFFF800  }
.Ltmp1:
0x7e: {  	s10 =	sor.u32 $0x1C07, s6;
	[bflag:$0x0] =	sbarrier.arrive $0xFFFF;
	(pc) =	sbr.rel @p0 .LBB2_1-.Ltmp1, $4  }
0x7f: {  	[hbm:s12], [sflag:s10] =	dma.local [spmem:s16], $0x2800  }
0x80: {  	_ =	swait.ge [sflag:s26], $0x2800  }
0x81: {  	[sflag:s26] =	ssyncset.done $0x0  }
0x82: {  	[sflag:s26] =	ssyncadd.s32 $0xFFFFD800  }
0x83: {  	_ =	sfence.sel $0x180000  }
0x84: {  	[bflag:$0x0] =	sbarrier.arrive $0xFFFF  }
0x85: {  	_ =	strace $0x9000004A  }
0x86: {  	s0 =	stileid.u32;
	[bflag:$0x2] =	sbarrier.arrive $0xFFFF  }
0x87: {  	p0 =	sne.s32 s0, $0x0;
	s0 =	rddreg [dreg:$0x3]  }
0x88: {  	s0 =	sadd.s32 @!p0 $0x100000, s0  }
0x89: {  	[sflag:s0] =	ssyncadd.tile.s32 @!p0 $0x1;
	_ =	shalt  }
.Lfunc_end2:
_tile_overlayer_lowered:
.L_overlay_start_2:
0x8a: {  	(tag) =	ssettag $0x2  }
0x8b: {  	s0 =	rddreg [dreg:$0x0];
	s2 =	stileid.u32  }
0x8c: {  	s1 =	rddreg [dreg:$0x1];
	p0 =	sne.s32 s2, $0x0  }
0x8d: {  	s3 =	rddreg [dreg:$0x2];
	[bflag:$0x3] =	sbarrier.arrive $0xFFFF;
	s2 =	simm.s32 @!p0 $0x1C07  }
0x8e: {  	[timem:s3], [sflag:s2] =	dma.local @!p0 [hbm:s0], s1  }
0x8f: {  	s0 =	simm.s32 @!p0 $0x7  }
0x90: {  	_ =	swait.ge @!p0 [sflag:s0], s1  }
0x91: {  	s1 =	ssub.s32 @!p0 $0x0, s1;
	[sflag:s0] =	ssyncset.done @!p0 $0x0  }
0x92: {  	[sflag:s0] =	ssyncadd.s32 @!p0 s1  }
0x93: {  	[bflag:$0x3] =	sbarrier.arrive $0xFFFF  }
0x94: {  	_ =	shalt  }

// kernel: kernel.16.cloned.1.call-start
scs
__scs_entry_jumppad:
0x0: {  	(pc) =	sbr.rel $0x88, $3  }
0x1: {  	(tag) =	ssettag $0x0;
	lr =	simm.s32 $0x1  }
0x2: {  	[smem:$0x3F97] =	sst lr;
	_ =	strace $0xD0000000  }
0x3: {  	_ = 	snop  }
0x4: {  	_ = 	snop  }
0x5: {  	_ = 	snop  }
0x6: {  	_ = 	snop  }
0x7: {  	_ = 	snop  }
__scs_overlays_trampoline_lowered:
0x8: {  	[smem:$0x3FA6] =	sst s0  }
0x9: {  	[smem:$0x3FA7] =	sst s1  }
0xa: {  	[smem:$0x3FA8] =	sst s2  }
0xb: {  	[smem:$0x3FA9] =	sst s3  }
0xc: {  	[smem:$0x3FAA] =	sst s4  }
0xd: {  	[smem:$0x3FAB] =	sst s5  }
0xe: {  	[smem:$0x3FAC] =	sst s6  }
0xf: {  	[smem:$0x3FAD] =	sst s7  }
0x10: {  	[smem:$0x3FAE] =	sst s8  }
0x11: {  	[smem:$0x3FAF] =	sst s9;
	s0 =	simm.s32 @!p0 $0x0  }
0x12: {  	s1 =	sld [smem:$0x3F95];
	s0 =	simm.s32 @p0 $0x1  }
0x13: {  	[smem:$0x3FB0] =	sst s0;
	s0 =	simm.s32 @!p1 $0x0  }
0x14: {  	s2 =	sld [smem:$0x3F94];
	s0 =	simm.s32 @p1 $0x1  }
0x15: {  	[smem:$0x3FB1] =	sst s0;
	s0 =	simm.s32 @!p2 $0x0  }
0x16: {  	s3 =	sld [smem:$0x3FDB];
	s0 =	simm.s32 @p2 $0x1  }
0x17: {  	s4 =	simm.s32 $0x1BF5;
	[smem:$0x3FB3] =	sst s0  }
0x18: {  	s0 =	sld [smem:$0x3F96];
	_ =	swait.ge [sflag:s4], $0x0  }
0x19: {  	s7 =	sld [smem:$0x3F97]  }
0x1a: {  	s8 =	sadd.s32 $0xFFFFE003, lr  }
0x1b: {  	s9 =	sadd.s32 $0xFFFFFEF7, lr;
	s5 =	simm.s32 $0xFFFFFFFF;
	p2 =	slt.u32 s8, $0xFFFFF086  }
0x1c: {  	p1 =	slt.u32 s9, $0xF7A;
	s5 =	simm.s32 @!p2 $0x0  }
0x1d: {  	s5 =	simm.s32 @p1 $0x1;
	p0 =	seq.s32 s7, s2  }
0x1e: {  	s7 =	smul.u32 @!p0 $0xF7A, s2;
	p2 =	seq.s32 @!p0 s5, $0x0  }
0x1f: {  	s9 =	smul.u32 $0xF7A, s1;
	s8 =	simm.s32 @!p0 $0x1BF5;
	p2 =	por !p2, p0  }
0x20: {  	[sflag:s8] =	ssyncset.s32 @!p0 $0xFFFFF086;
	s6 =	sadd.s32 @!p0 s3, s7;
	s7 =	simm.s32 @!p0 $0x108  }
0x21: {  	s3 =	sadd.s32 s3, s9;
	s6 =	sadd.s32 @!p0 $0x88, s6;
	s7 =	simm.s32 @p2 $0x1082  }
0x22: {  	[simem:s7], [sflag:s8] =	dma.local @!p0 [hbm:s6], $0xF7A  }
0x23: {  	s9 =	sor.u32 $0xD0000000, s2;
	s6 =	simm.s32 $0x108;
	_ =	swait.ge @!p0 [sflag:s8], $0x0  }
0x24: {  	s3 =	sadd.s32 $0x88, s3;
	s6 =	simm.s32 @!p1 $0x1082;
	[sflag:s4] =	ssyncset.s32 $0xFFFFF086  }
0x25: {  	[simem:s6], [sflag:s4] =	dma.local [hbm:s3], $0xF7A  }
0x26: {  	[smem:$0x3F97] =	sst s1;
	(tag) =	ssettag s2;
	_ =	strace s9  }
0x27: {  	s1 =	sld [smem:$0x3FA7]  }
0x28: {  	s2 =	sld [smem:$0x3FA8]  }
0x29: {  	s4 =	sld [smem:$0x3FAA]  }
0x2a: {  	p0 =	seq.s32 s5, $0x0;
	s5 =	sld [smem:$0x3FAB]  }
0x2b: {  	s6 =	sld [smem:$0x3FAC]  }
0x2c: {  	s7 =	sld [smem:$0x3FAD]  }
0x2d: {  	s3 =	simm.s32 $0x108;
	s8 =	sld [smem:$0x3FAE]  }
0x2e: {  	s3 =	simm.s32 @!p0 $0x1082;
	s9 =	sld [smem:$0x3FAF]  }
0x2f: {  	lr =	sadd.s32 s0, s3;
	s0 =	sld [smem:$0x3FA6]  }
0x30: {  	s3 =	sld [smem:$0x3FA9]  }
0x31: {  	[smem:$0x3FB2] =	sst s10  }
0x32: {  	s10 =	sld [smem:$0x3FB0];
	_ =	sdelay $0x3  }
0x33: {  	p0 =	seq.s32 s10, $0x1;
	s10 =	sld [smem:$0x3FB2];
	_ =	sdelay $0x3  }
0x34: {  	[smem:$0x3FB2] =	sst s10  }
0x35: {  	s10 =	sld [smem:$0x3FB1];
	_ =	sdelay $0x3  }
0x36: {  	p1 =	seq.s32 s10, $0x1;
	s10 =	sld [smem:$0x3FB2];
	_ =	sdelay $0x3  }
0x37: {  	[smem:$0x3FB2] =	sst s10  }
0x38: {  	s10 =	sld [smem:$0x3FB3]  }
0x39: {  	_ = 	snop;
	(pc) =	sbr.ind lr, $3  }
0x3a: {  	_ = 	snop  }
0x3b: {  	_ = 	snop  }
0x3c: {  	p2 =	seq.s32 s10, $0x1;
	s10 =	sld [smem:$0x3FB2]  }
0x3d: {  	_ =	shalt  }
0x3e: {  	_ =	shalt  }
0x3f: {  	_ =	shalt  }
0x40: {  	_ =	shalt  }
0x41: {  	_ =	shalt  }
0x42: {  	_ =	shalt  }
0x43: {  	_ =	shalt  }
0x44: {  	_ =	shalt  }
0x45: {  	_ =	shalt  }
0x46: {  	_ =	shalt  }
0x47: {  	_ =	shalt  }
0x48: {  	_ =	shalt  }
0x49: {  	_ =	shalt  }
0x4a: {  	_ =	shalt  }
0x4b: {  	_ =	shalt  }
0x4c: {  	_ =	shalt  }
0x4d: {  	_ =	shalt  }
0x4e: {  	_ =	shalt  }
0x4f: {  	_ =	shalt  }
0x50: {  	_ =	shalt  }
0x51: {  	_ =	shalt  }
0x52: {  	_ =	shalt  }
0x53: {  	_ =	shalt  }
0x54: {  	_ =	shalt  }
0x55: {  	_ =	shalt  }
0x56: {  	_ =	shalt  }
0x57: {  	_ =	shalt  }
0x58: {  	_ =	shalt  }
0x59: {  	_ =	shalt  }
0x5a: {  	_ =	shalt  }
0x5b: {  	_ =	shalt  }
0x5c: {  	_ =	shalt  }
0x5d: {  	_ =	shalt  }
0x5e: {  	_ =	shalt  }
0x5f: {  	_ =	shalt  }
0x60: {  	_ =	shalt  }
0x61: {  	_ =	shalt  }
0x62: {  	_ =	shalt  }
0x63: {  	_ =	shalt  }
0x64: {  	_ =	shalt  }
0x65: {  	_ =	shalt  }
0x66: {  	_ =	shalt  }
0x67: {  	_ =	shalt  }
0x68: {  	_ =	shalt  }
0x69: {  	_ =	shalt  }
0x6a: {  	_ =	shalt  }
0x6b: {  	_ =	shalt  }
0x6c: {  	_ =	shalt  }
0x6d: {  	_ =	shalt  }
0x6e: {  	_ =	shalt  }
0x6f: {  	_ =	shalt  }
0x70: {  	_ =	shalt  }
0x71: {  	_ =	shalt  }
0x72: {  	_ =	shalt  }
0x73: {  	_ =	shalt  }
0x74: {  	_ =	shalt  }
0x75: {  	_ =	shalt  }
0x76: {  	_ =	shalt  }
0x77: {  	_ =	shalt  }
0x78: {  	_ =	shalt  }
0x79: {  	_ =	shalt  }
0x7a: {  	_ =	shalt  }
0x7b: {  	_ =	shalt  }
0x7c: {  	_ =	shalt  }
0x7d: {  	_ =	shalt  }
0x7e: {  	_ =	shalt  }
0x7f: {  	_ =	shalt  }
0x80: {  	_ =	shalt  }
0x81: {  	_ =	shalt  }
0x82: {  	_ =	shalt  }
0x83: {  	_ =	shalt  }
0x84: {  	_ =	shalt  }
0x85: {  	_ =	shalt  }
0x86: {  	_ =	shalt  }
0x87: {  	_ =	shalt  }
.Lfunc_end0:
.L_simem_size_0:
called_computation.2_lowered:
.L_overlay_start_0:
0x88: {  	s2 =	sld [smem:$0x3FD9]  }
0x89: {  	s3 =	sld [smem:$0x3FFE];
	_ =	sdelay $0x1  }
0x8a: {  	s1 =	srdreg.scid  }
0x8b: {  	s0 =	sand.u32 $0x1, s1  }
0x8c: {  	s17 =	sshll.u32 s0, $0xA;
	s2 =	sadd.s32 s3, s2  }
0x8d: {  	s2 =	sadd.s32 s2, s17  }
0x8e: {  	[smem:$0x3FBE] =	sst s2  }
0x8f: {  	_ = 	snop  }
0x90: {  	s2 =	sld [smem:$0x3FD0];
	(tm) =	ssettm $0x1  }
0x91: {  	s18 =	sld [smem:$0x3FFB];
	_ =	sdelay $0x3  }
0x92: {  	_ =	strace s18  }
0x93: {  	s3 =	sld [smem:$0x3FFC];
	_ =	sdelay $0x3  }
0x94: {  	_ =	strace s3  }
0x95: {  	s3 =	sld [smem:$0x3FFD];
	_ =	sdelay $0x3  }
0x96: {  	_ =	strace s3  }
0x97: {  	_ =	strace $0x8FFFFFFF  }
0x98: {  	s19 =	sld [smem:$0x3FDB];
	_ =	sdelay $0x1  }
0x99: {  	s4 =	simm.s32 $_scs_section_size  }
0x9a: {  	s5 =	simm.s32 $_size__tile_overlayer_lowered;
	s6 =	simm.s32 $_tile_overlayer_lowered  }
0x9b: {  	s22 =	simm.s32 $0x1BFF;
	s21 =	sshll.u32 s6, $0x1;
	s3 =	sadd.s32 s4, s19  }
0x9c: {  	s7 =	simm.s32 $0x0;
	s20 =	sshll.u32 s5, $0x1;
	s5 =	sadd.s32 s21, s3  }
0x9d: {  	[timem:s7], [sflag:s22] =	dma.local [hbm:s5], s20  }
0x9e: {  	_ =	swait.ge [sflag:s22], s20  }
0x9f: {  	s4 =	ssub.s32 $0x0, s20;
	[sflag:s22] =	ssyncset.done $0x0  }
0xa0: {  	[sflag:s22] =	ssyncadd.s32 s4;
	_ =	sdelay $0x1  }
0xa1: {  	s23 =	simm.s32 $0x1B8B  }
0xa2: {  	_ =	swait.ge [sflag:s23], $0x1  }
0xa3: {  	[sflag:s23] =	ssyncset.done $0x0  }
0xa4: {  	s25 =	simm.s32 $0x1B8E;
	s24 =	sld [smem:$0x3FFE];
	[sflag:s23] =	ssyncadd.s32 $0xFFFFFFFF  }
0xa5: {  	s26 =	simm.s32 $execute0_lowered;
	[smem:$0x3FD2] =	sst s25  }
0xa6: {  	s5 =	sshll.u32 s26, $0x1;
	_ =	strace $0x8000004C;
	[dreg:$0x1] =	wrdreg $0xFFFFFFFF  }
0xa7: {  	s28 =	simm.s32 $_size_execute0_lowered;
	s3 =	sadd.s32 s3, s5;
	[dreg:$0x0] =	wrdreg $0x0  }
0xa8: {  	s5 =	sshll.u32 s28, $0x1;
	[dreg:$0x2] =	wrdreg s3  }
0xa9: {  	[dreg:$0x3] =	wrdreg s5  }
0xaa: {  	[dreg:$0x4] =	wrdreg $0xC0  }
0xab: {  	_ =	task [dreg:s7], $0x5FFFF  }
0xac: {  	[dreg:$0x1] =	wrdreg $0xFFFFFFFF  }
0xad: {  	[dreg:$0x0] =	wrdreg $0x60  }
0xae: {  	[dreg:$0x2] =	wrdreg s2  }
0xaf: {  	[dreg:$0x3] =	wrdreg s24  }
0xb0: {  	[dreg:$0x4] =	wrdreg $0xA9000  }
0xb1: {  	[dreg:$0x5] =	wrdreg $0x9  }
0xb2: {  	_ =	task.clear_ibuf [dreg:s7], $0x6FFFF;
	_ =	strace $0x9000004C  }
0xb3: {  	s29 =	simm.s32 $0x9;
	_ =	strace $0x8000004E  }
0xb4: {  	_ =	swait.ge [sflag:s29], $0x1  }
0xb5: {  	[sflag:s29] =	ssyncadd.s32 $0xFFFFFFFF  }
0xb6: {  	_ =	strace $0x9000004E  }
0xb7: {  	_ =	sfence  }
0xb8: {  	s30 =	sld [smem:$0x0];
	_ =	sdelay $0x2  }
0xb9: {  	s31 =	sshll.u32 s1, $0xD;
	s1 =	sshrl.u32 s1, $0x2  }
0xba: {  	s3 =	sand.u32 $0x4000, s31;
	s1 =	sadd.s32 s1, s30  }
0xbb: {  	s0 =	sor.u32 s3, s0;
	s1 =	sshll.u32 s1, $0x11  }
0xbc: {  	s0 =	sor.u32 s1, s0  }
0xbd: {  	s0 =	sadd.s32 $0x8F2B, s0  }
0xbe: {  	[sflag:s0] =	ssyncadd.remote.s32 $0x1  }
0xbf: {  	_ =	sfence.sel $0xFFFF  }
0xc0: {  	[dreg:$0x0] =	wrdreg $0xFFFFFFFF;
	(pc) =	sbr.abs _section_cstart, $3  }
0xc1: {  	[dreg:$0x1] =	wrdreg $0xFFFFFFFF  }
0xc2: {  	_ =	task.clear_ibuf [dreg:s7], $0x2FFFF;
	_ =	strace $0x9FFFFFFF  }
0xc3: {  	(tm) =	ssettm $0x7FFFFFFF  }
tec
execute0_lowered:
.L_overlay_start_1:
0x0: {  	(tag) =	ssettag $0x1  }
0x1: {  	s1 =	rddreg [dreg:$0x0]  }
0x2: {  	s0 =	rddreg [dreg:$0x1]  }
0x3: {  	s2 =	rddreg [dreg:$0x2]  }
0x4: {  	s4 =	simm.s32 $0x0;
	s3 =	srdreg.scid;
	s12 =	stileid.u32  }
0x5: {  	s17 =	simm.s32 $0x5;
	s28 =	simm.s32 $0x4;
	s29 =	simm.s32 $0x2  }
0x6: {  	s30 =	simm.s32 $0x2880;
	s31 =	simm.s32 $0x10;
	s6 =	smul.u32 $0x14000, s12  }
0x7: {  	[smem:$0x7FF] =	sst s4;
	s3 =	sand.u32 $0x1, s3;
	s10 =	smul.u32 $0x50000, s12  }
0x8: {  	s7 =	sshll.u32 s12, $0x1;
	s8 =	sadd.s32 $0x3A00, s0;
	s11 =	smul.u32 $0x4E20, s12  }
0x9: {  	s9 =	sadd.s32 $0x17400, s0;
	s5 =	smul.u32 $0x140000, s3;
	_ =	strace $0x8000004D  }
0xa: {  	s7 =	sor.u32 s3, s7;
	s18 =	ssub.s32 $0x2, s3;
	s3 =	smul.u32 $0x2710, s3  }
0xb: {  	[dreg:$0x4] =	wrdreg s9;
	s7 =	smul.u32 $0x2710, s7;
	s19 =	sshrl.u32 s18, $0x1  }
0xc: {  	s21 =	sshrl.u32 s10, $0x2;
	s5 =	sadd.s32 s6, s5;
	s20 =	ssub.s32 s18, s19  }
0xd: {  	s16 =	sadd.s32 s21, s2;
	s6 =	sshll.u32 s12, $0x6;
	s3 =	sadd.s32 s3, s11  }
0xe: {  	s18 =	simm.s32 $0x2780;
	s19 =	simm.s32 $0x80;
	s21 =	simm.s32 $0x2800  }
0xf: {  	s5 =	sshrl.u32 s5, $0x3;
	s7 =	sshrl.u32 s7, $0x3;
	s22 =	sor.u32 $0x1C06, s6  }
0x10: {  	s13 =	sadd.s32 $0x4E380, s3;
	s3 =	sadd.s32 $0x4E300, s3;
	s16 =	sshrl.u32 s16, $0x3  }
0x11: {  	s0 =	sadd.s32 s5, s0;
	s7 =	sadd.s32 s8, s7;
	[dreg:$0x5] =	wrdreg s22  }
0x12: {  	s25 =	sshrl.u32 s13, $0x3;
	s13 =	smax.u32 s20, $0x1;
	s26 =	sshrl.u32 s3, $0x3  }
0x13: {  	s20 =	simm.s32 $0x2900;
	s22 =	simm.s32 $0x6900;
	s3 =	simm.s32 $0x0  }
0x14: {  	s23 =	sadd.s32 $0x9C40, s7;
	s24 =	sadd.s32 $0x9C50, s7;
	s11 =	sadd.s32 $0xA120, s7  }
0x15: {  	s12 =	sadd.s32 $0x19C00, s0;
	s14 =	sadd.s32 s25, s8;
	s15 =	sadd.s32 s26, s8  }
0x16: {  	s25 =	simm.s32 $0x1;
	s26 =	simm.s32 $0x7;
	[dreg:$0x6] =	wrdreg s23  }
0x17: {  	[dreg:$0x7] =	wrdreg s24;
	s23 =	simm.s32 $0x6;
	s24 =	simm.s32 $0x3  }
.LBB2_1:
0x18: {  	s0 =	rddreg [dreg:$0x4]  }
0x19: {  	s5 =	rddreg [dreg:$0x5]  }
0x1a: {  	[spmem:s16], [sflag:s5] =	dma.local [hbm:s0], $0x2800  }
0x1b: {  	[tilespmem:s4], [sflag:$0x5] =	stream.linear.gather [hbm4b:s7+s4], $0x2710, $0x38;
	[tilespmem:$0x1E900] =	vst v63  }
0x1c: {  	_ =	swait.ge [sflag:s17], $0x2710  }
0x1d: {  	[sflag:s17] =	ssyncset.done $0x0  }
0x1e: {  	s10 =	rddreg [dreg:$0x6];
	[sflag:s17] =	ssyncadd.s32 $0xFFFFD8F0  }
0x1f: {  	[tilespmem:s18], [sflag:$0x3] =	stream.linear.gather [hbm4b:s10+s4], $0x80, $0x38;
	[tilespmem:$0x1E900] =	vst v63  }
0x20: {  	_ = 	snop  }
0x21: {  	[tilespmem:s20], [sflag:$0x1] =	stream.indirect.gather [hbm4b:s1+s19], $0x80, s4, s19, $0xb8;
	[tilespmem:$0x1E900] =	vst v63  }
0x22: {  	s5 =	rddreg [dreg:$0x7]  }
0x23: {  	[tilespmem:s21], [sflag:$0x4] =	stream.linear.gather [hbm4b:s5+s4], $0x80, $0x38;
	[tilespmem:$0x1E900] =	vst v63  }
0x24: {  	_ = 	snop  }
0x25: {  	[tilespmem:s22], [sflag:$0x2] =	stream.indirect.gather [hbm4b:s1+s19], $0x80, s19, s19, $0xb8;
	[tilespmem:$0x1E900] =	vst v63  }
0x26: {  	_ =	swait.ge [sflag:s23], $0x2800  }
0x27: {  	[sflag:s23] =	ssyncset.done $0x0  }
0x28: {  	[sflag:s23] =	ssyncadd.s32 $0xFFFFD800  }
0x29: {  	[bflag:$0x0] =	sbarrier.arrive $0xFFFF  }
0x2a: {  	_ =	swait.ge [sflag:s24], $0x80  }
0x2b: {  	[sflag:s24] =	ssyncset.done $0x0  }
0x2c: {  	[sflag:s24] =	ssyncadd.s32 $0xFFFFFF80  }
0x2d: {  	_ =	swait.ge [sflag:s25], $0x4000  }
0x2e: {  	[sflag:s25] =	ssyncset.done $0x0  }
0x2f: {  	[sflag:s25] =	ssyncadd.s32 $0xFFFFC000  }
0x30: {  	[spmem:s2] =	stream.indirect.scatter.add.f32 [tilespmem:s20], [sflag:$0x7], $0x80, s18, s19, $0xb8;
	[tilespmem:$0x1E900] =	vst v63  }
0x31: {  	_ =	swait.ge [sflag:s26], $0x4000  }
0x32: {  	[sflag:s26] =	ssyncset.done $0x0  }
0x33: {  	s8 =	sadd.s32 $0x0, s15;
	[sflag:s26] =	ssyncadd.s32 $0xFFFFC000  }
0x34: {  	[tilespmem:s18], [sflag:$0x3] =	stream.linear.gather [hbm4b:s8+s4], $0x80, $0x38;
	[tilespmem:$0x1E900] =	vst v63  }
0x35: {  	s9 =	simm.s32 $0x100  }
0x36: {  	[tilespmem:s20], [sflag:$0x1] =	stream.indirect.gather [hbm4b:s1+s19], $0x80, s9, s19, $0xb8;
	[tilespmem:$0x1E900] =	vst v63  }
0x37: {  	_ =	swait.ge [sflag:s28], $0x80  }
0x38: {  	[sflag:s28] =	ssyncset.done $0x0  }
0x39: {  	[sflag:s28] =	ssyncadd.s32 $0xFFFFFF80  }
0x3a: {  	_ =	swait.ge [sflag:s29], $0x4000  }
0x3b: {  	[sflag:s29] =	ssyncset.done $0x0  }
0x3c: {  	[sflag:s29] =	ssyncadd.s32 $0xFFFFC000  }
0x3d: {  	[spmem:s2] =	stream.indirect.scatter.add.f32 [tilespmem:s22], [sflag:$0x7], $0x80, s21, s19, $0xb8;
	[tilespmem:$0x1E900] =	vst v63  }
0x3e: {  	_ =	swait.ge [sflag:s26], $0x4000  }
0x3f: {  	s0 =	simm.s32 $0x180;
	s10 =	sadd.s32 $0x0, s14;
	[sflag:s26] =	ssyncset.done $0x0  }
0x40: {  	s5 =	simm.s32 $0x20;
	s8 =	simm.s32 $0x280;
	[sflag:s26] =	ssyncadd.s32 $0xFFFFC000  }
0x41: {  	[tilespmem:s21], [sflag:$0x4] =	stream.linear.gather [hbm4b:s10+s4], $0x80, $0x38;
	[tilespmem:$0x1E900] =	vst v63  }
.LBB2_2:
0x42: {  	[tilespmem:s22], [sflag:$0x2] =	stream.indirect.gather [hbm4b:s1+s19], $0x80, s0, s19, $0xb8;
	[tilespmem:$0x1E900] =	vst v63  }
0x43: {  	s9 =	smov.u32 s5;
	s0 =	smov.u32 s8  }
0x44: {  	p0 =	sne.s32 s5, $0x4A0;
	s5 =	sadd.s32 $0x20, s5;
	_ =	swait.ge [sflag:s24], $0x80  }
0x45: {  	[sflag:s24] =	ssyncset.done $0x0  }
0x46: {  	[sflag:s24] =	ssyncadd.s32 $0xFFFFFF80  }
0x47: {  	_ =	swait.ge [sflag:s25], $0x4000  }
0x48: {  	[sflag:s25] =	ssyncset.done $0x0  }
0x49: {  	[sflag:s25] =	ssyncadd.s32 $0xFFFFC000  }
0x4a: {  	[spmem:s2] =	stream.indirect.scatter.add.f32 [tilespmem:s20], [sflag:$0x7], $0x80, s18, s19, $0xb8;
	[tilespmem:$0x1E900] =	vst v63  }
0x4b: {  	_ =	swait.ge [sflag:s26], $0x4000  }
0x4c: {  	[sflag:s26] =	ssyncset.done $0x0  }
0x4d: {  	s10 =	sadd.s32 s9, s15;
	[sflag:s26] =	ssyncadd.s32 $0xFFFFC000  }
0x4e: {  	[tilespmem:s18], [sflag:$0x3] =	stream.linear.gather [hbm4b:s10+s4], $0x80, $0x38;
	[tilespmem:$0x1E900] =	vst v63  }
0x4f: {  	s10 =	sadd.s32 $0xFFFFFF80, s8  }
0x50: {  	[tilespmem:s20], [sflag:$0x1] =	stream.indirect.gather [hbm4b:s1+s19], $0x80, s10, s19, $0xb8;
	[tilespmem:$0x1E900] =	vst v63  }
0x51: {  	_ =	swait.ge [sflag:s28], $0x80  }
0x52: {  	[sflag:s28] =	ssyncset.done $0x0  }
0x53: {  	[sflag:s28] =	ssyncadd.s32 $0xFFFFFF80  }
0x54: {  	_ =	swait.ge [sflag:s29], $0x4000  }
0x55: {  	[sflag:s29] =	ssyncset.done $0x0  }
0x56: {  	[sflag:s29] =	ssyncadd.s32 $0xFFFFC000  }
0x57: {  	[spmem:s2] =	stream.indirect.scatter.add.f32 [tilespmem:s22], [sflag:$0x7], $0x80, s21, s19, $0xb8;
	[tilespmem:$0x1E900] =	vst v63  }
.Ltmp0:
0x58: {  	_ =	swait.ge [sflag:s26], $0x4000;
	(pc) =	sbr.rel @p0 .LBB2_2-.Ltmp0, $4  }
0x59: {  	[sflag:s26] =	ssyncset.done $0x0  }
0x5a: {  	s9 =	sadd.s32 s9, s14;
	[sflag:s26] =	ssyncadd.s32 $0xFFFFC000  }
0x5b: {  	[tilespmem:s21], [sflag:$0x4] =	stream.linear.gather [hbm4b:s9+s4], $0x80, $0x38;
	[tilespmem:$0x1E900] =	vst v63  }
0x5c: {  	s8 =	sadd.s32 $0x100, s8  }
0x5d: {  	[tilespmem:s22], [sflag:$0x2] =	stream.indirect.gather [hbm4b:s1+s19], $0x80, s0, s19, $0xb8;
	[tilespmem:$0x1E900] =	vst v63  }
0x5e: {  	_ =	swait.ge [sflag:s24], $0x80  }
0x5f: {  	[sflag:s24] =	ssyncset.done $0x0  }
0x60: {  	[sflag:s24] =	ssyncadd.s32 $0xFFFFFF80  }
0x61: {  	_ =	swait.ge [sflag:s25], $0x4000  }
0x62: {  	[sflag:s25] =	ssyncset.done $0x0  }
0x63: {  	[sflag:s25] =	ssyncadd.s32 $0xFFFFC000  }
0x64: {  	[spmem:s2] =	stream.indirect.scatter.add.f32 [tilespmem:s20], [sflag:$0x7], $0x80, s18, s19, $0xb8;
	[tilespmem:$0x1E900] =	vst v63  }
0x65: {  	_ =	swait.ge [sflag:s26], $0x4000  }
0x66: {  	[sflag:s26] =	ssyncset.done $0x0  }
0x67: {  	[sflag:s26] =	ssyncadd.s32 $0xFFFFC000  }
0x68: {  	_ =	swait.ge [sflag:s28], $0x80  }
0x69: {  	[sflag:s28] =	ssyncset.done $0x0  }
0x6a: {  	[sflag:s28] =	ssyncadd.s32 $0xFFFFFF80  }
0x6b: {  	_ =	swait.ge [sflag:s29], $0x4000  }
0x6c: {  	[sflag:s29] =	ssyncset.done $0x0  }
0x6d: {  	[sflag:s29] =	ssyncadd.s32 $0xFFFFC000  }
0x6e: {  	[spmem:s2] =	stream.indirect.scatter.add.f32 [tilespmem:s22], [sflag:$0x7], $0x80, s21, s19, $0xb8;
	[tilespmem:$0x1E900] =	vst v63  }
0x6f: {  	_ =	swait.ge [sflag:s26], $0x4000  }
0x70: {  	[sflag:s26] =	ssyncset.done $0x0  }
0x71: {  	[sflag:s26] =	ssyncadd.s32 $0xFFFFC000  }
0x72: {  	[tilespmem:s30], [sflag:$0x7] =	stream.linear.gather [hbm4b:s11+s4], $0x10, $0x38;
	[tilespmem:$0x1E900] =	vst v63  }
0x73: {  	_ =	swait.ge [sflag:s26], $0x10  }
0x74: {  	[sflag:s26] =	ssyncset.done $0x0  }
0x75: {  	s9 =	simm.s32 $0x2700;
	[sflag:s26] =	ssyncadd.s32 $0xFFFFFFF0  }
0x76: {  	[tilespmem:s20], [sflag:$0x7] =	stream.indirect.gather [hbm4b:s1+s31], $0x80, s9, s31, $0xb8;
	[tilespmem:$0x1E900] =	vst v63  }
0x77: {  	_ =	swait.ge [sflag:s26], $0x800  }
0x78: {  	[sflag:s26] =	ssyncset.done $0x0  }
0x79: {  	[sflag:s26] =	ssyncadd.s32 $0xFFFFF800  }
0x7a: {  	[spmem:s2] =	stream.indirect.scatter.add.f32 [tilespmem:s20], [sflag:$0x7], $0x80, s30, s31, $0xb8;
	[tilespmem:$0x1E900] =	vst v63  }
0x7b: {  	_ =	swait.ge [sflag:s26], $0x800  }
0x7c: {  	s3 =	sadd.s32 $0x1, s3;
	[sflag:s26] =	ssyncset.done $0x0  }
0x7d: {  	p0 =	sne.s32 s3, s13;
	[sflag:s26] =	ssyncadd.s32 $0xFFFFF800  }
.Ltmp1:
0x7e: {  	s10 =	sor.u32 $0x1C07, s6;
	[bflag:$0x0] =	sbarrier.arrive $0xFFFF;
	(pc) =	sbr.rel @p0 .LBB2_1-.Ltmp1, $4  }
0x7f: {  	[hbm:s12], [sflag:s10] =	dma.local [spmem:s16], $0x2800  }
0x80: {  	_ =	swait.ge [sflag:s26], $0x2800  }
0x81: {  	[sflag:s26] =	ssyncset.done $0x0  }
0x82: {  	[sflag:s26] =	ssyncadd.s32 $0xFFFFD800  }
0x83: {  	_ =	sfence.sel $0x180000  }
0x84: {  	[bflag:$0x0] =	sbarrier.arrive $0xFFFF  }
0x85: {  	_ =	strace $0x9000004D  }
0x86: {  	s0 =	stileid.u32;
	[bflag:$0x2] =	sbarrier.arrive $0xFFFF  }
0x87: {  	p0 =	sne.s32 s0, $0x0;
	s0 =	rddreg [dreg:$0x3]  }
0x88: {  	s0 =	sadd.s32 @!p0 $0x100000, s0  }
0x89: {  	[sflag:s0] =	ssyncadd.tile.s32 @!p0 $0x1;
	_ =	shalt  }
.Lfunc_end2:
_tile_overlayer_lowered:
.L_overlay_start_2:
0x8a: {  	(tag) =	ssettag $0x2  }
0x8b: {  	s0 =	rddreg [dreg:$0x0];
	s2 =	stileid.u32  }
0x8c: {  	s1 =	rddreg [dreg:$0x1];
	p0 =	sne.s32 s2, $0x0  }
0x8d: {  	s3 =	rddreg [dreg:$0x2];
	[bflag:$0x3] =	sbarrier.arrive $0xFFFF;
	s2 =	simm.s32 @!p0 $0x1C07  }
0x8e: {  	[timem:s3], [sflag:s2] =	dma.local @!p0 [hbm:s0], s1  }
0x8f: {  	s0 =	simm.s32 @!p0 $0x7  }
0x90: {  	_ =	swait.ge @!p0 [sflag:s0], s1  }
0x91: {  	s1 =	ssub.s32 @!p0 $0x0, s1;
	[sflag:s0] =	ssyncset.done @!p0 $0x0  }
0x92: {  	[sflag:s0] =	ssyncadd.s32 @!p0 s1  }
0x93: {  	[bflag:$0x3] =	sbarrier.arrive $0xFFFF  }
0x94: {  	_ =	shalt  }

// kernel: kernel.19.cloned.1.call-start
scs
__scs_entry_jumppad:
0x0: {  	(pc) =	sbr.rel $0x88, $3  }
0x1: {  	(tag) =	ssettag $0x0;
	lr =	simm.s32 $0x1  }
0x2: {  	[smem:$0x3F97] =	sst lr;
	_ =	strace $0xD0000000  }
0x3: {  	_ = 	snop  }
0x4: {  	_ = 	snop  }
0x5: {  	_ = 	snop  }
0x6: {  	_ = 	snop  }
0x7: {  	_ = 	snop  }
__scs_overlays_trampoline_lowered:
0x8: {  	[smem:$0x3FA6] =	sst s0  }
0x9: {  	[smem:$0x3FA7] =	sst s1  }
0xa: {  	[smem:$0x3FA8] =	sst s2  }
0xb: {  	[smem:$0x3FA9] =	sst s3  }
0xc: {  	[smem:$0x3FAA] =	sst s4  }
0xd: {  	[smem:$0x3FAB] =	sst s5  }
0xe: {  	[smem:$0x3FAC] =	sst s6  }
0xf: {  	[smem:$0x3FAD] =	sst s7  }
0x10: {  	[smem:$0x3FAE] =	sst s8  }
0x11: {  	[smem:$0x3FAF] =	sst s9;
	s0 =	simm.s32 @!p0 $0x0  }
0x12: {  	s1 =	sld [smem:$0x3F95];
	s0 =	simm.s32 @p0 $0x1  }
0x13: {  	[smem:$0x3FB0] =	sst s0;
	s0 =	simm.s32 @!p1 $0x0  }
0x14: {  	s2 =	sld [smem:$0x3F94];
	s0 =	simm.s32 @p1 $0x1  }
0x15: {  	[smem:$0x3FB1] =	sst s0;
	s0 =	simm.s32 @!p2 $0x0  }
0x16: {  	s3 =	sld [smem:$0x3FDB];
	s0 =	simm.s32 @p2 $0x1  }
0x17: {  	s4 =	simm.s32 $0x1BF5;
	[smem:$0x3FB3] =	sst s0  }
0x18: {  	s0 =	sld [smem:$0x3F96];
	_ =	swait.ge [sflag:s4], $0x0  }
0x19: {  	s7 =	sld [smem:$0x3F97]  }
0x1a: {  	s8 =	sadd.s32 $0xFFFFE003, lr  }
0x1b: {  	s9 =	sadd.s32 $0xFFFFFEF7, lr;
	s5 =	simm.s32 $0xFFFFFFFF;
	p2 =	slt.u32 s8, $0xFFFFF086  }
0x1c: {  	p1 =	slt.u32 s9, $0xF7A;
	s5 =	simm.s32 @!p2 $0x0  }
0x1d: {  	s5 =	simm.s32 @p1 $0x1;
	p0 =	seq.s32 s7, s2  }
0x1e: {  	s7 =	smul.u32 @!p0 $0xF7A, s2;
	p2 =	seq.s32 @!p0 s5, $0x0  }
0x1f: {  	s9 =	smul.u32 $0xF7A, s1;
	s8 =	simm.s32 @!p0 $0x1BF5;
	p2 =	por !p2, p0  }
0x20: {  	[sflag:s8] =	ssyncset.s32 @!p0 $0xFFFFF086;
	s6 =	sadd.s32 @!p0 s3, s7;
	s7 =	simm.s32 @!p0 $0x108  }
0x21: {  	s3 =	sadd.s32 s3, s9;
	s6 =	sadd.s32 @!p0 $0x88, s6;
	s7 =	simm.s32 @p2 $0x1082  }
0x22: {  	[simem:s7], [sflag:s8] =	dma.local @!p0 [hbm:s6], $0xF7A  }
0x23: {  	s9 =	sor.u32 $0xD0000000, s2;
	s6 =	simm.s32 $0x108;
	_ =	swait.ge @!p0 [sflag:s8], $0x0  }
0x24: {  	s3 =	sadd.s32 $0x88, s3;
	s6 =	simm.s32 @!p1 $0x1082;
	[sflag:s4] =	ssyncset.s32 $0xFFFFF086  }
0x25: {  	[simem:s6], [sflag:s4] =	dma.local [hbm:s3], $0xF7A  }
0x26: {  	[smem:$0x3F97] =	sst s1;
	(tag) =	ssettag s2;
	_ =	strace s9  }
0x27: {  	s1 =	sld [smem:$0x3FA7]  }
0x28: {  	s2 =	sld [smem:$0x3FA8]  }
0x29: {  	s4 =	sld [smem:$0x3FAA]  }
0x2a: {  	p0 =	seq.s32 s5, $0x0;
	s5 =	sld [smem:$0x3FAB]  }
0x2b: {  	s6 =	sld [smem:$0x3FAC]  }
0x2c: {  	s7 =	sld [smem:$0x3FAD]  }
0x2d: {  	s3 =	simm.s32 $0x108;
	s8 =	sld [smem:$0x3FAE]  }
0x2e: {  	s3 =	simm.s32 @!p0 $0x1082;
	s9 =	sld [smem:$0x3FAF]  }
0x2f: {  	lr =	sadd.s32 s0, s3;
	s0 =	sld [smem:$0x3FA6]  }
0x30: {  	s3 =	sld [smem:$0x3FA9]  }
0x31: {  	[smem:$0x3FB2] =	sst s10  }
0x32: {  	s10 =	sld [smem:$0x3FB0];
	_ =	sdelay $0x3  }
0x33: {  	p0 =	seq.s32 s10, $0x1;
	s10 =	sld [smem:$0x3FB2];
	_ =	sdelay $0x3  }
0x34: {  	[smem:$0x3FB2] =	sst s10  }
0x35: {  	s10 =	sld [smem:$0x3FB1];
	_ =	sdelay $0x3  }
0x36: {  	p1 =	seq.s32 s10, $0x1;
	s10 =	sld [smem:$0x3FB2];
	_ =	sdelay $0x3  }
0x37: {  	[smem:$0x3FB2] =	sst s10  }
0x38: {  	s10 =	sld [smem:$0x3FB3]  }
0x39: {  	_ = 	snop;
	(pc) =	sbr.ind lr, $3  }
0x3a: {  	_ = 	snop  }
0x3b: {  	_ = 	snop  }
0x3c: {  	p2 =	seq.s32 s10, $0x1;
	s10 =	sld [smem:$0x3FB2]  }
0x3d: {  	_ =	shalt  }
0x3e: {  	_ =	shalt  }
0x3f: {  	_ =	shalt  }
0x40: {  	_ =	shalt  }
0x41: {  	_ =	shalt  }
0x42: {  	_ =	shalt  }
0x43: {  	_ =	shalt  }
0x44: {  	_ =	shalt  }
0x45: {  	_ =	shalt  }
0x46: {  	_ =	shalt  }
0x47: {  	_ =	shalt  }
0x48: {  	_ =	shalt  }
0x49: {  	_ =	shalt  }
0x4a: {  	_ =	shalt  }
0x4b: {  	_ =	shalt  }
0x4c: {  	_ =	shalt  }
0x4d: {  	_ =	shalt  }
0x4e: {  	_ =	shalt  }
0x4f: {  	_ =	shalt  }
0x50: {  	_ =	shalt  }
0x51: {  	_ =	shalt  }
0x52: {  	_ =	shalt  }
0x53: {  	_ =	shalt  }
0x54: {  	_ =	shalt  }
0x55: {  	_ =	shalt  }
0x56: {  	_ =	shalt  }
0x57: {  	_ =	shalt  }
0x58: {  	_ =	shalt  }
0x59: {  	_ =	shalt  }
0x5a: {  	_ =	shalt  }
0x5b: {  	_ =	shalt  }
0x5c: {  	_ =	shalt  }
0x5d: {  	_ =	shalt  }
0x5e: {  	_ =	shalt  }
0x5f: {  	_ =	shalt  }
0x60: {  	_ =	shalt  }
0x61: {  	_ =	shalt  }
0x62: {  	_ =	shalt  }
0x63: {  	_ =	shalt  }
0x64: {  	_ =	shalt  }
0x65: {  	_ =	shalt  }
0x66: {  	_ =	shalt  }
0x67: {  	_ =	shalt  }
0x68: {  	_ =	shalt  }
0x69: {  	_ =	shalt  }
0x6a: {  	_ =	shalt  }
0x6b: {  	_ =	shalt  }
0x6c: {  	_ =	shalt  }
0x6d: {  	_ =	shalt  }
0x6e: {  	_ =	shalt  }
0x6f: {  	_ =	shalt  }
0x70: {  	_ =	shalt  }
0x71: {  	_ =	shalt  }
0x72: {  	_ =	shalt  }
0x73: {  	_ =	shalt  }
0x74: {  	_ =	shalt  }
0x75: {  	_ =	shalt  }
0x76: {  	_ =	shalt  }
0x77: {  	_ =	shalt  }
0x78: {  	_ =	shalt  }
0x79: {  	_ =	shalt  }
0x7a: {  	_ =	shalt  }
0x7b: {  	_ =	shalt  }
0x7c: {  	_ =	shalt  }
0x7d: {  	_ =	shalt  }
0x7e: {  	_ =	shalt  }
0x7f: {  	_ =	shalt  }
0x80: {  	_ =	shalt  }
0x81: {  	_ =	shalt  }
0x82: {  	_ =	shalt  }
0x83: {  	_ =	shalt  }
0x84: {  	_ =	shalt  }
0x85: {  	_ =	shalt  }
0x86: {  	_ =	shalt  }
0x87: {  	_ =	shalt  }
.Lfunc_end0:
.L_simem_size_0:
called_computation.3_lowered:
.L_overlay_start_0:
0x88: {  	s2 =	sld [smem:$0x3FD9]  }
0x89: {  	s3 =	sld [smem:$0x3FFE];
	_ =	sdelay $0x1  }
0x8a: {  	s1 =	srdreg.scid  }
0x8b: {  	s0 =	sand.u32 $0x1, s1  }
0x8c: {  	s17 =	sshll.u32 s0, $0xA;
	s2 =	sadd.s32 s3, s2  }
0x8d: {  	s2 =	sadd.s32 s2, s17  }
0x8e: {  	[smem:$0x3FBE] =	sst s2  }
0x8f: {  	_ = 	snop  }
0x90: {  	s2 =	sld [smem:$0x3FD0];
	(tm) =	ssettm $0x1  }
0x91: {  	s18 =	sld [smem:$0x3FFB];
	_ =	sdelay $0x3  }
0x92: {  	_ =	strace s18  }
0x93: {  	s3 =	sld [smem:$0x3FFC];
	_ =	sdelay $0x3  }
0x94: {  	_ =	strace s3  }
0x95: {  	s3 =	sld [smem:$0x3FFD];
	_ =	sdelay $0x3  }
0x96: {  	_ =	strace s3  }
0x97: {  	_ =	strace $0x8FFFFFFF  }
0x98: {  	s19 =	sld [smem:$0x3FDB];
	_ =	sdelay $0x1  }
0x99: {  	s4 =	simm.s32 $_scs_section_size  }
0x9a: {  	s5 =	simm.s32 $_size__tile_overlayer_lowered;
	s6 =	simm.s32 $_tile_overlayer_lowered  }
0x9b: {  	s22 =	simm.s32 $0x1BFF;
	s21 =	sshll.u32 s6, $0x1;
	s3 =	sadd.s32 s4, s19  }
0x9c: {  	s7 =	simm.s32 $0x0;
	s20 =	sshll.u32 s5, $0x1;
	s5 =	sadd.s32 s21, s3  }
0x9d: {  	[timem:s7], [sflag:s22] =	dma.local [hbm:s5], s20  }
0x9e: {  	_ =	swait.ge [sflag:s22], s20  }
0x9f: {  	s4 =	ssub.s32 $0x0, s20;
	[sflag:s22] =	ssyncset.done $0x0  }
0xa0: {  	[sflag:s22] =	ssyncadd.s32 s4;
	_ =	sdelay $0x1  }
0xa1: {  	s23 =	simm.s32 $0x1B8B  }
0xa2: {  	_ =	swait.ge [sflag:s23], $0x1  }
0xa3: {  	[sflag:s23] =	ssyncset.done $0x0  }
0xa4: {  	s25 =	simm.s32 $0x1B8E;
	s24 =	sld [smem:$0x3FFE];
	[sflag:s23] =	ssyncadd.s32 $0xFFFFFFFF  }
0xa5: {  	s26 =	simm.s32 $execute0_lowered;
	[smem:$0x3FD2] =	sst s25  }
0xa6: {  	s5 =	sshll.u32 s26, $0x1;
	_ =	strace $0x8000004F;
	[dreg:$0x1] =	wrdreg $0xFFFFFFFF  }
0xa7: {  	s28 =	simm.s32 $_size_execute0_lowered;
	s3 =	sadd.s32 s3, s5;
	[dreg:$0x0] =	wrdreg $0x0  }
0xa8: {  	s5 =	sshll.u32 s28, $0x1;
	[dreg:$0x2] =	wrdreg s3  }
0xa9: {  	[dreg:$0x3] =	wrdreg s5  }
0xaa: {  	[dreg:$0x4] =	wrdreg $0xC0  }
0xab: {  	_ =	task [dreg:s7], $0x5FFFF  }
0xac: {  	[dreg:$0x1] =	wrdreg $0xFFFFFFFF  }
0xad: {  	[dreg:$0x0] =	wrdreg $0x60  }
0xae: {  	[dreg:$0x2] =	wrdreg s2  }
0xaf: {  	[dreg:$0x3] =	wrdreg s24  }
0xb0: {  	[dreg:$0x4] =	wrdreg $0xA9000  }
0xb1: {  	[dreg:$0x5] =	wrdreg $0x9  }
0xb2: {  	_ =	task.clear_ibuf [dreg:s7], $0x6FFFF;
	_ =	strace $0x9000004F  }
0xb3: {  	s29 =	simm.s32 $0x9;
	_ =	strace $0x80000051  }
0xb4: {  	_ =	swait.ge [sflag:s29], $0x1  }
0xb5: {  	[sflag:s29] =	ssyncadd.s32 $0xFFFFFFFF  }
0xb6: {  	_ =	strace $0x90000051  }
0xb7: {  	_ =	sfence  }
0xb8: {  	s30 =	sld [smem:$0x0];
	_ =	sdelay $0x2  }
0xb9: {  	s31 =	sshll.u32 s1, $0xD;
	s1 =	sshrl.u32 s1, $0x2  }
0xba: {  	s3 =	sand.u32 $0x4000, s31;
	s1 =	sadd.s32 s1, s30  }
0xbb: {  	s0 =	sor.u32 s3, s0;
	s1 =	sshll.u32 s1, $0x11  }
0xbc: {  	s0 =	sor.u32 s1, s0  }
0xbd: {  	s0 =	sadd.s32 $0x8F2B, s0  }
0xbe: {  	[sflag:s0] =	ssyncadd.remote.s32 $0x1  }
0xbf: {  	_ =	sfence.sel $0xFFFF  }
0xc0: {  	[dreg:$0x0] =	wrdreg $0xFFFFFFFF;
	(pc) =	sbr.abs _section_cstart, $3  }
0xc1: {  	[dreg:$0x1] =	wrdreg $0xFFFFFFFF  }
0xc2: {  	_ =	task.clear_ibuf [dreg:s7], $0x2FFFF;
	_ =	strace $0x9FFFFFFF  }
0xc3: {  	(tm) =	ssettm $0x7FFFFFFF  }
tec
execute0_lowered:
.L_overlay_start_1:
0x0: {  	(tag) =	ssettag $0x1  }
0x1: {  	s1 =	rddreg [dreg:$0x0]  }
0x2: {  	s0 =	rddreg [dreg:$0x1]  }
0x3: {  	s2 =	rddreg [dreg:$0x2]  }
0x4: {  	s4 =	simm.s32 $0x0;
	s3 =	srdreg.scid;
	s12 =	stileid.u32  }
0x5: {  	s17 =	simm.s32 $0x5;
	s28 =	simm.s32 $0x4;
	s29 =	simm.s32 $0x2  }
0x6: {  	s30 =	simm.s32 $0x2880;
	s31 =	simm.s32 $0x10;
	s6 =	smul.u32 $0x14000, s12  }
0x7: {  	[smem:$0x7FF] =	sst s4;
	s3 =	sand.u32 $0x1, s3;
	s10 =	smul.u32 $0x50000, s12  }
0x8: {  	s7 =	sshll.u32 s12, $0x1;
	s8 =	sadd.s32 $0x3A00, s0;
	s11 =	smul.u32 $0x4E20, s12  }
0x9: {  	s9 =	sadd.s32 $0x17400, s0;
	s5 =	smul.u32 $0x140000, s3;
	_ =	strace $0x80000050  }
0xa: {  	s7 =	sor.u32 s3, s7;
	s18 =	ssub.s32 $0x2, s3;
	s3 =	smul.u32 $0x2710, s3  }
0xb: {  	[dreg:$0x4] =	wrdreg s9;
	s7 =	smul.u32 $0x2710, s7;
	s19 =	sshrl.u32 s18, $0x1  }
0xc: {  	s21 =	sshrl.u32 s10, $0x2;
	s5 =	sadd.s32 s6, s5;
	s20 =	ssub.s32 s18, s19  }
0xd: {  	s16 =	sadd.s32 s21, s2;
	s6 =	sshll.u32 s12, $0x6;
	s3 =	sadd.s32 s3, s11  }
0xe: {  	s18 =	simm.s32 $0x2780;
	s19 =	simm.s32 $0x80;
	s21 =	simm.s32 $0x2800  }
0xf: {  	s5 =	sshrl.u32 s5, $0x3;
	s7 =	sshrl.u32 s7, $0x3;
	s22 =	sor.u32 $0x1C06, s6  }
0x10: {  	s13 =	sadd.s32 $0x4E380, s3;
	s3 =	sadd.s32 $0x4E300, s3;
	s16 =	sshrl.u32 s16, $0x3  }
0x11: {  	s0 =	sadd.s32 s5, s0;
	s7 =	sadd.s32 s8, s7;
	[dreg:$0x5] =	wrdreg s22  }
0x12: {  	s25 =	sshrl.u32 s13, $0x3;
	s13 =	smax.u32 s20, $0x1;
	s26 =	sshrl.u32 s3, $0x3  }
0x13: {  	s20 =	simm.s32 $0x2900;
	s22 =	simm.s32 $0x6900;
	s3 =	simm.s32 $0x0  }
0x14: {  	s23 =	sadd.s32 $0x9C40, s7;
	s24 =	sadd.s32 $0x9C50, s7;
	s11 =	sadd.s32 $0xA120, s7  }
0x15: {  	s12 =	sadd.s32 $0x19C00, s0;
	s14 =	sadd.s32 s25, s8;
	s15 =	sadd.s32 s26, s8  }
0x16: {  	s25 =	simm.s32 $0x1;
	s26 =	simm.s32 $0x7;
	[dreg:$0x6] =	wrdreg s23  }
0x17: {  	[dreg:$0x7] =	wrdreg s24;
	s23 =	simm.s32 $0x6;
	s24 =	simm.s32 $0x3  }
.LBB2_1:
0x18: {  	s0 =	rddreg [dreg:$0x4]  }
0x19: {  	s5 =	rddreg [dreg:$0x5]  }
0x1a: {  	[spmem:s16], [sflag:s5] =	dma.local [hbm:s0], $0x2800  }
0x1b: {  	[tilespmem:s4], [sflag:$0x5] =	stream.linear.gather [hbm4b:s7+s4], $0x2710, $0x38;
	[tilespmem:$0x1E900] =	vst v63  }
0x1c: {  	_ =	swait.ge [sflag:s17], $0x2710  }
0x1d: {  	[sflag:s17] =	ssyncset.done $0x0  }
0x1e: {  	s10 =	rddreg [dreg:$0x6];
	[sflag:s17] =	ssyncadd.s32 $0xFFFFD8F0  }
0x1f: {  	[tilespmem:s18], [sflag:$0x3] =	stream.linear.gather [hbm4b:s10+s4], $0x80, $0x38;
	[tilespmem:$0x1E900] =	vst v63  }
0x20: {  	_ = 	snop  }
0x21: {  	[tilespmem:s20], [sflag:$0x1] =	stream.indirect.gather [hbm4b:s1+s19], $0x80, s4, s19, $0xb8;
	[tilespmem:$0x1E900] =	vst v63  }
0x22: {  	s5 =	rddreg [dreg:$0x7]  }
0x23: {  	[tilespmem:s21], [sflag:$0x4] =	stream.linear.gather [hbm4b:s5+s4], $0x80, $0x38;
	[tilespmem:$0x1E900] =	vst v63  }
0x24: {  	_ = 	snop  }
0x25: {  	[tilespmem:s22], [sflag:$0x2] =	stream.indirect.gather [hbm4b:s1+s19], $0x80, s19, s19, $0xb8;
	[tilespmem:$0x1E900] =	vst v63  }
0x26: {  	_ =	swait.ge [sflag:s23], $0x2800  }
0x27: {  	[sflag:s23] =	ssyncset.done $0x0  }
0x28: {  	[sflag:s23] =	ssyncadd.s32 $0xFFFFD800  }
0x29: {  	[bflag:$0x0] =	sbarrier.arrive $0xFFFF  }
0x2a: {  	_ =	swait.ge [sflag:s24], $0x80  }
0x2b: {  	[sflag:s24] =	ssyncset.done $0x0  }
0x2c: {  	[sflag:s24] =	ssyncadd.s32 $0xFFFFFF80  }
0x2d: {  	_ =	swait.ge [sflag:s25], $0x4000  }
0x2e: {  	[sflag:s25] =	ssyncset.done $0x0  }
0x2f: {  	[sflag:s25] =	ssyncadd.s32 $0xFFFFC000  }
0x30: {  	[spmem:s2] =	stream.indirect.scatter.add.f32 [tilespmem:s20], [sflag:$0x7], $0x80, s18, s19, $0xb8;
	[tilespmem:$0x1E900] =	vst v63  }
0x31: {  	_ =	swait.ge [sflag:s26], $0x4000  }
0x32: {  	[sflag:s26] =	ssyncset.done $0x0  }
0x33: {  	s8 =	sadd.s32 $0x0, s15;
	[sflag:s26] =	ssyncadd.s32 $0xFFFFC000  }
0x34: {  	[tilespmem:s18], [sflag:$0x3] =	stream.linear.gather [hbm4b:s8+s4], $0x80, $0x38;
	[tilespmem:$0x1E900] =	vst v63  }
0x35: {  	s9 =	simm.s32 $0x100  }
0x36: {  	[tilespmem:s20], [sflag:$0x1] =	stream.indirect.gather [hbm4b:s1+s19], $0x80, s9, s19, $0xb8;
	[tilespmem:$0x1E900] =	vst v63  }
0x37: {  	_ =	swait.ge [sflag:s28], $0x80  }
0x38: {  	[sflag:s28] =	ssyncset.done $0x0  }
0x39: {  	[sflag:s28] =	ssyncadd.s32 $0xFFFFFF80  }
0x3a: {  	_ =	swait.ge [sflag:s29], $0x4000  }
0x3b: {  	[sflag:s29] =	ssyncset.done $0x0  }
0x3c: {  	[sflag:s29] =	ssyncadd.s32 $0xFFFFC000  }
0x3d: {  	[spmem:s2] =	stream.indirect.scatter.add.f32 [tilespmem:s22], [sflag:$0x7], $0x80, s21, s19, $0xb8;
	[tilespmem:$0x1E900] =	vst v63  }
0x3e: {  	_ =	swait.ge [sflag:s26], $0x4000  }
0x3f: {  	s0 =	simm.s32 $0x180;
	s10 =	sadd.s32 $0x0, s14;
	[sflag:s26] =	ssyncset.done $0x0  }
0x40: {  	s5 =	simm.s32 $0x20;
	s8 =	simm.s32 $0x280;
	[sflag:s26] =	ssyncadd.s32 $0xFFFFC000  }
0x41: {  	[tilespmem:s21], [sflag:$0x4] =	stream.linear.gather [hbm4b:s10+s4], $0x80, $0x38;
	[tilespmem:$0x1E900] =	vst v63  }
.LBB2_2:
0x42: {  	[tilespmem:s22], [sflag:$0x2] =	stream.indirect.gather [hbm4b:s1+s19], $0x80, s0, s19, $0xb8;
	[tilespmem:$0x1E900] =	vst v63  }
0x43: {  	s9 =	smov.u32 s5;
	s0 =	smov.u32 s8  }
0x44: {  	p0 =	sne.s32 s5, $0x4A0;
	s5 =	sadd.s32 $0x20, s5;
	_ =	swait.ge [sflag:s24], $0x80  }
0x45: {  	[sflag:s24] =	ssyncset.done $0x0  }
0x46: {  	[sflag:s24] =	ssyncadd.s32 $0xFFFFFF80  }
0x47: {  	_ =	swait.ge [sflag:s25], $0x4000  }
0x48: {  	[sflag:s25] =	ssyncset.done $0x0  }
0x49: {  	[sflag:s25] =	ssyncadd.s32 $0xFFFFC000  }
0x4a: {  	[spmem:s2] =	stream.indirect.scatter.add.f32 [tilespmem:s20], [sflag:$0x7], $0x80, s18, s19, $0xb8;
	[tilespmem:$0x1E900] =	vst v63  }
0x4b: {  	_ =	swait.ge [sflag:s26], $0x4000  }
0x4c: {  	[sflag:s26] =	ssyncset.done $0x0  }
0x4d: {  	s10 =	sadd.s32 s9, s15;
	[sflag:s26] =	ssyncadd.s32 $0xFFFFC000  }
0x4e: {  	[tilespmem:s18], [sflag:$0x3] =	stream.linear.gather [hbm4b:s10+s4], $0x80, $0x38;
	[tilespmem:$0x1E900] =	vst v63  }
0x4f: {  	s10 =	sadd.s32 $0xFFFFFF80, s8  }
0x50: {  	[tilespmem:s20], [sflag:$0x1] =	stream.indirect.gather [hbm4b:s1+s19], $0x80, s10, s19, $0xb8;
	[tilespmem:$0x1E900] =	vst v63  }
0x51: {  	_ =	swait.ge [sflag:s28], $0x80  }
0x52: {  	[sflag:s28] =	ssyncset.done $0x0  }
0x53: {  	[sflag:s28] =	ssyncadd.s32 $0xFFFFFF80  }
0x54: {  	_ =	swait.ge [sflag:s29], $0x4000  }
0x55: {  	[sflag:s29] =	ssyncset.done $0x0  }
0x56: {  	[sflag:s29] =	ssyncadd.s32 $0xFFFFC000  }
0x57: {  	[spmem:s2] =	stream.indirect.scatter.add.f32 [tilespmem:s22], [sflag:$0x7], $0x80, s21, s19, $0xb8;
	[tilespmem:$0x1E900] =	vst v63  }
.Ltmp0:
0x58: {  	_ =	swait.ge [sflag:s26], $0x4000;
	(pc) =	sbr.rel @p0 .LBB2_2-.Ltmp0, $4  }
0x59: {  	[sflag:s26] =	ssyncset.done $0x0  }
0x5a: {  	s9 =	sadd.s32 s9, s14;
	[sflag:s26] =	ssyncadd.s32 $0xFFFFC000  }
0x5b: {  	[tilespmem:s21], [sflag:$0x4] =	stream.linear.gather [hbm4b:s9+s4], $0x80, $0x38;
	[tilespmem:$0x1E900] =	vst v63  }
0x5c: {  	s8 =	sadd.s32 $0x100, s8  }
0x5d: {  	[tilespmem:s22], [sflag:$0x2] =	stream.indirect.gather [hbm4b:s1+s19], $0x80, s0, s19, $0xb8;
	[tilespmem:$0x1E900] =	vst v63  }
0x5e: {  	_ =	swait.ge [sflag:s24], $0x80  }
0x5f: {  	[sflag:s24] =	ssyncset.done $0x0  }
0x60: {  	[sflag:s24] =	ssyncadd.s32 $0xFFFFFF80  }
0x61: {  	_ =	swait.ge [sflag:s25], $0x4000  }
0x62: {  	[sflag:s25] =	ssyncset.done $0x0  }
0x63: {  	[sflag:s25] =	ssyncadd.s32 $0xFFFFC000  }
0x64: {  	[spmem:s2] =	stream.indirect.scatter.add.f32 [tilespmem:s20], [sflag:$0x7], $0x80, s18, s19, $0xb8;
	[tilespmem:$0x1E900] =	vst v63  }
0x65: {  	_ =	swait.ge [sflag:s26], $0x4000  }
0x66: {  	[sflag:s26] =	ssyncset.done $0x0  }
0x67: {  	[sflag:s26] =	ssyncadd.s32 $0xFFFFC000  }
0x68: {  	_ =	swait.ge [sflag:s28], $0x80  }
0x69: {  	[sflag:s28] =	ssyncset.done $0x0  }
0x6a: {  	[sflag:s28] =	ssyncadd.s32 $0xFFFFFF80  }
0x6b: {  	_ =	swait.ge [sflag:s29], $0x4000  }
0x6c: {  	[sflag:s29] =	ssyncset.done $0x0  }
0x6d: {  	[sflag:s29] =	ssyncadd.s32 $0xFFFFC000  }
0x6e: {  	[spmem:s2] =	stream.indirect.scatter.add.f32 [tilespmem:s22], [sflag:$0x7], $0x80, s21, s19, $0xb8;
	[tilespmem:$0x1E900] =	vst v63  }
0x6f: {  	_ =	swait.ge [sflag:s26], $0x4000  }
0x70: {  	[sflag:s26] =	ssyncset.done $0x0  }
0x71: {  	[sflag:s26] =	ssyncadd.s32 $0xFFFFC000  }
0x72: {  	[tilespmem:s30], [sflag:$0x7] =	stream.linear.gather [hbm4b:s11+s4], $0x10, $0x38;
	[tilespmem:$0x1E900] =	vst v63  }
0x73: {  	_ =	swait.ge [sflag:s26], $0x10  }
0x74: {  	[sflag:s26] =	ssyncset.done $0x0  }
0x75: {  	s9 =	simm.s32 $0x2700;
	[sflag:s26] =	ssyncadd.s32 $0xFFFFFFF0  }
0x76: {  	[tilespmem:s20], [sflag:$0x7] =	stream.indirect.gather [hbm4b:s1+s31], $0x80, s9, s31, $0xb8;
	[tilespmem:$0x1E900] =	vst v63  }
0x77: {  	_ =	swait.ge [sflag:s26], $0x800  }
0x78: {  	[sflag:s26] =	ssyncset.done $0x0  }
0x79: {  	[sflag:s26] =	ssyncadd.s32 $0xFFFFF800  }
0x7a: {  	[spmem:s2] =	stream.indirect.scatter.add.f32 [tilespmem:s20], [sflag:$0x7], $0x80, s30, s31, $0xb8;
	[tilespmem:$0x1E900] =	vst v63  }
0x7b: {  	_ =	swait.ge [sflag:s26], $0x800  }
0x7c: {  	s3 =	sadd.s32 $0x1, s3;
	[sflag:s26] =	ssyncset.done $0x0  }
0x7d: {  	p0 =	sne.s32 s3, s13;
	[sflag:s26] =	ssyncadd.s32 $0xFFFFF800  }
.Ltmp1:
0x7e: {  	s10 =	sor.u32 $0x1C07, s6;
	[bflag:$0x0] =	sbarrier.arrive $0xFFFF;
	(pc) =	sbr.rel @p0 .LBB2_1-.Ltmp1, $4  }
0x7f: {  	[hbm:s12], [sflag:s10] =	dma.local [spmem:s16], $0x2800  }
0x80: {  	_ =	swait.ge [sflag:s26], $0x2800  }
0x81: {  	[sflag:s26] =	ssyncset.done $0x0  }
0x82: {  	[sflag:s26] =	ssyncadd.s32 $0xFFFFD800  }
0x83: {  	_ =	sfence.sel $0x180000  }
0x84: {  	[bflag:$0x0] =	sbarrier.arrive $0xFFFF  }
0x85: {  	_ =	strace $0x90000050  }
0x86: {  	s0 =	stileid.u32;
	[bflag:$0x2] =	sbarrier.arrive $0xFFFF  }
0x87: {  	p0 =	sne.s32 s0, $0x0;
	s0 =	rddreg [dreg:$0x3]  }
0x88: {  	s0 =	sadd.s32 @!p0 $0x100000, s0  }
0x89: {  	[sflag:s0] =	ssyncadd.tile.s32 @!p0 $0x1;
	_ =	shalt  }
.Lfunc_end2:
_tile_overlayer_lowered:
.L_overlay_start_2:
0x8a: {  	(tag) =	ssettag $0x2  }
0x8b: {  	s0 =	rddreg [dreg:$0x0];
	s2 =	stileid.u32  }
0x8c: {  	s1 =	rddreg [dreg:$0x1];
	p0 =	sne.s32 s2, $0x0  }
0x8d: {  	s3 =	rddreg [dreg:$0x2];
	[bflag:$0x3] =	sbarrier.arrive $0xFFFF;
	s2 =	simm.s32 @!p0 $0x1C07  }
0x8e: {  	[timem:s3], [sflag:s2] =	dma.local @!p0 [hbm:s0], s1  }
0x8f: {  	s0 =	simm.s32 @!p0 $0x7  }
0x90: {  	_ =	swait.ge @!p0 [sflag:s0], s1  }
0x91: {  	s1 =	ssub.s32 @!p0 $0x0, s1;
	[sflag:s0] =	ssyncset.done @!p0 $0x0  }
0x92: {  	[sflag:s0] =	ssyncadd.s32 @!p0 s1  }
0x93: {  	[bflag:$0x3] =	sbarrier.arrive $0xFFFF  }
0x94: {  	_ =	shalt  }

</sc_bundles>
